<compile_context>
chip_gen: v7x
topology: tpu7x:2x2x1
jax: 0.10.2.dev20260603
libtpu: 0.0.44.dev20260713+nightly
codegen_flags: <defaults>
</compile_context>

<pallas_src>
import functools

import jax
import jax.numpy as jnp
from jax import lax
from jax.experimental import pallas as pl
from jax.experimental.pallas import tpu as pltpu
from jax.experimental.pallas import tpu_sc as plsc

N = 256
R = N * N
NC = 2
NS = 16
NW = NC * NS
WR = R // NW
CR = 128
NCH = WR // CR
NBUF = 2


def _fix_chunk(buf, base_row):
    l = lax.iota(jnp.int32, 16)
    zero = l * 0
    one = zero + 1
    for j in range(CR // 16):
        rr = l + jnp.int32(base_row + 16 * j)
        v = plsc.load_gather(buf, [rr, one])
        plsc.store_scatter(buf, [rr, zero], v)


def _body(x_ref, o_ref, buf, in_sem, out_sem):
    wid = lax.axis_index("s") * NC + lax.axis_index("c")
    w0 = wid * WR

    def in_copy(i, s):
        return pltpu.make_async_copy(
            x_ref.at[pl.ds(w0 + i * CR, CR), :],
            buf.at[pl.ds(s * CR, CR), :],
            in_sem.at[s],
        )

    def out_copy(i, s):
        return pltpu.make_async_copy(
            buf.at[pl.ds(s * CR, CR), :],
            o_ref.at[pl.ds(w0 + i * CR, CR), :],
            out_sem.at[s],
        )

    in_copy(0, 0).start()
    for i in range(NCH):
        s = i % NBUF
        in_copy(i, s).wait()
        _fix_chunk(buf, s * CR)
        out_copy(i, s).start()
        nxt = i + 1
        if nxt < NCH:
            sn = nxt % NBUF
            if nxt >= NBUF:
                out_copy(nxt - NBUF, sn).wait()
            in_copy(nxt, sn).start()
    for k in range(max(0, NCH - NBUF), NCH):
        out_copy(k, k % NBUF).wait()


@functools.partial(jax.jit, static_argnums=())
def _sc_call(bs):
    mesh = plsc.VectorSubcoreMesh(core_axis_name="c", subcore_axis_name="s")
    f = functools.partial(
        pl.kernel,
        mesh=mesh,
        out_type=jax.ShapeDtypeStruct((R, N), jnp.float32),
        scratch_types=[
            pltpu.VMEM((NBUF * CR, N), jnp.float32),
            pltpu.SemaphoreType.DMA((NBUF,)),
            pltpu.SemaphoreType.DMA((NBUF,)),
        ],
        compiler_params=pltpu.CompilerParams(needs_layout_passes=False, use_tc_tiling_on_sc=True),
    )(_body)
    return f(bs)


def kernel(b):
    bs = b.reshape(R, N)
    out = _sc_call(bs)
    return out.reshape(1, N, N, N, 1)

# --- scband reference (transcript-rebuilt; emitter-appended) ---
"""Pipeline reference for scband-boundary-condition-source-32177894982284 (READ-ONLY COPY).

The authoritative reference and input builder live on the scoring server;
editing this copy changes nothing except your own understanding.
"""

import jax, jax.numpy as jnp
import numpy as np


def setup_inputs(seed: int = 0) -> dict:
    key = jax.random.key(seed)
    b = jax.random.normal(key, (1, 256, 256, 256, 1), dtype=jnp.float32)
    return {"b": b}


def reference(b):
    # tempb.assign(b); tempb[0, :, :, 0, 0].assign(b[0, :, :, 1, 0])
    # i.e. copy input, then overwrite the z=0 boundary plane of channel 0
    # with the z=1 plane (scatter-overwrite on a slice).
    out = b
    out = out.at[0, :, :, 0, 0].set(b[0, :, :, 1, 0])
    return out

if __name__ == "__main__":
    import jax
    _d = setup_inputs()
    print(jax.jit(kernel)(*tuple(_d.values())))

</pallas_src>

<mosaic_0001>
#map = affine_map<(d0, d1) -> (0, 0)>
module attributes {stable_mosaic.version = 14 : i64} {
  func.func @_body(%arg0: i32, %arg1: i32, %arg2: memref<65536x256xf32, #tpu.memory_space<hbm>>, %arg3: memref<65536x256xf32, #tpu.memory_space<hbm>>, %arg4: memref<256x256xf32, #tpu.memory_space<vmem>>, %arg5: memref<2x!tpu.dma_semaphore, #tpu.memory_space<semaphore_mem>>, %arg6: memref<2x!tpu.dma_semaphore, #tpu.memory_space<semaphore_mem>>) attributes {dimension_semantics = [#tpu.dimension_semantics<core_parallel>, #tpu.dimension_semantics<subcore_parallel>], iteration_bounds = array<i64: 2, 16>, scalar_prefetch = 0 : i64, scratch_operands = 3 : i64, tpu.core_type = #tpu.core_type<sc_vector_subcore>, window_params = [{transform_indices = #map}, {transform_indices = #map}]} {
    %mul3A = arith.constant 2 : i32
    %mul3A_0 = arith.muli %arg1, %mul3A : i32
    %add3A = arith.addi %mul3A_0, %arg0 : i32
    %mul3A_1 = arith.constant 2048 : i32
    %mul3A_2 = arith.muli %add3A, %mul3A_1 : i32
    %add3A_3 = arith.constant 0 : i32
    %add3A_4 = arith.addi %mul3A_2, %add3A_3 : i32
    %dma_start3A = arith.constant 0 : i32
    %dma_start3A_5 = arith.constant 0 : i32
    %dma_start3A_6 = arith.constant 0 : i32
    %dma_start3A_7 = tpu.memref_slice %arg4[%dma_start3A_5, %dma_start3A_6] : memref<256x256xf32, #tpu.memory_space<vmem>> -> memref<128x256xf32, #tpu.memory_space<vmem>>
    %dma_start3A_8 = arith.constant 0 : i32
    %dma_start3A_9 = tpu.memref_slice %arg2[%add3A_4, %dma_start3A_8] : memref<65536x256xf32, #tpu.memory_space<hbm>> -> memref<128x256xf32, #tpu.memory_space<hbm>>
    %dma_start3A_10 = tpu.memref_slice %arg5[%dma_start3A] : memref<2x!tpu.dma_semaphore, #tpu.memory_space<semaphore_mem>> -> memref<1x!tpu.dma_semaphore, #tpu.memory_space<semaphore_mem>>
    %dma_start3A_11 = tpu.memref_squeeze %dma_start3A_10 : memref<1x!tpu.dma_semaphore, #tpu.memory_space<semaphore_mem>> -> memref<!tpu.dma_semaphore, #tpu.memory_space<semaphore_mem>>
    %dma_start3A_12 = arith.constant 0 : i32
    %dma_start3A_13 = arith.constant 0 : i32
    %dma_start3A_14 = tpu.memref_slice %arg4[%dma_start3A_12, %dma_start3A_13] : memref<256x256xf32, #tpu.memory_space<vmem>> -> memref<128x256xf32, #tpu.memory_space<vmem>>
    %dma_start3A_15 = arith.constant 0 : i32
    %dma_start3A_16 = tpu.memref_slice %arg2[%add3A_4, %dma_start3A_15] : memref<65536x256xf32, #tpu.memory_space<hbm>> -> memref<128x256xf32, #tpu.memory_space<hbm>>
    tpu.enqueue_dma source(%dma_start3A_16 : memref<128x256xf32, #tpu.memory_space<hbm>>) target(%dma_start3A_14 : memref<128x256xf32, #tpu.memory_space<vmem>>) target_semaphore(%dma_start3A_11 : memref<!tpu.dma_semaphore, #tpu.memory_space<semaphore_mem>>)
    %add3A_17 = arith.constant 0 : i32
    %add3A_18 = arith.addi %mul3A_2, %add3A_17 : i32
    %dma_wait3A = arith.constant 0 : i32
    %dma_wait3A_19 = arith.constant 0 : i32
    %dma_wait3A_20 = arith.constant 0 : i32
    %dma_wait3A_21 = tpu.memref_slice %arg4[%dma_wait3A_19, %dma_wait3A_20] : memref<256x256xf32, #tpu.memory_space<vmem>> -> memref<128x256xf32, #tpu.memory_space<vmem>>
    %dma_wait3A_22 = arith.constant 0 : i32
    %dma_wait3A_23 = tpu.memref_slice %arg2[%add3A_18, %dma_wait3A_22] : memref<65536x256xf32, #tpu.memory_space<hbm>> -> memref<128x256xf32, #tpu.memory_space<hbm>>
    %dma_wait3A_24 = tpu.memref_slice %arg5[%dma_wait3A] : memref<2x!tpu.dma_semaphore, #tpu.memory_space<semaphore_mem>> -> memref<1x!tpu.dma_semaphore, #tpu.memory_space<semaphore_mem>>
    %dma_wait3A_25 = tpu.memref_squeeze %dma_wait3A_24 : memref<1x!tpu.dma_semaphore, #tpu.memory_space<semaphore_mem>> -> memref<!tpu.dma_semaphore, #tpu.memory_space<semaphore_mem>>
    %dma_wait3A_26 = arith.constant 0 : i32
    %dma_wait3A_27 = arith.constant 0 : i32
    %dma_wait3A_28 = tpu.memref_slice %arg4[%dma_wait3A_26, %dma_wait3A_27] : memref<256x256xf32, #tpu.memory_space<vmem>> -> memref<128x256xf32, #tpu.memory_space<vmem>>
    %dma_wait3A_29 = arith.constant 0 : i32
    %dma_wait3A_30 = tpu.memref_slice %arg2[%add3A_18, %dma_wait3A_29] : memref<65536x256xf32, #tpu.memory_space<hbm>> -> memref<128x256xf32, #tpu.memory_space<hbm>>
    tpu.wait_dma2 semaphore(%dma_wait3A_25 : memref<!tpu.dma_semaphore, #tpu.memory_space<semaphore_mem>>) src(%dma_wait3A_30 : memref<128x256xf32, #tpu.memory_space<hbm>>) dst(%dma_wait3A_28 : memref<128x256xf32, #tpu.memory_space<vmem>>)
    %iota3A = tpu.iota {dimensions = array<i32: 0>} : vector<16xi32>
    %mul3A_31 = arith.constant 0 : i32
    %mul3A_32 = vector.broadcast %mul3A_31 : i32 to vector<16xi32>
    %mul3A_33 = arith.muli %iota3A, %mul3A_32 : vector<16xi32>
    %add3A_34 = arith.constant 1 : i32
    %add3A_35 = vector.broadcast %add3A_34 : i32 to vector<16xi32>
    %add3A_36 = arith.addi %mul3A_33, %add3A_35 : vector<16xi32>
    %add3A_37 = arith.constant 0 : i32
    %add3A_38 = vector.broadcast %add3A_37 : i32 to vector<16xi32>
    %add3A_39 = arith.addi %iota3A, %add3A_38 : vector<16xi32>
    %gather3A = tpu.vector_load_idx %arg4[%add3A_39, %add3A_36] : memref<256x256xf32, #tpu.memory_space<vmem>>[vector<16xi32>, vector<16xi32>], vector<16xf32>,
    tpu.vector_store_idx %arg4[%add3A_39, %mul3A_33], %gather3A : memref<256x256xf32, #tpu.memory_space<vmem>>[vector<16xi32>, vector<16xi32>], vector<16xf32>,
    %add3A_40 = arith.constant 16 : i32
    %add3A_41 = vector.broadcast %add3A_40 : i32 to vector<16xi32>
    %add3A_42 = arith.addi %iota3A, %add3A_41 : vector<16xi32>
    %gather3A_43 = tpu.vector_load_idx %arg4[%add3A_42, %add3A_36] : memref<256x256xf32, #tpu.memory_space<vmem>>[vector<16xi32>, vector<16xi32>], vector<16xf32>,
    tpu.vector_store_idx %arg4[%add3A_42, %mul3A_33], %gather3A_43 : memref<256x256xf32, #tpu.memory_space<vmem>>[vector<16xi32>, vector<16xi32>], vector<16xf32>,
    %add3A_44 = arith.constant 32 : i32
    %add3A_45 = vector.broadcast %add3A_44 : i32 to vector<16xi32>
    %add3A_46 = arith.addi %iota3A, %add3A_45 : vector<16xi32>
    %gather3A_47 = tpu.vector_load_idx %arg4[%add3A_46, %add3A_36] : memref<256x256xf32, #tpu.memory_space<vmem>>[vector<16xi32>, vector<16xi32>], vector<16xf32>,
    tpu.vector_store_idx %arg4[%add3A_46, %mul3A_33], %gather3A_47 : memref<256x256xf32, #tpu.memory_space<vmem>>[vector<16xi32>, vector<16xi32>], vector<16xf32>,
    %add3A_48 = arith.constant 48 : i32
    %add3A_49 = vector.broadcast %add3A_48 : i32 to vector<16xi32>
    %add3A_50 = arith.addi %iota3A, %add3A_49 : vector<16xi32>
    %gather3A_51 = tpu.vector_load_idx %arg4[%add3A_50, %add3A_36] : memref<256x256xf32, #tpu.memory_space<vmem>>[vector<16xi32>, vector<16xi32>], vector<16xf32>,
    tpu.vector_store_idx %arg4[%add3A_50, %mul3A_33], %gather3A_51 : memref<256x256xf32, #tpu.memory_space<vmem>>[vector<16xi32>, vector<16xi32>], vector<16xf32>,
    %add3A_52 = arith.constant 64 : i32
    %add3A_53 = vector.broadcast %add3A_52 : i32 to vector<16xi32>
    %add3A_54 = arith.addi %iota3A, %add3A_53 : vector<16xi32>
    %gather3A_55 = tpu.vector_load_idx %arg4[%add3A_54, %add3A_36] : memref<256x256xf32, #tpu.memory_space<vmem>>[vector<16xi32>, vector<16xi32>], vector<16xf32>,
    tpu.vector_store_idx %arg4[%add3A_54, %mul3A_33], %gather3A_55 : memref<256x256xf32, #tpu.memory_space<vmem>>[vector<16xi32>, vector<16xi32>], vector<16xf32>,
    %add3A_56 = arith.constant 80 : i32
    %add3A_57 = vector.broadcast %add3A_56 : i32 to vector<16xi32>
    %add3A_58 = arith.addi %iota3A, %add3A_57 : vector<16xi32>
    %gather3A_59 = tpu.vector_load_idx %arg4[%add3A_58, %add3A_36] : memref<256x256xf32, #tpu.memory_space<vmem>>[vector<16xi32>, vector<16xi32>], vector<16xf32>,
    tpu.vector_store_idx %arg4[%add3A_58, %mul3A_33], %gather3A_59 : memref<256x256xf32, #tpu.memory_space<vmem>>[vector<16xi32>, vector<16xi32>], vector<16xf32>,
    %add3A_60 = arith.constant 96 : i32
    %add3A_61 = vector.broadcast %add3A_60 : i32 to vector<16xi32>
    %add3A_62 = arith.addi %iota3A, %add3A_61 : vector<16xi32>
    %gather3A_63 = tpu.vector_load_idx %arg4[%add3A_62, %add3A_36] : memref<256x256xf32, #tpu.memory_space<vmem>>[vector<16xi32>, vector<16xi32>], vector<16xf32>,
    tpu.vector_store_idx %arg4[%add3A_62, %mul3A_33], %gather3A_63 : memref<256x256xf32, #tpu.memory_space<vmem>>[vector<16xi32>, vector<16xi32>], vector<16xf32>,
    %add3A_64 = arith.constant 112 : i32
    %add3A_65 = vector.broadcast %add3A_64 : i32 to vector<16xi32>
    %add3A_66 = arith.addi %iota3A, %add3A_65 : vector<16xi32>
    %gather3A_67 = tpu.vector_load_idx %arg4[%add3A_66, %add3A_36] : memref<256x256xf32, #tpu.memory_space<vmem>>[vector<16xi32>, vector<16xi32>], vector<16xf32>,
    tpu.vector_store_idx %arg4[%add3A_66, %mul3A_33], %gather3A_67 : memref<256x256xf32, #tpu.memory_space<vmem>>[vector<16xi32>, vector<16xi32>], vector<16xf32>,
    %add3A_68 = arith.constant 0 : i32
    %add3A_69 = arith.addi %mul3A_2, %add3A_68 : i32
    %dma_start3A_70 = arith.constant 0 : i32
    %dma_start3A_71 = arith.constant 0 : i32
    %dma_start3A_72 = arith.constant 0 : i32
    %dma_start3A_73 = tpu.memref_slice %arg4[%dma_start3A_71, %dma_start3A_72] : memref<256x256xf32, #tpu.memory_space<vmem>> -> memref<128x256xf32, #tpu.memory_space<vmem>>
    %dma_start3A_74 = arith.constant 0 : i32
    %dma_start3A_75 = tpu.memref_slice %arg3[%add3A_69, %dma_start3A_74] : memref<65536x256xf32, #tpu.memory_space<hbm>> -> memref<128x256xf32, #tpu.memory_space<hbm>>
    %dma_start3A_76 = tpu.memref_slice %arg6[%dma_start3A_70] : memref<2x!tpu.dma_semaphore, #tpu.memory_space<semaphore_mem>> -> memref<1x!tpu.dma_semaphore, #tpu.memory_space<semaphore_mem>>
    %dma_start3A_77 = tpu.memref_squeeze %dma_start3A_76 : memref<1x!tpu.dma_semaphore, #tpu.memory_space<semaphore_mem>> -> memref<!tpu.dma_semaphore, #tpu.memory_space<semaphore_mem>>
    %dma_start3A_78 = arith.constant 0 : i32
    %dma_start3A_79 = tpu.memref_slice %arg3[%add3A_69, %dma_start3A_78] : memref<65536x256xf32, #tpu.memory_space<hbm>> -> memref<128x256xf32, #tpu.memory_space<hbm>>
    %dma_start3A_80 = arith.constant 0 : i32
    %dma_start3A_81 = arith.constant 0 : i32
    %dma_start3A_82 = tpu.memref_slice %arg4[%dma_start3A_80, %dma_start3A_81] : memref<256x256xf32, #tpu.memory_space<vmem>> -> memref<128x256xf32, #tpu.memory_space<vmem>>
    tpu.enqueue_dma source(%dma_start3A_82 : memref<128x256xf32, #tpu.memory_space<vmem>>) target(%dma_start3A_79 : memref<128x256xf32, #tpu.memory_space<hbm>>) target_semaphore(%dma_start3A_77 : memref<!tpu.dma_semaphore, #tpu.memory_space<semaphore_mem>>)
    %add3A_83 = arith.constant 128 : i32
    %add3A_84 = arith.addi %mul3A_2, %add3A_83 : i32
    %dma_start3A_85 = arith.constant 1 : i32
    %dma_start3A_86 = arith.constant 128 : i32
    %dma_start3A_87 = arith.constant 0 : i32
    %dma_start3A_88 = tpu.memref_slice %arg4[%dma_start3A_86, %dma_start3A_87] : memref<256x256xf32, #tpu.memory_space<vmem>> -> memref<128x256xf32, #tpu.memory_space<vmem>>
    %dma_start3A_89 = arith.constant 0 : i32
    %dma_start3A_90 = tpu.memref_slice %arg2[%add3A_84, %dma_start3A_89] : memref<65536x256xf32, #tpu.memory_space<hbm>> -> memref<128x256xf32, #tpu.memory_space<hbm>>
    %dma_start3A_91 = tpu.memref_slice %arg5[%dma_start3A_85] : memref<2x!tpu.dma_semaphore, #tpu.memory_space<semaphore_mem>> -> memref<1x!tpu.dma_semaphore, #tpu.memory_space<semaphore_mem>>
    %dma_start3A_92 = tpu.memref_squeeze %dma_start3A_91 : memref<1x!tpu.dma_semaphore, #tpu.memory_space<semaphore_mem>> -> memref<!tpu.dma_semaphore, #tpu.memory_space<semaphore_mem>>
    %dma_start3A_93 = arith.constant 128 : i32
    %dma_start3A_94 = arith.constant 0 : i32
    %dma_start3A_95 = tpu.memref_slice %arg4[%dma_start3A_93, %dma_start3A_94] : memref<256x256xf32, #tpu.memory_space<vmem>> -> memref<128x256xf32, #tpu.memory_space<vmem>>
    %dma_start3A_96 = arith.constant 0 : i32
    %dma_start3A_97 = tpu.memref_slice %arg2[%add3A_84, %dma_start3A_96] : memref<65536x256xf32, #tpu.memory_space<hbm>> -> memref<128x256xf32, #tpu.memory_space<hbm>>
    tpu.enqueue_dma source(%dma_start3A_97 : memref<128x256xf32, #tpu.memory_space<hbm>>) target(%dma_start3A_95 : memref<128x256xf32, #tpu.memory_space<vmem>>) target_semaphore(%dma_start3A_92 : memref<!tpu.dma_semaphore, #tpu.memory_space<semaphore_mem>>)
    %add3A_98 = arith.constant 128 : i32
    %add3A_99 = arith.addi %mul3A_2, %add3A_98 : i32
    %dma_wait3A_100 = arith.constant 1 : i32
    %dma_wait3A_101 = arith.constant 128 : i32
    %dma_wait3A_102 = arith.constant 0 : i32
    %dma_wait3A_103 = tpu.memref_slice %arg4[%dma_wait3A_101, %dma_wait3A_102] : memref<256x256xf32, #tpu.memory_space<vmem>> -> memref<128x256xf32, #tpu.memory_space<vmem>>
    %dma_wait3A_104 = arith.constant 0 : i32
    %dma_wait3A_105 = tpu.memref_slice %arg2[%add3A_99, %dma_wait3A_104] : memref<65536x256xf32, #tpu.memory_space<hbm>> -> memref<128x256xf32, #tpu.memory_space<hbm>>
    %dma_wait3A_106 = tpu.memref_slice %arg5[%dma_wait3A_100] : memref<2x!tpu.dma_semaphore, #tpu.memory_space<semaphore_mem>> -> memref<1x!tpu.dma_semaphore, #tpu.memory_space<semaphore_mem>>
    %dma_wait3A_107 = tpu.memref_squeeze %dma_wait3A_106 : memref<1x!tpu.dma_semaphore, #tpu.memory_space<semaphore_mem>> -> memref<!tpu.dma_semaphore, #tpu.memory_space<semaphore_mem>>
    %dma_wait3A_108 = arith.constant 128 : i32
    %dma_wait3A_109 = arith.constant 0 : i32
    %dma_wait3A_110 = tpu.memref_slice %arg4[%dma_wait3A_108, %dma_wait3A_109] : memref<256x256xf32, #tpu.memory_space<vmem>> -> memref<128x256xf32, #tpu.memory_space<vmem>>
    %dma_wait3A_111 = arith.constant 0 : i32
    %dma_wait3A_112 = tpu.memref_slice %arg2[%add3A_99, %dma_wait3A_111] : memref<65536x256xf32, #tpu.memory_space<hbm>> -> memref<128x256xf32, #tpu.memory_space<hbm>>
    tpu.wait_dma2 semaphore(%dma_wait3A_107 : memref<!tpu.dma_semaphore, #tpu.memory_space<semaphore_mem>>) src(%dma_wait3A_112 : memref<128x256xf32, #tpu.memory_space<hbm>>) dst(%dma_wait3A_110 : memref<128x256xf32, #tpu.memory_space<vmem>>)
    %iota3A_113 = tpu.iota {dimensions = array<i32: 0>} : vector<16xi32>
    %mul3A_114 = arith.constant 0 : i32
    %mul3A_115 = vector.broadcast %mul3A_114 : i32 to vector<16xi32>
    %mul3A_116 = arith.muli %iota3A_113, %mul3A_115 : vector<16xi32>
    %add3A_117 = arith.constant 1 : i32
    %add3A_118 = vector.broadcast %add3A_117 : i32 to vector<16xi32>
    %add3A_119 = arith.addi %mul3A_116, %add3A_118 : vector<16xi32>
    %add3A_120 = arith.constant 128 : i32
    %add3A_121 = vector.broadcast %add3A_120 : i32 to vector<16xi32>
    %add3A_122 = arith.addi %iota3A_113, %add3A_121 : vector<16xi32>
    %gather3A_123 = tpu.vector_load_idx %arg4[%add3A_122, %add3A_119] : memref<256x256xf32, #tpu.memory_space<vmem>>[vector<16xi32>, vector<16xi32>], vector<16xf32>,
    tpu.vector_store_idx %arg4[%add3A_122, %mul3A_116], %gather3A_123 : memref<256x256xf32, #tpu.memory_space<vmem>>[vector<16xi32>, vector<16xi32>], vector<16xf32>,
    %add3A_124 = arith.constant 144 : i32
    %add3A_125 = vector.broadcast %add3A_124 : i32 to vector<16xi32>
    %add3A_126 = arith.addi %iota3A_113, %add3A_125 : vector<16xi32>
    %gather3A_127 = tpu.vector_load_idx %arg4[%add3A_126, %add3A_119] : memref<256x256xf32, #tpu.memory_space<vmem>>[vector<16xi32>, vector<16xi32>], vector<16xf32>,
    tpu.vector_store_idx %arg4[%add3A_126, %mul3A_116], %gather3A_127 : memref<256x256xf32, #tpu.memory_space<vmem>>[vector<16xi32>, vector<16xi32>], vector<16xf32>,
    %add3A_128 = arith.constant 160 : i32
    %add3A_129 = vector.broadcast %add3A_128 : i32 to vector<16xi32>
    %add3A_130 = arith.addi %iota3A_113, %add3A_129 : vector<16xi32>
    %gather3A_131 = tpu.vector_load_idx %arg4[%add3A_130, %add3A_119] : memref<256x256xf32, #tpu.memory_space<vmem>>[vector<16xi32>, vector<16xi32>], vector<16xf32>,
    tpu.vector_store_idx %arg4[%add3A_130, %mul3A_116], %gather3A_131 : memref<256x256xf32, #tpu.memory_space<vmem>>[vector<16xi32>, vector<16xi32>], vector<16xf32>,
    %add3A_132 = arith.constant 176 : i32
    %add3A_133 = vector.broadcast %add3A_132 : i32 to vector<16xi32>
    %add3A_134 = arith.addi %iota3A_113, %add3A_133 : vector<16xi32>
    %gather3A_135 = tpu.vector_load_idx %arg4[%add3A_134, %add3A_119] : memref<256x256xf32, #tpu.memory_space<vmem>>[vector<16xi32>, vector<16xi32>], vector<16xf32>,
    tpu.vector_store_idx %arg4[%add3A_134, %mul3A_116], %gather3A_135 : memref<256x256xf32, #tpu.memory_space<vmem>>[vector<16xi32>, vector<16xi32>], vector<16xf32>,
    %add3A_136 = arith.constant 192 : i32
    %add3A_137 = vector.broadcast %add3A_136 : i32 to vector<16xi32>
    %add3A_138 = arith.addi %iota3A_113, %add3A_137 : vector<16xi32>
    %gather3A_139 = tpu.vector_load_idx %arg4[%add3A_138, %add3A_119] : memref<256x256xf32, #tpu.memory_space<vmem>>[vector<16xi32>, vector<16xi32>], vector<16xf32>,
    tpu.vector_store_idx %arg4[%add3A_138, %mul3A_116], %gather3A_139 : memref<256x256xf32, #tpu.memory_space<vmem>>[vector<16xi32>, vector<16xi32>], vector<16xf32>,
    %add3A_140 = arith.constant 208 : i32
    %add3A_141 = vector.broadcast %add3A_140 : i32 to vector<16xi32>
    %add3A_142 = arith.addi %iota3A_113, %add3A_141 : vector<16xi32>
    %gather3A_143 = tpu.vector_load_idx %arg4[%add3A_142, %add3A_119] : memref<256x256xf32, #tpu.memory_space<vmem>>[vector<16xi32>, vector<16xi32>], vector<16xf32>,
    tpu.vector_store_idx %arg4[%add3A_142, %mul3A_116], %gather3A_143 : memref<256x256xf32, #tpu.memory_space<vmem>>[vector<16xi32>, vector<16xi32>], vector<16xf32>,
    %add3A_144 = arith.constant 224 : i32
    %add3A_145 = vector.broadcast %add3A_144 : i32 to vector<16xi32>
    %add3A_146 = arith.addi %iota3A_113, %add3A_145 : vector<16xi32>
    %gather3A_147 = tpu.vector_load_idx %arg4[%add3A_146, %add3A_119] : memref<256x256xf32, #tpu.memory_space<vmem>>[vector<16xi32>, vector<16xi32>], vector<16xf32>,
    tpu.vector_store_idx %arg4[%add3A_146, %mul3A_116], %gather3A_147 : memref<256x256xf32, #tpu.memory_space<vmem>>[vector<16xi32>, vector<16xi32>], vector<16xf32>,
    %add3A_148 = arith.constant 240 : i32
    %add3A_149 = vector.broadcast %add3A_148 : i32 to vector<16xi32>
    %add3A_150 = arith.addi %iota3A_113, %add3A_149 : vector<16xi32>
    %gather3A_151 = tpu.vector_load_idx %arg4[%add3A_150, %add3A_119] : memref<256x256xf32, #tpu.memory_space<vmem>>[vector<16xi32>, vector<16xi32>], vector<16xf32>,
    tpu.vector_store_idx %arg4[%add3A_150, %mul3A_116], %gather3A_151 : memref<256x256xf32, #tpu.memory_space<vmem>>[vector<16xi32>, vector<16xi32>], vector<16xf32>,
    %add3A_152 = arith.constant 128 : i32
    %add3A_153 = arith.addi %mul3A_2, %add3A_152 : i32
    %dma_start3A_154 = arith.constant 1 : i32
    %dma_start3A_155 = arith.constant 128 : i32
    %dma_start3A_156 = arith.constant 0 : i32
    %dma_start3A_157 = tpu.memref_slice %arg4[%dma_start3A_155, %dma_start3A_156] : memref<256x256xf32, #tpu.memory_space<vmem>> -> memref<128x256xf32, #tpu.memory_space<vmem>>
    %dma_start3A_158 = arith.constant 0 : i32
    %dma_start3A_159 = tpu.memref_slice %arg3[%add3A_153, %dma_start3A_158] : memref<65536x256xf32, #tpu.memory_space<hbm>> -> memref<128x256xf32, #tpu.memory_space<hbm>>
    %dma_start3A_160 = tpu.memref_slice %arg6[%dma_start3A_154] : memref<2x!tpu.dma_semaphore, #tpu.memory_space<semaphore_mem>> -> memref<1x!tpu.dma_semaphore, #tpu.memory_space<semaphore_mem>>
    %dma_start3A_161 = tpu.memref_squeeze %dma_start3A_160 : memref<1x!tpu.dma_semaphore, #tpu.memory_space<semaphore_mem>> -> memref<!tpu.dma_semaphore, #tpu.memory_space<semaphore_mem>>
    %dma_start3A_162 = arith.constant 0 : i32
    %dma_start3A_163 = tpu.memref_slice %arg3[%add3A_153, %dma_start3A_162] : memref<65536x256xf32, #tpu.memory_space<hbm>> -> memref<128x256xf32, #tpu.memory_space<hbm>>
    %dma_start3A_164 = arith.constant 128 : i32
    %dma_start3A_165 = arith.constant 0 : i32
    %dma_start3A_166 = tpu.memref_slice %arg4[%dma_start3A_164, %dma_start3A_165] : memref<256x256xf32, #tpu.memory_space<vmem>> -> memref<128x256xf32, #tpu.memory_space<vmem>>
    tpu.enqueue_dma source(%dma_start3A_166 : memref<128x256xf32, #tpu.memory_space<vmem>>) target(%dma_start3A_163 : memref<128x256xf32, #tpu.memory_space<hbm>>) target_semaphore(%dma_start3A_161 : memref<!tpu.dma_semaphore, #tpu.memory_space<semaphore_mem>>)
    %add3A_167 = arith.constant 0 : i32
    %add3A_168 = arith.addi %mul3A_2, %add3A_167 : i32
    %dma_wait3A_169 = arith.constant 0 : i32
    %dma_wait3A_170 = arith.constant 0 : i32
    %dma_wait3A_171 = arith.constant 0 : i32
    %dma_wait3A_172 = tpu.memref_slice %arg4[%dma_wait3A_170, %dma_wait3A_171] : memref<256x256xf32, #tpu.memory_space<vmem>> -> memref<128x256xf32, #tpu.memory_space<vmem>>
    %dma_wait3A_173 = arith.constant 0 : i32
    %dma_wait3A_174 = tpu.memref_slice %arg3[%add3A_168, %dma_wait3A_173] : memref<65536x256xf32, #tpu.memory_space<hbm>> -> memref<128x256xf32, #tpu.memory_space<hbm>>
    %dma_wait3A_175 = tpu.memref_slice %arg6[%dma_wait3A_169] : memref<2x!tpu.dma_semaphore, #tpu.memory_space<semaphore_mem>> -> memref<1x!tpu.dma_semaphore, #tpu.memory_space<semaphore_mem>>
    %dma_wait3A_176 = tpu.memref_squeeze %dma_wait3A_175 : memref<1x!tpu.dma_semaphore, #tpu.memory_space<semaphore_mem>> -> memref<!tpu.dma_semaphore, #tpu.memory_space<semaphore_mem>>
    %dma_wait3A_177 = arith.constant 0 : i32
    %dma_wait3A_178 = tpu.memref_slice %arg3[%add3A_168, %dma_wait3A_177] : memref<65536x256xf32, #tpu.memory_space<hbm>> -> memref<128x256xf32, #tpu.memory_space<hbm>>
    %dma_wait3A_179 = arith.constant 0 : i32
    %dma_wait3A_180 = arith.constant 0 : i32
    %dma_wait3A_181 = tpu.memref_slice %arg4[%dma_wait3A_179, %dma_wait3A_180] : memref<256x256xf32, #tpu.memory_space<vmem>> -> memref<128x256xf32, #tpu.memory_space<vmem>>
    tpu.wait_dma2 semaphore(%dma_wait3A_176 : memref<!tpu.dma_semaphore, #tpu.memory_space<semaphore_mem>>) src(%dma_wait3A_181 : memref<128x256xf32, #tpu.memory_space<vmem>>) dst(%dma_wait3A_178 : memref<128x256xf32, #tpu.memory_space<hbm>>)
    %add3A_182 = arith.constant 256 : i32
    %add3A_183 = arith.addi %mul3A_2, %add3A_182 : i32
    %dma_start3A_184 = arith.constant 0 : i32
    %dma_start3A_185 = arith.constant 0 : i32
    %dma_start3A_186 = arith.constant 0 : i32
    %dma_start3A_187 = tpu.memref_slice %arg4[%dma_start3A_185, %dma_start3A_186] : memref<256x256xf32, #tpu.memory_space<vmem>> -> memref<128x256xf32, #tpu.memory_space<vmem>>
    %dma_start3A_188 = arith.constant 0 : i32
    %dma_start3A_189 = tpu.memref_slice %arg2[%add3A_183, %dma_start3A_188] : memref<65536x256xf32, #tpu.memory_space<hbm>> -> memref<128x256xf32, #tpu.memory_space<hbm>>
    %dma_start3A_190 = tpu.memref_slice %arg5[%dma_start3A_184] : memref<2x!tpu.dma_semaphore, #tpu.memory_space<semaphore_mem>> -> memref<1x!tpu.dma_semaphore, #tpu.memory_space<semaphore_mem>>
    %dma_start3A_191 = tpu.memref_squeeze %dma_start3A_190 : memref<1x!tpu.dma_semaphore, #tpu.memory_space<semaphore_mem>> -> memref<!tpu.dma_semaphore, #tpu.memory_space<semaphore_mem>>
    %dma_start3A_192 = arith.constant 0 : i32
    %dma_start3A_193 = arith.constant 0 : i32
    %dma_start3A_194 = tpu.memref_slice %arg4[%dma_start3A_192, %dma_start3A_193] : memref<256x256xf32, #tpu.memory_space<vmem>> -> memref<128x256xf32, #tpu.memory_space<vmem>>
    %dma_start3A_195 = arith.constant 0 : i32
    %dma_start3A_196 = tpu.memref_slice %arg2[%add3A_183, %dma_start3A_195] : memref<65536x256xf32, #tpu.memory_space<hbm>> -> memref<128x256xf32, #tpu.memory_space<hbm>>
    tpu.enqueue_dma source(%dma_start3A_196 : memref<128x256xf32, #tpu.memory_space<hbm>>) target(%dma_start3A_194 : memref<128x256xf32, #tpu.memory_space<vmem>>) target_semaphore(%dma_start3A_191 : memref<!tpu.dma_semaphore, #tpu.memory_space<semaphore_mem>>)
    %add3A_197 = arith.constant 256 : i32
    %add3A_198 = arith.addi %mul3A_2, %add3A_197 : i32
    %dma_wait3A_199 = arith.constant 0 : i32
    %dma_wait3A_200 = arith.constant 0 : i32
    %dma_wait3A_201 = arith.constant 0 : i32
    %dma_wait3A_202 = tpu.memref_slice %arg4[%dma_wait3A_200, %dma_wait3A_201] : memref<256x256xf32, #tpu.memory_space<vmem>> -> memref<128x256xf32, #tpu.memory_space<vmem>>
    %dma_wait3A_203 = arith.constant 0 : i32
    %dma_wait3A_204 = tpu.memref_slice %arg2[%add3A_198, %dma_wait3A_203] : memref<65536x256xf32, #tpu.memory_space<hbm>> -> memref<128x256xf32, #tpu.memory_space<hbm>>
    %dma_wait3A_205 = tpu.memref_slice %arg5[%dma_wait3A_199] : memref<2x!tpu.dma_semaphore, #tpu.memory_space<semaphore_mem>> -> memref<1x!tpu.dma_semaphore, #tpu.memory_space<semaphore_mem>>
    %dma_wait3A_206 = tpu.memref_squeeze %dma_wait3A_205 : memref<1x!tpu.dma_semaphore, #tpu.memory_space<semaphore_mem>> -> memref<!tpu.dma_semaphore, #tpu.memory_space<semaphore_mem>>
    %dma_wait3A_207 = arith.constant 0 : i32
    %dma_wait3A_208 = arith.constant 0 : i32
    %dma_wait3A_209 = tpu.memref_slice %arg4[%dma_wait3A_207, %dma_wait3A_208] : memref<256x256xf32, #tpu.memory_space<vmem>> -> memref<128x256xf32, #tpu.memory_space<vmem>>
    %dma_wait3A_210 = arith.constant 0 : i32
    %dma_wait3A_211 = tpu.memref_slice %arg2[%add3A_198, %dma_wait3A_210] : memref<65536x256xf32, #tpu.memory_space<hbm>> -> memref<128x256xf32, #tpu.memory_space<hbm>>
    tpu.wait_dma2 semaphore(%dma_wait3A_206 : memref<!tpu.dma_semaphore, #tpu.memory_space<semaphore_mem>>) src(%dma_wait3A_211 : memref<128x256xf32, #tpu.memory_space<hbm>>) dst(%dma_wait3A_209 : memref<128x256xf32, #tpu.memory_space<vmem>>)
    %iota3A_212 = tpu.iota {dimensions = array<i32: 0>} : vector<16xi32>
    %mul3A_213 = arith.constant 0 : i32
    %mul3A_214 = vector.broadcast %mul3A_213 : i32 to vector<16xi32>
    %mul3A_215 = arith.muli %iota3A_212, %mul3A_214 : vector<16xi32>
    %add3A_216 = arith.constant 1 : i32
    %add3A_217 = vector.broadcast %add3A_216 : i32 to vector<16xi32>
    %add3A_218 = arith.addi %mul3A_215, %add3A_217 : vector<16xi32>
    %add3A_219 = arith.constant 0 : i32
    %add3A_220 = vector.broadcast %add3A_219 : i32 to vector<16xi32>
    %add3A_221 = arith.addi %iota3A_212, %add3A_220 : vector<16xi32>
    %gather3A_222 = tpu.vector_load_idx %arg4[%add3A_221, %add3A_218] : memref<256x256xf32, #tpu.memory_space<vmem>>[vector<16xi32>, vector<16xi32>], vector<16xf32>,
    tpu.vector_store_idx %arg4[%add3A_221, %mul3A_215], %gather3A_222 : memref<256x256xf32, #tpu.memory_space<vmem>>[vector<16xi32>, vector<16xi32>], vector<16xf32>,
    %add3A_223 = arith.constant 16 : i32
    %add3A_224 = vector.broadcast %add3A_223 : i32 to vector<16xi32>
    %add3A_225 = arith.addi %iota3A_212, %add3A_224 : vector<16xi32>
    %gather3A_226 = tpu.vector_load_idx %arg4[%add3A_225, %add3A_218] : memref<256x256xf32, #tpu.memory_space<vmem>>[vector<16xi32>, vector<16xi32>], vector<16xf32>,
    tpu.vector_store_idx %arg4[%add3A_225, %mul3A_215], %gather3A_226 : memref<256x256xf32, #tpu.memory_space<vmem>>[vector<16xi32>, vector<16xi32>], vector<16xf32>,
    %add3A_227 = arith.constant 32 : i32
    %add3A_228 = vector.broadcast %add3A_227 : i32 to vector<16xi32>
    %add3A_229 = arith.addi %iota3A_212, %add3A_228 : vector<16xi32>
    %gather3A_230 = tpu.vector_load_idx %arg4[%add3A_229, %add3A_218] : memref<256x256xf32, #tpu.memory_space<vmem>>[vector<16xi32>, vector<16xi32>], vector<16xf32>,
    tpu.vector_store_idx %arg4[%add3A_229, %mul3A_215], %gather3A_230 : memref<256x256xf32, #tpu.memory_space<vmem>>[vector<16xi32>, vector<16xi32>], vector<16xf32>,
    %add3A_231 = arith.constant 48 : i32
    %add3A_232 = vector.broadcast %add3A_231 : i32 to vector<16xi32>
    %add3A_233 = arith.addi %iota3A_212, %add3A_232 : vector<16xi32>
    %gather3A_234 = tpu.vector_load_idx %arg4[%add3A_233, %add3A_218] : memref<256x256xf32, #tpu.memory_space<vmem>>[vector<16xi32>, vector<16xi32>], vector<16xf32>,
    tpu.vector_store_idx %arg4[%add3A_233, %mul3A_215], %gather3A_234 : memref<256x256xf32, #tpu.memory_space<vmem>>[vector<16xi32>, vector<16xi32>], vector<16xf32>,
    %add3A_235 = arith.constant 64 : i32
    %add3A_236 = vector.broadcast %add3A_235 : i32 to vector<16xi32>
    %add3A_237 = arith.addi %iota3A_212, %add3A_236 : vector<16xi32>
    %gather3A_238 = tpu.vector_load_idx %arg4[%add3A_237, %add3A_218] : memref<256x256xf32, #tpu.memory_space<vmem>>[vector<16xi32>, vector<16xi32>], vector<16xf32>,
    tpu.vector_store_idx %arg4[%add3A_237, %mul3A_215], %gather3A_238 : memref<256x256xf32, #tpu.memory_space<vmem>>[vector<16xi32>, vector<16xi32>], vector<16xf32>,
    %add3A_239 = arith.constant 80 : i32
    %add3A_240 = vector.broadcast %add3A_239 : i32 to vector<16xi32>
    %add3A_241 = arith.addi %iota3A_212, %add3A_240 : vector<16xi32>
    %gather3A_242 = tpu.vector_load_idx %arg4[%add3A_241, %add3A_218] : memref<256x256xf32, #tpu.memory_space<vmem>>[vector<16xi32>, vector<16xi32>], vector<16xf32>,
    tpu.vector_store_idx %arg4[%add3A_241, %mul3A_215], %gather3A_242 : memref<256x256xf32, #tpu.memory_space<vmem>>[vector<16xi32>, vector<16xi32>], vector<16xf32>,
    %add3A_243 = arith.constant 96 : i32
    %add3A_244 = vector.broadcast %add3A_243 : i32 to vector<16xi32>
    %add3A_245 = arith.addi %iota3A_212, %add3A_244 : vector<16xi32>
    %gather3A_246 = tpu.vector_load_idx %arg4[%add3A_245, %add3A_218] : memref<256x256xf32, #tpu.memory_space<vmem>>[vector<16xi32>, vector<16xi32>], vector<16xf32>,
    tpu.vector_store_idx %arg4[%add3A_245, %mul3A_215], %gather3A_246 : memref<256x256xf32, #tpu.memory_space<vmem>>[vector<16xi32>, vector<16xi32>], vector<16xf32>,
    %add3A_247 = arith.constant 112 : i32
    %add3A_248 = vector.broadcast %add3A_247 : i32 to vector<16xi32>
    %add3A_249 = arith.addi %iota3A_212, %add3A_248 : vector<16xi32>
    %gather3A_250 = tpu.vector_load_idx %arg4[%add3A_249, %add3A_218] : memref<256x256xf32, #tpu.memory_space<vmem>>[vector<16xi32>, vector<16xi32>], vector<16xf32>,
    tpu.vector_store_idx %arg4[%add3A_249, %mul3A_215], %gather3A_250 : memref<256x256xf32, #tpu.memory_space<vmem>>[vector<16xi32>, vector<16xi32>], vector<16xf32>,
    %add3A_251 = arith.constant 256 : i32
    %add3A_252 = arith.addi %mul3A_2, %add3A_251 : i32
    %dma_start3A_253 = arith.constant 0 : i32
    %dma_start3A_254 = arith.constant 0 : i32
    %dma_start3A_255 = arith.constant 0 : i32
    %dma_start3A_256 = tpu.memref_slice %arg4[%dma_start3A_254, %dma_start3A_255] : memref<256x256xf32, #tpu.memory_space<vmem>> -> memref<128x256xf32, #tpu.memory_space<vmem>>
    %dma_start3A_257 = arith.constant 0 : i32
    %dma_start3A_258 = tpu.memref_slice %arg3[%add3A_252, %dma_start3A_257] : memref<65536x256xf32, #tpu.memory_space<hbm>> -> memref<128x256xf32, #tpu.memory_space<hbm>>
    %dma_start3A_259 = tpu.memref_slice %arg6[%dma_start3A_253] : memref<2x!tpu.dma_semaphore, #tpu.memory_space<semaphore_mem>> -> memref<1x!tpu.dma_semaphore, #tpu.memory_space<semaphore_mem>>
    %dma_start3A_260 = tpu.memref_squeeze %dma_start3A_259 : memref<1x!tpu.dma_semaphore, #tpu.memory_space<semaphore_mem>> -> memref<!tpu.dma_semaphore, #tpu.memory_space<semaphore_mem>>
    %dma_start3A_261 = arith.constant 0 : i32
    %dma_start3A_262 = tpu.memref_slice %arg3[%add3A_252, %dma_start3A_261] : memref<65536x256xf32, #tpu.memory_space<hbm>> -> memref<128x256xf32, #tpu.memory_space<hbm>>
    %dma_start3A_263 = arith.constant 0 : i32
    %dma_start3A_264 = arith.constant 0 : i32
    %dma_start3A_265 = tpu.memref_slice %arg4[%dma_start3A_263, %dma_start3A_264] : memref<256x256xf32, #tpu.memory_space<vmem>> -> memref<128x256xf32, #tpu.memory_space<vmem>>
    tpu.enqueue_dma source(%dma_start3A_265 : memref<128x256xf32, #tpu.memory_space<vmem>>) target(%dma_start3A_262 : memref<128x256xf32, #tpu.memory_space<hbm>>) target_semaphore(%dma_start3A_260 : memref<!tpu.dma_semaphore, #tpu.memory_space<semaphore_mem>>)
    %add3A_266 = arith.constant 128 : i32
    %add3A_267 = arith.addi %mul3A_2, %add3A_266 : i32
    %dma_wait3A_268 = arith.constant 1 : i32
    %dma_wait3A_269 = arith.constant 128 : i32
    %dma_wait3A_270 = arith.constant 0 : i32
    %dma_wait3A_271 = tpu.memref_slice %arg4[%dma_wait3A_269, %dma_wait3A_270] : memref<256x256xf32, #tpu.memory_space<vmem>> -> memref<128x256xf32, #tpu.memory_space<vmem>>
    %dma_wait3A_272 = arith.constant 0 : i32
    %dma_wait3A_273 = tpu.memref_slice %arg3[%add3A_267, %dma_wait3A_272] : memref<65536x256xf32, #tpu.memory_space<hbm>> -> memref<128x256xf32, #tpu.memory_space<hbm>>
    %dma_wait3A_274 = tpu.memref_slice %arg6[%dma_wait3A_268] : memref<2x!tpu.dma_semaphore, #tpu.memory_space<semaphore_mem>> -> memref<1x!tpu.dma_semaphore, #tpu.memory_space<semaphore_mem>>
    %dma_wait3A_275 = tpu.memref_squeeze %dma_wait3A_274 : memref<1x!tpu.dma_semaphore, #tpu.memory_space<semaphore_mem>> -> memref<!tpu.dma_semaphore, #tpu.memory_space<semaphore_mem>>
    %dma_wait3A_276 = arith.constant 0 : i32
    %dma_wait3A_277 = tpu.memref_slice %arg3[%add3A_267, %dma_wait3A_276] : memref<65536x256xf32, #tpu.memory_space<hbm>> -> memref<128x256xf32, #tpu.memory_space<hbm>>
    %dma_wait3A_278 = arith.constant 128 : i32
    %dma_wait3A_279 = arith.constant 0 : i32
    %dma_wait3A_280 = tpu.memref_slice %arg4[%dma_wait3A_278, %dma_wait3A_279] : memref<256x256xf32, #tpu.memory_space<vmem>> -> memref<128x256xf32, #tpu.memory_space<vmem>>
    tpu.wait_dma2 semaphore(%dma_wait3A_275 : memref<!tpu.dma_semaphore, #tpu.memory_space<semaphore_mem>>) src(%dma_wait3A_280 : memref<128x256xf32, #tpu.memory_space<vmem>>) dst(%dma_wait3A_277 : memref<128x256xf32, #tpu.memory_space<hbm>>)
    %add3A_281 = arith.constant 384 : i32
    %add3A_282 = arith.addi %mul3A_2, %add3A_281 : i32
    %dma_start3A_283 = arith.constant 1 : i32
    %dma_start3A_284 = arith.constant 128 : i32
    %dma_start3A_285 = arith.constant 0 : i32
    %dma_start3A_286 = tpu.memref_slice %arg4[%dma_start3A_284, %dma_start3A_285] : memref<256x256xf32, #tpu.memory_space<vmem>> -> memref<128x256xf32, #tpu.memory_space<vmem>>
    %dma_start3A_287 = arith.constant 0 : i32
    %dma_start3A_288 = tpu.memref_slice %arg2[%add3A_282, %dma_start3A_287] : memref<65536x256xf32, #tpu.memory_space<hbm>> -> memref<128x256xf32, #tpu.memory_space<hbm>>
    %dma_start3A_289 = tpu.memref_slice %arg5[%dma_start3A_283] : memref<2x!tpu.dma_semaphore, #tpu.memory_space<semaphore_mem>> -> memref<1x!tpu.dma_semaphore, #tpu.memory_space<semaphore_mem>>
    %dma_start3A_290 = tpu.memref_squeeze %dma_start3A_289 : memref<1x!tpu.dma_semaphore, #tpu.memory_space<semaphore_mem>> -> memref<!tpu.dma_semaphore, #tpu.memory_space<semaphore_mem>>
    %dma_start3A_291 = arith.constant 128 : i32
    %dma_start3A_292 = arith.constant 0 : i32
    %dma_start3A_293 = tpu.memref_slice %arg4[%dma_start3A_291, %dma_start3A_292] : memref<256x256xf32, #tpu.memory_space<vmem>> -> memref<128x256xf32, #tpu.memory_space<vmem>>
    %dma_start3A_294 = arith.constant 0 : i32
    %dma_start3A_295 = tpu.memref_slice %arg2[%add3A_282, %dma_start3A_294] : memref<65536x256xf32, #tpu.memory_space<hbm>> -> memref<128x256xf32, #tpu.memory_space<hbm>>
    tpu.enqueue_dma source(%dma_start3A_295 : memref<128x256xf32, #tpu.memory_space<hbm>>) target(%dma_start3A_293 : memref<128x256xf32, #tpu.memory_space<vmem>>) target_semaphore(%dma_start3A_290 : memref<!tpu.dma_semaphore, #tpu.memory_space<semaphore_mem>>)
    %add3A_296 = arith.constant 384 : i32
    %add3A_297 = arith.addi %mul3A_2, %add3A_296 : i32
    %dma_wait3A_298 = arith.constant 1 : i32
    %dma_wait3A_299 = arith.constant 128 : i32
    %dma_wait3A_300 = arith.constant 0 : i32
    %dma_wait3A_301 = tpu.memref_slice %arg4[%dma_wait3A_299, %dma_wait3A_300] : memref<256x256xf32, #tpu.memory_space<vmem>> -> memref<128x256xf32, #tpu.memory_space<vmem>>
    %dma_wait3A_302 = arith.constant 0 : i32
    %dma_wait3A_303 = tpu.memref_slice %arg2[%add3A_297, %dma_wait3A_302] : memref<65536x256xf32, #tpu.memory_space<hbm>> -> memref<128x256xf32, #tpu.memory_space<hbm>>
    %dma_wait3A_304 = tpu.memref_slice %arg5[%dma_wait3A_298] : memref<2x!tpu.dma_semaphore, #tpu.memory_space<semaphore_mem>> -> memref<1x!tpu.dma_semaphore, #tpu.memory_space<semaphore_mem>>
    %dma_wait3A_305 = tpu.memref_squeeze %dma_wait3A_304 : memref<1x!tpu.dma_semaphore, #tpu.memory_space<semaphore_mem>> -> memref<!tpu.dma_semaphore, #tpu.memory_space<semaphore_mem>>
    %dma_wait3A_306 = arith.constant 128 : i32
    %dma_wait3A_307 = arith.constant 0 : i32
    %dma_wait3A_308 = tpu.memref_slice %arg4[%dma_wait3A_306, %dma_wait3A_307] : memref<256x256xf32, #tpu.memory_space<vmem>> -> memref<128x256xf32, #tpu.memory_space<vmem>>
    %dma_wait3A_309 = arith.constant 0 : i32
    %dma_wait3A_310 = tpu.memref_slice %arg2[%add3A_297, %dma_wait3A_309] : memref<65536x256xf32, #tpu.memory_space<hbm>> -> memref<128x256xf32, #tpu.memory_space<hbm>>
    tpu.wait_dma2 semaphore(%dma_wait3A_305 : memref<!tpu.dma_semaphore, #tpu.memory_space<semaphore_mem>>) src(%dma_wait3A_310 : memref<128x256xf32, #tpu.memory_space<hbm>>) dst(%dma_wait3A_308 : memref<128x256xf32, #tpu.memory_space<vmem>>)
    %iota3A_311 = tpu.iota {dimensions = array<i32: 0>} : vector<16xi32>
    %mul3A_312 = arith.constant 0 : i32
    %mul3A_313 = vector.broadcast %mul3A_312 : i32 to vector<16xi32>
    %mul3A_314 = arith.muli %iota3A_311, %mul3A_313 : vector<16xi32>
    %add3A_315 = arith.constant 1 : i32
    %add3A_316 = vector.broadcast %add3A_315 : i32 to vector<16xi32>
    %add3A_317 = arith.addi %mul3A_314, %add3A_316 : vector<16xi32>
    %add3A_318 = arith.constant 128 : i32
    %add3A_319 = vector.broadcast %add3A_318 : i32 to vector<16xi32>
    %add3A_320 = arith.addi %iota3A_311, %add3A_319 : vector<16xi32>
    %gather3A_321 = tpu.vector_load_idx %arg4[%add3A_320, %add3A_317] : memref<256x256xf32, #tpu.memory_space<vmem>>[vector<16xi32>, vector<16xi32>], vector<16xf32>,
    tpu.vector_store_idx %arg4[%add3A_320, %mul3A_314], %gather3A_321 : memref<256x256xf32, #tpu.memory_space<vmem>>[vector<16xi32>, vector<16xi32>], vector<16xf32>,
    %add3A_322 = arith.constant 144 : i32
    %add3A_323 = vector.broadcast %add3A_322 : i32 to vector<16xi32>
    %add3A_324 = arith.addi %iota3A_311, %add3A_323 : vector<16xi32>
    %gather3A_325 = tpu.vector_load_idx %arg4[%add3A_324, %add3A_317] : memref<256x256xf32, #tpu.memory_space<vmem>>[vector<16xi32>, vector<16xi32>], vector<16xf32>,
    tpu.vector_store_idx %arg4[%add3A_324, %mul3A_314], %gather3A_325 : memref<256x256xf32, #tpu.memory_space<vmem>>[vector<16xi32>, vector<16xi32>], vector<16xf32>,
    %add3A_326 = arith.constant 160 : i32
    %add3A_327 = vector.broadcast %add3A_326 : i32 to vector<16xi32>
    %add3A_328 = arith.addi %iota3A_311, %add3A_327 : vector<16xi32>
    %gather3A_329 = tpu.vector_load_idx %arg4[%add3A_328, %add3A_317] : memref<256x256xf32, #tpu.memory_space<vmem>>[vector<16xi32>, vector<16xi32>], vector<16xf32>,
    tpu.vector_store_idx %arg4[%add3A_328, %mul3A_314], %gather3A_329 : memref<256x256xf32, #tpu.memory_space<vmem>>[vector<16xi32>, vector<16xi32>], vector<16xf32>,
    %add3A_330 = arith.constant 176 : i32
    %add3A_331 = vector.broadcast %add3A_330 : i32 to vector<16xi32>
    %add3A_332 = arith.addi %iota3A_311, %add3A_331 : vector<16xi32>
    %gather3A_333 = tpu.vector_load_idx %arg4[%add3A_332, %add3A_317] : memref<256x256xf32, #tpu.memory_space<vmem>>[vector<16xi32>, vector<16xi32>], vector<16xf32>,
    tpu.vector_store_idx %arg4[%add3A_332, %mul3A_314], %gather3A_333 : memref<256x256xf32, #tpu.memory_space<vmem>>[vector<16xi32>, vector<16xi32>], vector<16xf32>,
    %add3A_334 = arith.constant 192 : i32
    %add3A_335 = vector.broadcast %add3A_334 : i32 to vector<16xi32>
    %add3A_336 = arith.addi %iota3A_311, %add3A_335 : vector<16xi32>
    %gather3A_337 = tpu.vector_load_idx %arg4[%add3A_336, %add3A_317] : memref<256x256xf32, #tpu.memory_space<vmem>>[vector<16xi32>, vector<16xi32>], vector<16xf32>,
    tpu.vector_store_idx %arg4[%add3A_336, %mul3A_314], %gather3A_337 : memref<256x256xf32, #tpu.memory_space<vmem>>[vector<16xi32>, vector<16xi32>], vector<16xf32>,
    %add3A_338 = arith.constant 208 : i32
    %add3A_339 = vector.broadcast %add3A_338 : i32 to vector<16xi32>
    %add3A_340 = arith.addi %iota3A_311, %add3A_339 : vector<16xi32>
    %gather3A_341 = tpu.vector_load_idx %arg4[%add3A_340, %add3A_317] : memref<256x256xf32, #tpu.memory_space<vmem>>[vector<16xi32>, vector<16xi32>], vector<16xf32>,
    tpu.vector_store_idx %arg4[%add3A_340, %mul3A_314], %gather3A_341 : memref<256x256xf32, #tpu.memory_space<vmem>>[vector<16xi32>, vector<16xi32>], vector<16xf32>,
    %add3A_342 = arith.constant 224 : i32
    %add3A_343 = vector.broadcast %add3A_342 : i32 to vector<16xi32>
    %add3A_344 = arith.addi %iota3A_311, %add3A_343 : vector<16xi32>
    %gather3A_345 = tpu.vector_load_idx %arg4[%add3A_344, %add3A_317] : memref<256x256xf32, #tpu.memory_space<vmem>>[vector<16xi32>, vector<16xi32>], vector<16xf32>,
    tpu.vector_store_idx %arg4[%add3A_344, %mul3A_314], %gather3A_345 : memref<256x256xf32, #tpu.memory_space<vmem>>[vector<16xi32>, vector<16xi32>], vector<16xf32>,
    %add3A_346 = arith.constant 240 : i32
    %add3A_347 = vector.broadcast %add3A_346 : i32 to vector<16xi32>
    %add3A_348 = arith.addi %iota3A_311, %add3A_347 : vector<16xi32>
    %gather3A_349 = tpu.vector_load_idx %arg4[%add3A_348, %add3A_317] : memref<256x256xf32, #tpu.memory_space<vmem>>[vector<16xi32>, vector<16xi32>], vector<16xf32>,
    tpu.vector_store_idx %arg4[%add3A_348, %mul3A_314], %gather3A_349 : memref<256x256xf32, #tpu.memory_space<vmem>>[vector<16xi32>, vector<16xi32>], vector<16xf32>,
    %add3A_350 = arith.constant 384 : i32
    %add3A_351 = arith.addi %mul3A_2, %add3A_350 : i32
    %dma_start3A_352 = arith.constant 1 : i32
    %dma_start3A_353 = arith.constant 128 : i32
    %dma_start3A_354 = arith.constant 0 : i32
    %dma_start3A_355 = tpu.memref_slice %arg4[%dma_start3A_353, %dma_start3A_354] : memref<256x256xf32, #tpu.memory_space<vmem>> -> memref<128x256xf32, #tpu.memory_space<vmem>>
    %dma_start3A_356 = arith.constant 0 : i32
    %dma_start3A_357 = tpu.memref_slice %arg3[%add3A_351, %dma_start3A_356] : memref<65536x256xf32, #tpu.memory_space<hbm>> -> memref<128x256xf32, #tpu.memory_space<hbm>>
    %dma_start3A_358 = tpu.memref_slice %arg6[%dma_start3A_352] : memref<2x!tpu.dma_semaphore, #tpu.memory_space<semaphore_mem>> -> memref<1x!tpu.dma_semaphore, #tpu.memory_space<semaphore_mem>>
    %dma_start3A_359 = tpu.memref_squeeze %dma_start3A_358 : memref<1x!tpu.dma_semaphore, #tpu.memory_space<semaphore_mem>> -> memref<!tpu.dma_semaphore, #tpu.memory_space<semaphore_mem>>
    %dma_start3A_360 = arith.constant 0 : i32
    %dma_start3A_361 = tpu.memref_slice %arg3[%add3A_351, %dma_start3A_360] : memref<65536x256xf32, #tpu.memory_space<hbm>> -> memref<128x256xf32, #tpu.memory_space<hbm>>
    %dma_start3A_362 = arith.constant 128 : i32
    %dma_start3A_363 = arith.constant 0 : i32
    %dma_start3A_364 = tpu.memref_slice %arg4[%dma_start3A_362, %dma_start3A_363] : memref<256x256xf32, #tpu.memory_space<vmem>> -> memref<128x256xf32, #tpu.memory_space<vmem>>
    tpu.enqueue_dma source(%dma_start3A_364 : memref<128x256xf32, #tpu.memory_space<vmem>>) target(%dma_start3A_361 : memref<128x256xf32, #tpu.memory_space<hbm>>) target_semaphore(%dma_start3A_359 : memref<!tpu.dma_semaphore, #tpu.memory_space<semaphore_mem>>)
    %add3A_365 = arith.constant 256 : i32
    %add3A_366 = arith.addi %mul3A_2, %add3A_365 : i32
    %dma_wait3A_367 = arith.constant 0 : i32
    %dma_wait3A_368 = arith.constant 0 : i32
    %dma_wait3A_369 = arith.constant 0 : i32
    %dma_wait3A_370 = tpu.memref_slice %arg4[%dma_wait3A_368, %dma_wait3A_369] : memref<256x256xf32, #tpu.memory_space<vmem>> -> memref<128x256xf32, #tpu.memory_space<vmem>>
    %dma_wait3A_371 = arith.constant 0 : i32
    %dma_wait3A_372 = tpu.memref_slice %arg3[%add3A_366, %dma_wait3A_371] : memref<65536x256xf32, #tpu.memory_space<hbm>> -> memref<128x256xf32, #tpu.memory_space<hbm>>
    %dma_wait3A_373 = tpu.memref_slice %arg6[%dma_wait3A_367] : memref<2x!tpu.dma_semaphore, #tpu.memory_space<semaphore_mem>> -> memref<1x!tpu.dma_semaphore, #tpu.memory_space<semaphore_mem>>
    %dma_wait3A_374 = tpu.memref_squeeze %dma_wait3A_373 : memref<1x!tpu.dma_semaphore, #tpu.memory_space<semaphore_mem>> -> memref<!tpu.dma_semaphore, #tpu.memory_space<semaphore_mem>>
    %dma_wait3A_375 = arith.constant 0 : i32
    %dma_wait3A_376 = tpu.memref_slice %arg3[%add3A_366, %dma_wait3A_375] : memref<65536x256xf32, #tpu.memory_space<hbm>> -> memref<128x256xf32, #tpu.memory_space<hbm>>
    %dma_wait3A_377 = arith.constant 0 : i32
    %dma_wait3A_378 = arith.constant 0 : i32
    %dma_wait3A_379 = tpu.memref_slice %arg4[%dma_wait3A_377, %dma_wait3A_378] : memref<256x256xf32, #tpu.memory_space<vmem>> -> memref<128x256xf32, #tpu.memory_space<vmem>>
    tpu.wait_dma2 semaphore(%dma_wait3A_374 : memref<!tpu.dma_semaphore, #tpu.memory_space<semaphore_mem>>) src(%dma_wait3A_379 : memref<128x256xf32, #tpu.memory_space<vmem>>) dst(%dma_wait3A_376 : memref<128x256xf32, #tpu.memory_space<hbm>>)
    %add3A_380 = arith.constant 512 : i32
    %add3A_381 = arith.addi %mul3A_2, %add3A_380 : i32
    %dma_start3A_382 = arith.constant 0 : i32
    %dma_start3A_383 = arith.constant 0 : i32
    %dma_start3A_384 = arith.constant 0 : i32
    %dma_start3A_385 = tpu.memref_slice %arg4[%dma_start3A_383, %dma_start3A_384] : memref<256x256xf32, #tpu.memory_space<vmem>> -> memref<128x256xf32, #tpu.memory_space<vmem>>
    %dma_start3A_386 = arith.constant 0 : i32
    %dma_start3A_387 = tpu.memref_slice %arg2[%add3A_381, %dma_start3A_386] : memref<65536x256xf32, #tpu.memory_space<hbm>> -> memref<128x256xf32, #tpu.memory_space<hbm>>
    %dma_start3A_388 = tpu.memref_slice %arg5[%dma_start3A_382] : memref<2x!tpu.dma_semaphore, #tpu.memory_space<semaphore_mem>> -> memref<1x!tpu.dma_semaphore, #tpu.memory_space<semaphore_mem>>
    %dma_start3A_389 = tpu.memref_squeeze %dma_start3A_388 : memref<1x!tpu.dma_semaphore, #tpu.memory_space<semaphore_mem>> -> memref<!tpu.dma_semaphore, #tpu.memory_space<semaphore_mem>>
    %dma_start3A_390 = arith.constant 0 : i32
    %dma_start3A_391 = arith.constant 0 : i32
    %dma_start3A_392 = tpu.memref_slice %arg4[%dma_start3A_390, %dma_start3A_391] : memref<256x256xf32, #tpu.memory_space<vmem>> -> memref<128x256xf32, #tpu.memory_space<vmem>>
    %dma_start3A_393 = arith.constant 0 : i32
    %dma_start3A_394 = tpu.memref_slice %arg2[%add3A_381, %dma_start3A_393] : memref<65536x256xf32, #tpu.memory_space<hbm>> -> memref<128x256xf32, #tpu.memory_space<hbm>>
    tpu.enqueue_dma source(%dma_start3A_394 : memref<128x256xf32, #tpu.memory_space<hbm>>) target(%dma_start3A_392 : memref<128x256xf32, #tpu.memory_space<vmem>>) target_semaphore(%dma_start3A_389 : memref<!tpu.dma_semaphore, #tpu.memory_space<semaphore_mem>>)
    %add3A_395 = arith.constant 512 : i32
    %add3A_396 = arith.addi %mul3A_2, %add3A_395 : i32
    %dma_wait3A_397 = arith.constant 0 : i32
    %dma_wait3A_398 = arith.constant 0 : i32
    %dma_wait3A_399 = arith.constant 0 : i32
    %dma_wait3A_400 = tpu.memref_slice %arg4[%dma_wait3A_398, %dma_wait3A_399] : memref<256x256xf32, #tpu.memory_space<vmem>> -> memref<128x256xf32, #tpu.memory_space<vmem>>
    %dma_wait3A_401 = arith.constant 0 : i32
    %dma_wait3A_402 = tpu.memref_slice %arg2[%add3A_396, %dma_wait3A_401] : memref<65536x256xf32, #tpu.memory_space<hbm>> -> memref<128x256xf32, #tpu.memory_space<hbm>>
    %dma_wait3A_403 = tpu.memref_slice %arg5[%dma_wait3A_397] : memref<2x!tpu.dma_semaphore, #tpu.memory_space<semaphore_mem>> -> memref<1x!tpu.dma_semaphore, #tpu.memory_space<semaphore_mem>>
    %dma_wait3A_404 = tpu.memref_squeeze %dma_wait3A_403 : memref<1x!tpu.dma_semaphore, #tpu.memory_space<semaphore_mem>> -> memref<!tpu.dma_semaphore, #tpu.memory_space<semaphore_mem>>
    %dma_wait3A_405 = arith.constant 0 : i32
    %dma_wait3A_406 = arith.constant 0 : i32
    %dma_wait3A_407 = tpu.memref_slice %arg4[%dma_wait3A_405, %dma_wait3A_406] : memref<256x256xf32, #tpu.memory_space<vmem>> -> memref<128x256xf32, #tpu.memory_space<vmem>>
    %dma_wait3A_408 = arith.constant 0 : i32
    %dma_wait3A_409 = tpu.memref_slice %arg2[%add3A_396, %dma_wait3A_408] : memref<65536x256xf32, #tpu.memory_space<hbm>> -> memref<128x256xf32, #tpu.memory_space<hbm>>
    tpu.wait_dma2 semaphore(%dma_wait3A_404 : memref<!tpu.dma_semaphore, #tpu.memory_space<semaphore_mem>>) src(%dma_wait3A_409 : memref<128x256xf32, #tpu.memory_space<hbm>>) dst(%dma_wait3A_407 : memref<128x256xf32, #tpu.memory_space<vmem>>)
    %iota3A_410 = tpu.iota {dimensions = array<i32: 0>} : vector<16xi32>
    %mul3A_411 = arith.constant 0 : i32
    %mul3A_412 = vector.broadcast %mul3A_411 : i32 to vector<16xi32>
    %mul3A_413 = arith.muli %iota3A_410, %mul3A_412 : vector<16xi32>
    %add3A_414 = arith.constant 1 : i32
    %add3A_415 = vector.broadcast %add3A_414 : i32 to vector<16xi32>
    %add3A_416 = arith.addi %mul3A_413, %add3A_415 : vector<16xi32>
    %add3A_417 = arith.constant 0 : i32
    %add3A_418 = vector.broadcast %add3A_417 : i32 to vector<16xi32>
    %add3A_419 = arith.addi %iota3A_410, %add3A_418 : vector<16xi32>
    %gather3A_420 = tpu.vector_load_idx %arg4[%add3A_419, %add3A_416] : memref<256x256xf32, #tpu.memory_space<vmem>>[vector<16xi32>, vector<16xi32>], vector<16xf32>,
    tpu.vector_store_idx %arg4[%add3A_419, %mul3A_413], %gather3A_420 : memref<256x256xf32, #tpu.memory_space<vmem>>[vector<16xi32>, vector<16xi32>], vector<16xf32>,
    %add3A_421 = arith.constant 16 : i32
    %add3A_422 = vector.broadcast %add3A_421 : i32 to vector<16xi32>
    %add3A_423 = arith.addi %iota3A_410, %add3A_422 : vector<16xi32>
    %gather3A_424 = tpu.vector_load_idx %arg4[%add3A_423, %add3A_416] : memref<256x256xf32, #tpu.memory_space<vmem>>[vector<16xi32>, vector<16xi32>], vector<16xf32>,
    tpu.vector_store_idx %arg4[%add3A_423, %mul3A_413], %gather3A_424 : memref<256x256xf32, #tpu.memory_space<vmem>>[vector<16xi32>, vector<16xi32>], vector<16xf32>,
    %add3A_425 = arith.constant 32 : i32
    %add3A_426 = vector.broadcast %add3A_425 : i32 to vector<16xi32>
    %add3A_427 = arith.addi %iota3A_410, %add3A_426 : vector<16xi32>
    %gather3A_428 = tpu.vector_load_idx %arg4[%add3A_427, %add3A_416] : memref<256x256xf32, #tpu.memory_space<vmem>>[vector<16xi32>, vector<16xi32>], vector<16xf32>,
    tpu.vector_store_idx %arg4[%add3A_427, %mul3A_413], %gather3A_428 : memref<256x256xf32, #tpu.memory_space<vmem>>[vector<16xi32>, vector<16xi32>], vector<16xf32>,
    %add3A_429 = arith.constant 48 : i32
    %add3A_430 = vector.broadcast %add3A_429 : i32 to vector<16xi32>
    %add3A_431 = arith.addi %iota3A_410, %add3A_430 : vector<16xi32>
    %gather3A_432 = tpu.vector_load_idx %arg4[%add3A_431, %add3A_416] : memref<256x256xf32, #tpu.memory_space<vmem>>[vector<16xi32>, vector<16xi32>], vector<16xf32>,
    tpu.vector_store_idx %arg4[%add3A_431, %mul3A_413], %gather3A_432 : memref<256x256xf32, #tpu.memory_space<vmem>>[vector<16xi32>, vector<16xi32>], vector<16xf32>,
    %add3A_433 = arith.constant 64 : i32
    %add3A_434 = vector.broadcast %add3A_433 : i32 to vector<16xi32>
    %add3A_435 = arith.addi %iota3A_410, %add3A_434 : vector<16xi32>
    %gather3A_436 = tpu.vector_load_idx %arg4[%add3A_435, %add3A_416] : memref<256x256xf32, #tpu.memory_space<vmem>>[vector<16xi32>, vector<16xi32>], vector<16xf32>,
    tpu.vector_store_idx %arg4[%add3A_435, %mul3A_413], %gather3A_436 : memref<256x256xf32, #tpu.memory_space<vmem>>[vector<16xi32>, vector<16xi32>], vector<16xf32>,
    %add3A_437 = arith.constant 80 : i32
    %add3A_438 = vector.broadcast %add3A_437 : i32 to vector<16xi32>
    %add3A_439 = arith.addi %iota3A_410, %add3A_438 : vector<16xi32>
    %gather3A_440 = tpu.vector_load_idx %arg4[%add3A_439, %add3A_416] : memref<256x256xf32, #tpu.memory_space<vmem>>[vector<16xi32>, vector<16xi32>], vector<16xf32>,
    tpu.vector_store_idx %arg4[%add3A_439, %mul3A_413], %gather3A_440 : memref<256x256xf32, #tpu.memory_space<vmem>>[vector<16xi32>, vector<16xi32>], vector<16xf32>,
    %add3A_441 = arith.constant 96 : i32
    %add3A_442 = vector.broadcast %add3A_441 : i32 to vector<16xi32>
    %add3A_443 = arith.addi %iota3A_410, %add3A_442 : vector<16xi32>
    %gather3A_444 = tpu.vector_load_idx %arg4[%add3A_443, %add3A_416] : memref<256x256xf32, #tpu.memory_space<vmem>>[vector<16xi32>, vector<16xi32>], vector<16xf32>,
    tpu.vector_store_idx %arg4[%add3A_443, %mul3A_413], %gather3A_444 : memref<256x256xf32, #tpu.memory_space<vmem>>[vector<16xi32>, vector<16xi32>], vector<16xf32>,
    %add3A_445 = arith.constant 112 : i32
    %add3A_446 = vector.broadcast %add3A_445 : i32 to vector<16xi32>
    %add3A_447 = arith.addi %iota3A_410, %add3A_446 : vector<16xi32>
    %gather3A_448 = tpu.vector_load_idx %arg4[%add3A_447, %add3A_416] : memref<256x256xf32, #tpu.memory_space<vmem>>[vector<16xi32>, vector<16xi32>], vector<16xf32>,
    tpu.vector_store_idx %arg4[%add3A_447, %mul3A_413], %gather3A_448 : memref<256x256xf32, #tpu.memory_space<vmem>>[vector<16xi32>, vector<16xi32>], vector<16xf32>,
    %add3A_449 = arith.constant 512 : i32
    %add3A_450 = arith.addi %mul3A_2, %add3A_449 : i32
    %dma_start3A_451 = arith.constant 0 : i32
    %dma_start3A_452 = arith.constant 0 : i32
    %dma_start3A_453 = arith.constant 0 : i32
    %dma_start3A_454 = tpu.memref_slice %arg4[%dma_start3A_452, %dma_start3A_453] : memref<256x256xf32, #tpu.memory_space<vmem>> -> memref<128x256xf32, #tpu.memory_space<vmem>>
    %dma_start3A_455 = arith.constant 0 : i32
    %dma_start3A_456 = tpu.memref_slice %arg3[%add3A_450, %dma_start3A_455] : memref<65536x256xf32, #tpu.memory_space<hbm>> -> memref<128x256xf32, #tpu.memory_space<hbm>>
    %dma_start3A_457 = tpu.memref_slice %arg6[%dma_start3A_451] : memref<2x!tpu.dma_semaphore, #tpu.memory_space<semaphore_mem>> -> memref<1x!tpu.dma_semaphore, #tpu.memory_space<semaphore_mem>>
    %dma_start3A_458 = tpu.memref_squeeze %dma_start3A_457 : memref<1x!tpu.dma_semaphore, #tpu.memory_space<semaphore_mem>> -> memref<!tpu.dma_semaphore, #tpu.memory_space<semaphore_mem>>
    %dma_start3A_459 = arith.constant 0 : i32
    %dma_start3A_460 = tpu.memref_slice %arg3[%add3A_450, %dma_start3A_459] : memref<65536x256xf32, #tpu.memory_space<hbm>> -> memref<128x256xf32, #tpu.memory_space<hbm>>
    %dma_start3A_461 = arith.constant 0 : i32
    %dma_start3A_462 = arith.constant 0 : i32
    %dma_start3A_463 = tpu.memref_slice %arg4[%dma_start3A_461, %dma_start3A_462] : memref<256x256xf32, #tpu.memory_space<vmem>> -> memref<128x256xf32, #tpu.memory_space<vmem>>
    tpu.enqueue_dma source(%dma_start3A_463 : memref<128x256xf32, #tpu.memory_space<vmem>>) target(%dma_start3A_460 : memref<128x256xf32, #tpu.memory_space<hbm>>) target_semaphore(%dma_start3A_458 : memref<!tpu.dma_semaphore, #tpu.memory_space<semaphore_mem>>)
    %add3A_464 = arith.constant 384 : i32
    %add3A_465 = arith.addi %mul3A_2, %add3A_464 : i32
    %dma_wait3A_466 = arith.constant 1 : i32
    %dma_wait3A_467 = arith.constant 128 : i32
    %dma_wait3A_468 = arith.constant 0 : i32
    %dma_wait3A_469 = tpu.memref_slice %arg4[%dma_wait3A_467, %dma_wait3A_468] : memref<256x256xf32, #tpu.memory_space<vmem>> -> memref<128x256xf32, #tpu.memory_space<vmem>>
    %dma_wait3A_470 = arith.constant 0 : i32
    %dma_wait3A_471 = tpu.memref_slice %arg3[%add3A_465, %dma_wait3A_470] : memref<65536x256xf32, #tpu.memory_space<hbm>> -> memref<128x256xf32, #tpu.memory_space<hbm>>
    %dma_wait3A_472 = tpu.memref_slice %arg6[%dma_wait3A_466] : memref<2x!tpu.dma_semaphore, #tpu.memory_space<semaphore_mem>> -> memref<1x!tpu.dma_semaphore, #tpu.memory_space<semaphore_mem>>
    %dma_wait3A_473 = tpu.memref_squeeze %dma_wait3A_472 : memref<1x!tpu.dma_semaphore, #tpu.memory_space<semaphore_mem>> -> memref<!tpu.dma_semaphore, #tpu.memory_space<semaphore_mem>>
    %dma_wait3A_474 = arith.constant 0 : i32
    %dma_wait3A_475 = tpu.memref_slice %arg3[%add3A_465, %dma_wait3A_474] : memref<65536x256xf32, #tpu.memory_space<hbm>> -> memref<128x256xf32, #tpu.memory_space<hbm>>
    %dma_wait3A_476 = arith.constant 128 : i32
    %dma_wait3A_477 = arith.constant 0 : i32
    %dma_wait3A_478 = tpu.memref_slice %arg4[%dma_wait3A_476, %dma_wait3A_477] : memref<256x256xf32, #tpu.memory_space<vmem>> -> memref<128x256xf32, #tpu.memory_space<vmem>>
    tpu.wait_dma2 semaphore(%dma_wait3A_473 : memref<!tpu.dma_semaphore, #tpu.memory_space<semaphore_mem>>) src(%dma_wait3A_478 : memref<128x256xf32, #tpu.memory_space<vmem>>) dst(%dma_wait3A_475 : memref<128x256xf32, #tpu.memory_space<hbm>>)
    %add3A_479 = arith.constant 640 : i32
    %add3A_480 = arith.addi %mul3A_2, %add3A_479 : i32
    %dma_start3A_481 = arith.constant 1 : i32
    %dma_start3A_482 = arith.constant 128 : i32
    %dma_start3A_483 = arith.constant 0 : i32
    %dma_start3A_484 = tpu.memref_slice %arg4[%dma_start3A_482, %dma_start3A_483] : memref<256x256xf32, #tpu.memory_space<vmem>> -> memref<128x256xf32, #tpu.memory_space<vmem>>
    %dma_start3A_485 = arith.constant 0 : i32
    %dma_start3A_486 = tpu.memref_slice %arg2[%add3A_480, %dma_start3A_485] : memref<65536x256xf32, #tpu.memory_space<hbm>> -> memref<128x256xf32, #tpu.memory_space<hbm>>
    %dma_start3A_487 = tpu.memref_slice %arg5[%dma_start3A_481] : memref<2x!tpu.dma_semaphore, #tpu.memory_space<semaphore_mem>> -> memref<1x!tpu.dma_semaphore, #tpu.memory_space<semaphore_mem>>
    %dma_start3A_488 = tpu.memref_squeeze %dma_start3A_487 : memref<1x!tpu.dma_semaphore, #tpu.memory_space<semaphore_mem>> -> memref<!tpu.dma_semaphore, #tpu.memory_space<semaphore_mem>>
    %dma_start3A_489 = arith.constant 128 : i32
    %dma_start3A_490 = arith.constant 0 : i32
    %dma_start3A_491 = tpu.memref_slice %arg4[%dma_start3A_489, %dma_start3A_490] : memref<256x256xf32, #tpu.memory_space<vmem>> -> memref<128x256xf32, #tpu.memory_space<vmem>>
    %dma_start3A_492 = arith.constant 0 : i32
    %dma_start3A_493 = tpu.memref_slice %arg2[%add3A_480, %dma_start3A_492] : memref<65536x256xf32, #tpu.memory_space<hbm>> -> memref<128x256xf32, #tpu.memory_space<hbm>>
    tpu.enqueue_dma source(%dma_start3A_493 : memref<128x256xf32, #tpu.memory_space<hbm>>) target(%dma_start3A_491 : memref<128x256xf32, #tpu.memory_space<vmem>>) target_semaphore(%dma_start3A_488 : memref<!tpu.dma_semaphore, #tpu.memory_space<semaphore_mem>>)
    %add3A_494 = arith.constant 640 : i32
    %add3A_495 = arith.addi %mul3A_2, %add3A_494 : i32
    %dma_wait3A_496 = arith.constant 1 : i32
    %dma_wait3A_497 = arith.constant 128 : i32
    %dma_wait3A_498 = arith.constant 0 : i32
    %dma_wait3A_499 = tpu.memref_slice %arg4[%dma_wait3A_497, %dma_wait3A_498] : memref<256x256xf32, #tpu.memory_space<vmem>> -> memref<128x256xf32, #tpu.memory_space<vmem>>
    %dma_wait3A_500 = arith.constant 0 : i32
    %dma_wait3A_501 = tpu.memref_slice %arg2[%add3A_495, %dma_wait3A_500] : memref<65536x256xf32, #tpu.memory_space<hbm>> -> memref<128x256xf32, #tpu.memory_space<hbm>>
    %dma_wait3A_502 = tpu.memref_slice %arg5[%dma_wait3A_496] : memref<2x!tpu.dma_semaphore, #tpu.memory_space<semaphore_mem>> -> memref<1x!tpu.dma_semaphore, #tpu.memory_space<semaphore_mem>>
    %dma_wait3A_503 = tpu.memref_squeeze %dma_wait3A_502 : memref<1x!tpu.dma_semaphore, #tpu.memory_space<semaphore_mem>> -> memref<!tpu.dma_semaphore, #tpu.memory_space<semaphore_mem>>
    %dma_wait3A_504 = arith.constant 128 : i32
    %dma_wait3A_505 = arith.constant 0 : i32
    %dma_wait3A_506 = tpu.memref_slice %arg4[%dma_wait3A_504, %dma_wait3A_505] : memref<256x256xf32, #tpu.memory_space<vmem>> -> memref<128x256xf32, #tpu.memory_space<vmem>>
    %dma_wait3A_507 = arith.constant 0 : i32
    %dma_wait3A_508 = tpu.memref_slice %arg2[%add3A_495, %dma_wait3A_507] : memref<65536x256xf32, #tpu.memory_space<hbm>> -> memref<128x256xf32, #tpu.memory_space<hbm>>
    tpu.wait_dma2 semaphore(%dma_wait3A_503 : memref<!tpu.dma_semaphore, #tpu.memory_space<semaphore_mem>>) src(%dma_wait3A_508 : memref<128x256xf32, #tpu.memory_space<hbm>>) dst(%dma_wait3A_506 : memref<128x256xf32, #tpu.memory_space<vmem>>)
    %iota3A_509 = tpu.iota {dimensions = array<i32: 0>} : vector<16xi32>
    %mul3A_510 = arith.constant 0 : i32
    %mul3A_511 = vector.broadcast %mul3A_510 : i32 to vector<16xi32>
    %mul3A_512 = arith.muli %iota3A_509, %mul3A_511 : vector<16xi32>
    %add3A_513 = arith.constant 1 : i32
    %add3A_514 = vector.broadcast %add3A_513 : i32 to vector<16xi32>
    %add3A_515 = arith.addi %mul3A_512, %add3A_514 : vector<16xi32>
    %add3A_516 = arith.constant 128 : i32
    %add3A_517 = vector.broadcast %add3A_516 : i32 to vector<16xi32>
    %add3A_518 = arith.addi %iota3A_509, %add3A_517 : vector<16xi32>
    %gather3A_519 = tpu.vector_load_idx %arg4[%add3A_518, %add3A_515] : memref<256x256xf32, #tpu.memory_space<vmem>>[vector<16xi32>, vector<16xi32>], vector<16xf32>,
    tpu.vector_store_idx %arg4[%add3A_518, %mul3A_512], %gather3A_519 : memref<256x256xf32, #tpu.memory_space<vmem>>[vector<16xi32>, vector<16xi32>], vector<16xf32>,
    %add3A_520 = arith.constant 144 : i32
    %add3A_521 = vector.broadcast %add3A_520 : i32 to vector<16xi32>
    %add3A_522 = arith.addi %iota3A_509, %add3A_521 : vector<16xi32>
    %gather3A_523 = tpu.vector_load_idx %arg4[%add3A_522, %add3A_515] : memref<256x256xf32, #tpu.memory_space<vmem>>[vector<16xi32>, vector<16xi32>], vector<16xf32>,
    tpu.vector_store_idx %arg4[%add3A_522, %mul3A_512], %gather3A_523 : memref<256x256xf32, #tpu.memory_space<vmem>>[vector<16xi32>, vector<16xi32>], vector<16xf32>,
    %add3A_524 = arith.constant 160 : i32
    %add3A_525 = vector.broadcast %add3A_524 : i32 to vector<16xi32>
    %add3A_526 = arith.addi %iota3A_509, %add3A_525 : vector<16xi32>
    %gather3A_527 = tpu.vector_load_idx %arg4[%add3A_526, %add3A_515] : memref<256x256xf32, #tpu.memory_space<vmem>>[vector<16xi32>, vector<16xi32>], vector<16xf32>,
    tpu.vector_store_idx %arg4[%add3A_526, %mul3A_512], %gather3A_527 : memref<256x256xf32, #tpu.memory_space<vmem>>[vector<16xi32>, vector<16xi32>], vector<16xf32>,
    %add3A_528 = arith.constant 176 : i32
    %add3A_529 = vector.broadcast %add3A_528 : i32 to vector<16xi32>
    %add3A_530 = arith.addi %iota3A_509, %add3A_529 : vector<16xi32>
    %gather3A_531 = tpu.vector_load_idx %arg4[%add3A_530, %add3A_515] : memref<256x256xf32, #tpu.memory_space<vmem>>[vector<16xi32>, vector<16xi32>], vector<16xf32>,
    tpu.vector_store_idx %arg4[%add3A_530, %mul3A_512], %gather3A_531 : memref<256x256xf32, #tpu.memory_space<vmem>>[vector<16xi32>, vector<16xi32>], vector<16xf32>,
    %add3A_532 = arith.constant 192 : i32
    %add3A_533 = vector.broadcast %add3A_532 : i32 to vector<16xi32>
    %add3A_534 = arith.addi %iota3A_509, %add3A_533 : vector<16xi32>
    %gather3A_535 = tpu.vector_load_idx %arg4[%add3A_534, %add3A_515] : memref<256x256xf32, #tpu.memory_space<vmem>>[vector<16xi32>, vector<16xi32>], vector<16xf32>,
    tpu.vector_store_idx %arg4[%add3A_534, %mul3A_512], %gather3A_535 : memref<256x256xf32, #tpu.memory_space<vmem>>[vector<16xi32>, vector<16xi32>], vector<16xf32>,
    %add3A_536 = arith.constant 208 : i32
    %add3A_537 = vector.broadcast %add3A_536 : i32 to vector<16xi32>
    %add3A_538 = arith.addi %iota3A_509, %add3A_537 : vector<16xi32>
    %gather3A_539 = tpu.vector_load_idx %arg4[%add3A_538, %add3A_515] : memref<256x256xf32, #tpu.memory_space<vmem>>[vector<16xi32>, vector<16xi32>], vector<16xf32>,
    tpu.vector_store_idx %arg4[%add3A_538, %mul3A_512], %gather3A_539 : memref<256x256xf32, #tpu.memory_space<vmem>>[vector<16xi32>, vector<16xi32>], vector<16xf32>,
    %add3A_540 = arith.constant 224 : i32
    %add3A_541 = vector.broadcast %add3A_540 : i32 to vector<16xi32>
    %add3A_542 = arith.addi %iota3A_509, %add3A_541 : vector<16xi32>
    %gather3A_543 = tpu.vector_load_idx %arg4[%add3A_542, %add3A_515] : memref<256x256xf32, #tpu.memory_space<vmem>>[vector<16xi32>, vector<16xi32>], vector<16xf32>,
    tpu.vector_store_idx %arg4[%add3A_542, %mul3A_512], %gather3A_543 : memref<256x256xf32, #tpu.memory_space<vmem>>[vector<16xi32>, vector<16xi32>], vector<16xf32>,
    %add3A_544 = arith.constant 240 : i32
    %add3A_545 = vector.broadcast %add3A_544 : i32 to vector<16xi32>
    %add3A_546 = arith.addi %iota3A_509, %add3A_545 : vector<16xi32>
    %gather3A_547 = tpu.vector_load_idx %arg4[%add3A_546, %add3A_515] : memref<256x256xf32, #tpu.memory_space<vmem>>[vector<16xi32>, vector<16xi32>], vector<16xf32>,
    tpu.vector_store_idx %arg4[%add3A_546, %mul3A_512], %gather3A_547 : memref<256x256xf32, #tpu.memory_space<vmem>>[vector<16xi32>, vector<16xi32>], vector<16xf32>,
    %add3A_548 = arith.constant 640 : i32
    %add3A_549 = arith.addi %mul3A_2, %add3A_548 : i32
    %dma_start3A_550 = arith.constant 1 : i32
    %dma_start3A_551 = arith.constant 128 : i32
    %dma_start3A_552 = arith.constant 0 : i32
    %dma_start3A_553 = tpu.memref_slice %arg4[%dma_start3A_551, %dma_start3A_552] : memref<256x256xf32, #tpu.memory_space<vmem>> -> memref<128x256xf32, #tpu.memory_space<vmem>>
    %dma_start3A_554 = arith.constant 0 : i32
    %dma_start3A_555 = tpu.memref_slice %arg3[%add3A_549, %dma_start3A_554] : memref<65536x256xf32, #tpu.memory_space<hbm>> -> memref<128x256xf32, #tpu.memory_space<hbm>>
    %dma_start3A_556 = tpu.memref_slice %arg6[%dma_start3A_550] : memref<2x!tpu.dma_semaphore, #tpu.memory_space<semaphore_mem>> -> memref<1x!tpu.dma_semaphore, #tpu.memory_space<semaphore_mem>>
    %dma_start3A_557 = tpu.memref_squeeze %dma_start3A_556 : memref<1x!tpu.dma_semaphore, #tpu.memory_space<semaphore_mem>> -> memref<!tpu.dma_semaphore, #tpu.memory_space<semaphore_mem>>
    %dma_start3A_558 = arith.constant 0 : i32
    %dma_start3A_559 = tpu.memref_slice %arg3[%add3A_549, %dma_start3A_558] : memref<65536x256xf32, #tpu.memory_space<hbm>> -> memref<128x256xf32, #tpu.memory_space<hbm>>
    %dma_start3A_560 = arith.constant 128 : i32
    %dma_start3A_561 = arith.constant 0 : i32
    %dma_start3A_562 = tpu.memref_slice %arg4[%dma_start3A_560, %dma_start3A_561] : memref<256x256xf32, #tpu.memory_space<vmem>> -> memref<128x256xf32, #tpu.memory_space<vmem>>
    tpu.enqueue_dma source(%dma_start3A_562 : memref<128x256xf32, #tpu.memory_space<vmem>>) target(%dma_start3A_559 : memref<128x256xf32, #tpu.memory_space<hbm>>) target_semaphore(%dma_start3A_557 : memref<!tpu.dma_semaphore, #tpu.memory_space<semaphore_mem>>)
    %add3A_563 = arith.constant 512 : i32
    %add3A_564 = arith.addi %mul3A_2, %add3A_563 : i32
    %dma_wait3A_565 = arith.constant 0 : i32
    %dma_wait3A_566 = arith.constant 0 : i32
    %dma_wait3A_567 = arith.constant 0 : i32
    %dma_wait3A_568 = tpu.memref_slice %arg4[%dma_wait3A_566, %dma_wait3A_567] : memref<256x256xf32, #tpu.memory_space<vmem>> -> memref<128x256xf32, #tpu.memory_space<vmem>>
    %dma_wait3A_569 = arith.constant 0 : i32
    %dma_wait3A_570 = tpu.memref_slice %arg3[%add3A_564, %dma_wait3A_569] : memref<65536x256xf32, #tpu.memory_space<hbm>> -> memref<128x256xf32, #tpu.memory_space<hbm>>
    %dma_wait3A_571 = tpu.memref_slice %arg6[%dma_wait3A_565] : memref<2x!tpu.dma_semaphore, #tpu.memory_space<semaphore_mem>> -> memref<1x!tpu.dma_semaphore, #tpu.memory_space<semaphore_mem>>
    %dma_wait3A_572 = tpu.memref_squeeze %dma_wait3A_571 : memref<1x!tpu.dma_semaphore, #tpu.memory_space<semaphore_mem>> -> memref<!tpu.dma_semaphore, #tpu.memory_space<semaphore_mem>>
    %dma_wait3A_573 = arith.constant 0 : i32
    %dma_wait3A_574 = tpu.memref_slice %arg3[%add3A_564, %dma_wait3A_573] : memref<65536x256xf32, #tpu.memory_space<hbm>> -> memref<128x256xf32, #tpu.memory_space<hbm>>
    %dma_wait3A_575 = arith.constant 0 : i32
    %dma_wait3A_576 = arith.constant 0 : i32
    %dma_wait3A_577 = tpu.memref_slice %arg4[%dma_wait3A_575, %dma_wait3A_576] : memref<256x256xf32, #tpu.memory_space<vmem>> -> memref<128x256xf32, #tpu.memory_space<vmem>>
    tpu.wait_dma2 semaphore(%dma_wait3A_572 : memref<!tpu.dma_semaphore, #tpu.memory_space<semaphore_mem>>) src(%dma_wait3A_577 : memref<128x256xf32, #tpu.memory_space<vmem>>) dst(%dma_wait3A_574 : memref<128x256xf32, #tpu.memory_space<hbm>>)
    %add3A_578 = arith.constant 768 : i32
    %add3A_579 = arith.addi %mul3A_2, %add3A_578 : i32
    %dma_start3A_580 = arith.constant 0 : i32
    %dma_start3A_581 = arith.constant 0 : i32
    %dma_start3A_582 = arith.constant 0 : i32
    %dma_start3A_583 = tpu.memref_slice %arg4[%dma_start3A_581, %dma_start3A_582] : memref<256x256xf32, #tpu.memory_space<vmem>> -> memref<128x256xf32, #tpu.memory_space<vmem>>
    %dma_start3A_584 = arith.constant 0 : i32
    %dma_start3A_585 = tpu.memref_slice %arg2[%add3A_579, %dma_start3A_584] : memref<65536x256xf32, #tpu.memory_space<hbm>> -> memref<128x256xf32, #tpu.memory_space<hbm>>
    %dma_start3A_586 = tpu.memref_slice %arg5[%dma_start3A_580] : memref<2x!tpu.dma_semaphore, #tpu.memory_space<semaphore_mem>> -> memref<1x!tpu.dma_semaphore, #tpu.memory_space<semaphore_mem>>
    %dma_start3A_587 = tpu.memref_squeeze %dma_start3A_586 : memref<1x!tpu.dma_semaphore, #tpu.memory_space<semaphore_mem>> -> memref<!tpu.dma_semaphore, #tpu.memory_space<semaphore_mem>>
    %dma_start3A_588 = arith.constant 0 : i32
    %dma_start3A_589 = arith.constant 0 : i32
    %dma_start3A_590 = tpu.memref_slice %arg4[%dma_start3A_588, %dma_start3A_589] : memref<256x256xf32, #tpu.memory_space<vmem>> -> memref<128x256xf32, #tpu.memory_space<vmem>>
    %dma_start3A_591 = arith.constant 0 : i32
    %dma_start3A_592 = tpu.memref_slice %arg2[%add3A_579, %dma_start3A_591] : memref<65536x256xf32, #tpu.memory_space<hbm>> -> memref<128x256xf32, #tpu.memory_space<hbm>>
    tpu.enqueue_dma source(%dma_start3A_592 : memref<128x256xf32, #tpu.memory_space<hbm>>) target(%dma_start3A_590 : memref<128x256xf32, #tpu.memory_space<vmem>>) target_semaphore(%dma_start3A_587 : memref<!tpu.dma_semaphore, #tpu.memory_space<semaphore_mem>>)
    %add3A_593 = arith.constant 768 : i32
    %add3A_594 = arith.addi %mul3A_2, %add3A_593 : i32
    %dma_wait3A_595 = arith.constant 0 : i32
    %dma_wait3A_596 = arith.constant 0 : i32
    %dma_wait3A_597 = arith.constant 0 : i32
    %dma_wait3A_598 = tpu.memref_slice %arg4[%dma_wait3A_596, %dma_wait3A_597] : memref<256x256xf32, #tpu.memory_space<vmem>> -> memref<128x256xf32, #tpu.memory_space<vmem>>
    %dma_wait3A_599 = arith.constant 0 : i32
    %dma_wait3A_600 = tpu.memref_slice %arg2[%add3A_594, %dma_wait3A_599] : memref<65536x256xf32, #tpu.memory_space<hbm>> -> memref<128x256xf32, #tpu.memory_space<hbm>>
    %dma_wait3A_601 = tpu.memref_slice %arg5[%dma_wait3A_595] : memref<2x!tpu.dma_semaphore, #tpu.memory_space<semaphore_mem>> -> memref<1x!tpu.dma_semaphore, #tpu.memory_space<semaphore_mem>>
    %dma_wait3A_602 = tpu.memref_squeeze %dma_wait3A_601 : memref<1x!tpu.dma_semaphore, #tpu.memory_space<semaphore_mem>> -> memref<!tpu.dma_semaphore, #tpu.memory_space<semaphore_mem>>
    %dma_wait3A_603 = arith.constant 0 : i32
    %dma_wait3A_604 = arith.constant 0 : i32
    %dma_wait3A_605 = tpu.memref_slice %arg4[%dma_wait3A_603, %dma_wait3A_604] : memref<256x256xf32, #tpu.memory_space<vmem>> -> memref<128x256xf32, #tpu.memory_space<vmem>>
    %dma_wait3A_606 = arith.constant 0 : i32
    %dma_wait3A_607 = tpu.memref_slice %arg2[%add3A_594, %dma_wait3A_606] : memref<65536x256xf32, #tpu.memory_space<hbm>> -> memref<128x256xf32, #tpu.memory_space<hbm>>
    tpu.wait_dma2 semaphore(%dma_wait3A_602 : memref<!tpu.dma_semaphore, #tpu.memory_space<semaphore_mem>>) src(%dma_wait3A_607 : memref<128x256xf32, #tpu.memory_space<hbm>>) dst(%dma_wait3A_605 : memref<128x256xf32, #tpu.memory_space<vmem>>)
    %iota3A_608 = tpu.iota {dimensions = array<i32: 0>} : vector<16xi32>
    %mul3A_609 = arith.constant 0 : i32
    %mul3A_610 = vector.broadcast %mul3A_609 : i32 to vector<16xi32>
    %mul3A_611 = arith.muli %iota3A_608, %mul3A_610 : vector<16xi32>
    %add3A_612 = arith.constant 1 : i32
    %add3A_613 = vector.broadcast %add3A_612 : i32 to vector<16xi32>
    %add3A_614 = arith.addi %mul3A_611, %add3A_613 : vector<16xi32>
    %add3A_615 = arith.constant 0 : i32
    %add3A_616 = vector.broadcast %add3A_615 : i32 to vector<16xi32>
    %add3A_617 = arith.addi %iota3A_608, %add3A_616 : vector<16xi32>
    %gather3A_618 = tpu.vector_load_idx %arg4[%add3A_617, %add3A_614] : memref<256x256xf32, #tpu.memory_space<vmem>>[vector<16xi32>, vector<16xi32>], vector<16xf32>,
    tpu.vector_store_idx %arg4[%add3A_617, %mul3A_611], %gather3A_618 : memref<256x256xf32, #tpu.memory_space<vmem>>[vector<16xi32>, vector<16xi32>], vector<16xf32>,
    %add3A_619 = arith.constant 16 : i32
    %add3A_620 = vector.broadcast %add3A_619 : i32 to vector<16xi32>
    %add3A_621 = arith.addi %iota3A_608, %add3A_620 : vector<16xi32>
    %gather3A_622 = tpu.vector_load_idx %arg4[%add3A_621, %add3A_614] : memref<256x256xf32, #tpu.memory_space<vmem>>[vector<16xi32>, vector<16xi32>], vector<16xf32>,
    tpu.vector_store_idx %arg4[%add3A_621, %mul3A_611], %gather3A_622 : memref<256x256xf32, #tpu.memory_space<vmem>>[vector<16xi32>, vector<16xi32>], vector<16xf32>,
    %add3A_623 = arith.constant 32 : i32
    %add3A_624 = vector.broadcast %add3A_623 : i32 to vector<16xi32>
    %add3A_625 = arith.addi %iota3A_608, %add3A_624 : vector<16xi32>
    %gather3A_626 = tpu.vector_load_idx %arg4[%add3A_625, %add3A_614] : memref<256x256xf32, #tpu.memory_space<vmem>>[vector<16xi32>, vector<16xi32>], vector<16xf32>,
    tpu.vector_store_idx %arg4[%add3A_625, %mul3A_611], %gather3A_626 : memref<256x256xf32, #tpu.memory_space<vmem>>[vector<16xi32>, vector<16xi32>], vector<16xf32>,
    %add3A_627 = arith.constant 48 : i32
    %add3A_628 = vector.broadcast %add3A_627 : i32 to vector<16xi32>
    %add3A_629 = arith.addi %iota3A_608, %add3A_628 : vector<16xi32>
    %gather3A_630 = tpu.vector_load_idx %arg4[%add3A_629, %add3A_614] : memref<256x256xf32, #tpu.memory_space<vmem>>[vector<16xi32>, vector<16xi32>], vector<16xf32>,
    tpu.vector_store_idx %arg4[%add3A_629, %mul3A_611], %gather3A_630 : memref<256x256xf32, #tpu.memory_space<vmem>>[vector<16xi32>, vector<16xi32>], vector<16xf32>,
    %add3A_631 = arith.constant 64 : i32
    %add3A_632 = vector.broadcast %add3A_631 : i32 to vector<16xi32>
    %add3A_633 = arith.addi %iota3A_608, %add3A_632 : vector<16xi32>
    %gather3A_634 = tpu.vector_load_idx %arg4[%add3A_633, %add3A_614] : memref<256x256xf32, #tpu.memory_space<vmem>>[vector<16xi32>, vector<16xi32>], vector<16xf32>,
    tpu.vector_store_idx %arg4[%add3A_633, %mul3A_611], %gather3A_634 : memref<256x256xf32, #tpu.memory_space<vmem>>[vector<16xi32>, vector<16xi32>], vector<16xf32>,
    %add3A_635 = arith.constant 80 : i32
    %add3A_636 = vector.broadcast %add3A_635 : i32 to vector<16xi32>
    %add3A_637 = arith.addi %iota3A_608, %add3A_636 : vector<16xi32>
    %gather3A_638 = tpu.vector_load_idx %arg4[%add3A_637, %add3A_614] : memref<256x256xf32, #tpu.memory_space<vmem>>[vector<16xi32>, vector<16xi32>], vector<16xf32>,
    tpu.vector_store_idx %arg4[%add3A_637, %mul3A_611], %gather3A_638 : memref<256x256xf32, #tpu.memory_space<vmem>>[vector<16xi32>, vector<16xi32>], vector<16xf32>,
    %add3A_639 = arith.constant 96 : i32
    %add3A_640 = vector.broadcast %add3A_639 : i32 to vector<16xi32>
    %add3A_641 = arith.addi %iota3A_608, %add3A_640 : vector<16xi32>
    %gather3A_642 = tpu.vector_load_idx %arg4[%add3A_641, %add3A_614] : memref<256x256xf32, #tpu.memory_space<vmem>>[vector<16xi32>, vector<16xi32>], vector<16xf32>,
    tpu.vector_store_idx %arg4[%add3A_641, %mul3A_611], %gather3A_642 : memref<256x256xf32, #tpu.memory_space<vmem>>[vector<16xi32>, vector<16xi32>], vector<16xf32>,
    %add3A_643 = arith.constant 112 : i32
    %add3A_644 = vector.broadcast %add3A_643 : i32 to vector<16xi32>
    %add3A_645 = arith.addi %iota3A_608, %add3A_644 : vector<16xi32>
    %gather3A_646 = tpu.vector_load_idx %arg4[%add3A_645, %add3A_614] : memref<256x256xf32, #tpu.memory_space<vmem>>[vector<16xi32>, vector<16xi32>], vector<16xf32>,
    tpu.vector_store_idx %arg4[%add3A_645, %mul3A_611], %gather3A_646 : memref<256x256xf32, #tpu.memory_space<vmem>>[vector<16xi32>, vector<16xi32>], vector<16xf32>,
    %add3A_647 = arith.constant 768 : i32
    %add3A_648 = arith.addi %mul3A_2, %add3A_647 : i32
    %dma_start3A_649 = arith.constant 0 : i32
    %dma_start3A_650 = arith.constant 0 : i32
    %dma_start3A_651 = arith.constant 0 : i32
    %dma_start3A_652 = tpu.memref_slice %arg4[%dma_start3A_650, %dma_start3A_651] : memref<256x256xf32, #tpu.memory_space<vmem>> -> memref<128x256xf32, #tpu.memory_space<vmem>>
    %dma_start3A_653 = arith.constant 0 : i32
    %dma_start3A_654 = tpu.memref_slice %arg3[%add3A_648, %dma_start3A_653] : memref<65536x256xf32, #tpu.memory_space<hbm>> -> memref<128x256xf32, #tpu.memory_space<hbm>>
    %dma_start3A_655 = tpu.memref_slice %arg6[%dma_start3A_649] : memref<2x!tpu.dma_semaphore, #tpu.memory_space<semaphore_mem>> -> memref<1x!tpu.dma_semaphore, #tpu.memory_space<semaphore_mem>>
    %dma_start3A_656 = tpu.memref_squeeze %dma_start3A_655 : memref<1x!tpu.dma_semaphore, #tpu.memory_space<semaphore_mem>> -> memref<!tpu.dma_semaphore, #tpu.memory_space<semaphore_mem>>
    %dma_start3A_657 = arith.constant 0 : i32
    %dma_start3A_658 = tpu.memref_slice %arg3[%add3A_648, %dma_start3A_657] : memref<65536x256xf32, #tpu.memory_space<hbm>> -> memref<128x256xf32, #tpu.memory_space<hbm>>
    %dma_start3A_659 = arith.constant 0 : i32
    %dma_start3A_660 = arith.constant 0 : i32
    %dma_start3A_661 = tpu.memref_slice %arg4[%dma_start3A_659, %dma_start3A_660] : memref<256x256xf32, #tpu.memory_space<vmem>> -> memref<128x256xf32, #tpu.memory_space<vmem>>
    tpu.enqueue_dma source(%dma_start3A_661 : memref<128x256xf32, #tpu.memory_space<vmem>>) target(%dma_start3A_658 : memref<128x256xf32, #tpu.memory_space<hbm>>) target_semaphore(%dma_start3A_656 : memref<!tpu.dma_semaphore, #tpu.memory_space<semaphore_mem>>)
    %add3A_662 = arith.constant 640 : i32
    %add3A_663 = arith.addi %mul3A_2, %add3A_662 : i32
    %dma_wait3A_664 = arith.constant 1 : i32
    %dma_wait3A_665 = arith.constant 128 : i32
    %dma_wait3A_666 = arith.constant 0 : i32
    %dma_wait3A_667 = tpu.memref_slice %arg4[%dma_wait3A_665, %dma_wait3A_666] : memref<256x256xf32, #tpu.memory_space<vmem>> -> memref<128x256xf32, #tpu.memory_space<vmem>>
    %dma_wait3A_668 = arith.constant 0 : i32
    %dma_wait3A_669 = tpu.memref_slice %arg3[%add3A_663, %dma_wait3A_668] : memref<65536x256xf32, #tpu.memory_space<hbm>> -> memref<128x256xf32, #tpu.memory_space<hbm>>
    %dma_wait3A_670 = tpu.memref_slice %arg6[%dma_wait3A_664] : memref<2x!tpu.dma_semaphore, #tpu.memory_space<semaphore_mem>> -> memref<1x!tpu.dma_semaphore, #tpu.memory_space<semaphore_mem>>
    %dma_wait3A_671 = tpu.memref_squeeze %dma_wait3A_670 : memref<1x!tpu.dma_semaphore, #tpu.memory_space<semaphore_mem>> -> memref<!tpu.dma_semaphore, #tpu.memory_space<semaphore_mem>>
    %dma_wait3A_672 = arith.constant 0 : i32
    %dma_wait3A_673 = tpu.memref_slice %arg3[%add3A_663, %dma_wait3A_672] : memref<65536x256xf32, #tpu.memory_space<hbm>> -> memref<128x256xf32, #tpu.memory_space<hbm>>
    %dma_wait3A_674 = arith.constant 128 : i32
    %dma_wait3A_675 = arith.constant 0 : i32
    %dma_wait3A_676 = tpu.memref_slice %arg4[%dma_wait3A_674, %dma_wait3A_675] : memref<256x256xf32, #tpu.memory_space<vmem>> -> memref<128x256xf32, #tpu.memory_space<vmem>>
    tpu.wait_dma2 semaphore(%dma_wait3A_671 : memref<!tpu.dma_semaphore, #tpu.memory_space<semaphore_mem>>) src(%dma_wait3A_676 : memref<128x256xf32, #tpu.memory_space<vmem>>) dst(%dma_wait3A_673 : memref<128x256xf32, #tpu.memory_space<hbm>>)
    %add3A_677 = arith.constant 896 : i32
    %add3A_678 = arith.addi %mul3A_2, %add3A_677 : i32
    %dma_start3A_679 = arith.constant 1 : i32
    %dma_start3A_680 = arith.constant 128 : i32
    %dma_start3A_681 = arith.constant 0 : i32
    %dma_start3A_682 = tpu.memref_slice %arg4[%dma_start3A_680, %dma_start3A_681] : memref<256x256xf32, #tpu.memory_space<vmem>> -> memref<128x256xf32, #tpu.memory_space<vmem>>
    %dma_start3A_683 = arith.constant 0 : i32
    %dma_start3A_684 = tpu.memref_slice %arg2[%add3A_678, %dma_start3A_683] : memref<65536x256xf32, #tpu.memory_space<hbm>> -> memref<128x256xf32, #tpu.memory_space<hbm>>
    %dma_start3A_685 = tpu.memref_slice %arg5[%dma_start3A_679] : memref<2x!tpu.dma_semaphore, #tpu.memory_space<semaphore_mem>> -> memref<1x!tpu.dma_semaphore, #tpu.memory_space<semaphore_mem>>
    %dma_start3A_686 = tpu.memref_squeeze %dma_start3A_685 : memref<1x!tpu.dma_semaphore, #tpu.memory_space<semaphore_mem>> -> memref<!tpu.dma_semaphore, #tpu.memory_space<semaphore_mem>>
    %dma_start3A_687 = arith.constant 128 : i32
    %dma_start3A_688 = arith.constant 0 : i32
    %dma_start3A_689 = tpu.memref_slice %arg4[%dma_start3A_687, %dma_start3A_688] : memref<256x256xf32, #tpu.memory_space<vmem>> -> memref<128x256xf32, #tpu.memory_space<vmem>>
    %dma_start3A_690 = arith.constant 0 : i32
    %dma_start3A_691 = tpu.memref_slice %arg2[%add3A_678, %dma_start3A_690] : memref<65536x256xf32, #tpu.memory_space<hbm>> -> memref<128x256xf32, #tpu.memory_space<hbm>>
    tpu.enqueue_dma source(%dma_start3A_691 : memref<128x256xf32, #tpu.memory_space<hbm>>) target(%dma_start3A_689 : memref<128x256xf32, #tpu.memory_space<vmem>>) target_semaphore(%dma_start3A_686 : memref<!tpu.dma_semaphore, #tpu.memory_space<semaphore_mem>>)
    %add3A_692 = arith.constant 896 : i32
    %add3A_693 = arith.addi %mul3A_2, %add3A_692 : i32
    %dma_wait3A_694 = arith.constant 1 : i32
    %dma_wait3A_695 = arith.constant 128 : i32
    %dma_wait3A_696 = arith.constant 0 : i32
    %dma_wait3A_697 = tpu.memref_slice %arg4[%dma_wait3A_695, %dma_wait3A_696] : memref<256x256xf32, #tpu.memory_space<vmem>> -> memref<128x256xf32, #tpu.memory_space<vmem>>
    %dma_wait3A_698 = arith.constant 0 : i32
    %dma_wait3A_699 = tpu.memref_slice %arg2[%add3A_693, %dma_wait3A_698] : memref<65536x256xf32, #tpu.memory_space<hbm>> -> memref<128x256xf32, #tpu.memory_space<hbm>>
    %dma_wait3A_700 = tpu.memref_slice %arg5[%dma_wait3A_694] : memref<2x!tpu.dma_semaphore, #tpu.memory_space<semaphore_mem>> -> memref<1x!tpu.dma_semaphore, #tpu.memory_space<semaphore_mem>>
    %dma_wait3A_701 = tpu.memref_squeeze %dma_wait3A_700 : memref<1x!tpu.dma_semaphore, #tpu.memory_space<semaphore_mem>> -> memref<!tpu.dma_semaphore, #tpu.memory_space<semaphore_mem>>
    %dma_wait3A_702 = arith.constant 128 : i32
    %dma_wait3A_703 = arith.constant 0 : i32
    %dma_wait3A_704 = tpu.memref_slice %arg4[%dma_wait3A_702, %dma_wait3A_703] : memref<256x256xf32, #tpu.memory_space<vmem>> -> memref<128x256xf32, #tpu.memory_space<vmem>>
    %dma_wait3A_705 = arith.constant 0 : i32
    %dma_wait3A_706 = tpu.memref_slice %arg2[%add3A_693, %dma_wait3A_705] : memref<65536x256xf32, #tpu.memory_space<hbm>> -> memref<128x256xf32, #tpu.memory_space<hbm>>
    tpu.wait_dma2 semaphore(%dma_wait3A_701 : memref<!tpu.dma_semaphore, #tpu.memory_space<semaphore_mem>>) src(%dma_wait3A_706 : memref<128x256xf32, #tpu.memory_space<hbm>>) dst(%dma_wait3A_704 : memref<128x256xf32, #tpu.memory_space<vmem>>)
    %iota3A_707 = tpu.iota {dimensions = array<i32: 0>} : vector<16xi32>
    %mul3A_708 = arith.constant 0 : i32
    %mul3A_709 = vector.broadcast %mul3A_708 : i32 to vector<16xi32>
    %mul3A_710 = arith.muli %iota3A_707, %mul3A_709 : vector<16xi32>
    %add3A_711 = arith.constant 1 : i32
    %add3A_712 = vector.broadcast %add3A_711 : i32 to vector<16xi32>
    %add3A_713 = arith.addi %mul3A_710, %add3A_712 : vector<16xi32>
    %add3A_714 = arith.constant 128 : i32
    %add3A_715 = vector.broadcast %add3A_714 : i32 to vector<16xi32>
    %add3A_716 = arith.addi %iota3A_707, %add3A_715 : vector<16xi32>
    %gather3A_717 = tpu.vector_load_idx %arg4[%add3A_716, %add3A_713] : memref<256x256xf32, #tpu.memory_space<vmem>>[vector<16xi32>, vector<16xi32>], vector<16xf32>,
    tpu.vector_store_idx %arg4[%add3A_716, %mul3A_710], %gather3A_717 : memref<256x256xf32, #tpu.memory_space<vmem>>[vector<16xi32>, vector<16xi32>], vector<16xf32>,
    %add3A_718 = arith.constant 144 : i32
    %add3A_719 = vector.broadcast %add3A_718 : i32 to vector<16xi32>
    %add3A_720 = arith.addi %iota3A_707, %add3A_719 : vector<16xi32>
    %gather3A_721 = tpu.vector_load_idx %arg4[%add3A_720, %add3A_713] : memref<256x256xf32, #tpu.memory_space<vmem>>[vector<16xi32>, vector<16xi32>], vector<16xf32>,
    tpu.vector_store_idx %arg4[%add3A_720, %mul3A_710], %gather3A_721 : memref<256x256xf32, #tpu.memory_space<vmem>>[vector<16xi32>, vector<16xi32>], vector<16xf32>,
    %add3A_722 = arith.constant 160 : i32
    %add3A_723 = vector.broadcast %add3A_722 : i32 to vector<16xi32>
    %add3A_724 = arith.addi %iota3A_707, %add3A_723 : vector<16xi32>
    %gather3A_725 = tpu.vector_load_idx %arg4[%add3A_724, %add3A_713] : memref<256x256xf32, #tpu.memory_space<vmem>>[vector<16xi32>, vector<16xi32>], vector<16xf32>,
    tpu.vector_store_idx %arg4[%add3A_724, %mul3A_710], %gather3A_725 : memref<256x256xf32, #tpu.memory_space<vmem>>[vector<16xi32>, vector<16xi32>], vector<16xf32>,
    %add3A_726 = arith.constant 176 : i32
    %add3A_727 = vector.broadcast %add3A_726 : i32 to vector<16xi32>
    %add3A_728 = arith.addi %iota3A_707, %add3A_727 : vector<16xi32>
    %gather3A_729 = tpu.vector_load_idx %arg4[%add3A_728, %add3A_713] : memref<256x256xf32, #tpu.memory_space<vmem>>[vector<16xi32>, vector<16xi32>], vector<16xf32>,
    tpu.vector_store_idx %arg4[%add3A_728, %mul3A_710], %gather3A_729 : memref<256x256xf32, #tpu.memory_space<vmem>>[vector<16xi32>, vector<16xi32>], vector<16xf32>,
    %add3A_730 = arith.constant 192 : i32
    %add3A_731 = vector.broadcast %add3A_730 : i32 to vector<16xi32>
    %add3A_732 = arith.addi %iota3A_707, %add3A_731 : vector<16xi32>
    %gather3A_733 = tpu.vector_load_idx %arg4[%add3A_732, %add3A_713] : memref<256x256xf32, #tpu.memory_space<vmem>>[vector<16xi32>, vector<16xi32>], vector<16xf32>,
    tpu.vector_store_idx %arg4[%add3A_732, %mul3A_710], %gather3A_733 : memref<256x256xf32, #tpu.memory_space<vmem>>[vector<16xi32>, vector<16xi32>], vector<16xf32>,
    %add3A_734 = arith.constant 208 : i32
    %add3A_735 = vector.broadcast %add3A_734 : i32 to vector<16xi32>
    %add3A_736 = arith.addi %iota3A_707, %add3A_735 : vector<16xi32>
    %gather3A_737 = tpu.vector_load_idx %arg4[%add3A_736, %add3A_713] : memref<256x256xf32, #tpu.memory_space<vmem>>[vector<16xi32>, vector<16xi32>], vector<16xf32>,
    tpu.vector_store_idx %arg4[%add3A_736, %mul3A_710], %gather3A_737 : memref<256x256xf32, #tpu.memory_space<vmem>>[vector<16xi32>, vector<16xi32>], vector<16xf32>,
    %add3A_738 = arith.constant 224 : i32
    %add3A_739 = vector.broadcast %add3A_738 : i32 to vector<16xi32>
    %add3A_740 = arith.addi %iota3A_707, %add3A_739 : vector<16xi32>
    %gather3A_741 = tpu.vector_load_idx %arg4[%add3A_740, %add3A_713] : memref<256x256xf32, #tpu.memory_space<vmem>>[vector<16xi32>, vector<16xi32>], vector<16xf32>,
    tpu.vector_store_idx %arg4[%add3A_740, %mul3A_710], %gather3A_741 : memref<256x256xf32, #tpu.memory_space<vmem>>[vector<16xi32>, vector<16xi32>], vector<16xf32>,
    %add3A_742 = arith.constant 240 : i32
    %add3A_743 = vector.broadcast %add3A_742 : i32 to vector<16xi32>
    %add3A_744 = arith.addi %iota3A_707, %add3A_743 : vector<16xi32>
    %gather3A_745 = tpu.vector_load_idx %arg4[%add3A_744, %add3A_713] : memref<256x256xf32, #tpu.memory_space<vmem>>[vector<16xi32>, vector<16xi32>], vector<16xf32>,
    tpu.vector_store_idx %arg4[%add3A_744, %mul3A_710], %gather3A_745 : memref<256x256xf32, #tpu.memory_space<vmem>>[vector<16xi32>, vector<16xi32>], vector<16xf32>,
    %add3A_746 = arith.constant 896 : i32
    %add3A_747 = arith.addi %mul3A_2, %add3A_746 : i32
    %dma_start3A_748 = arith.constant 1 : i32
    %dma_start3A_749 = arith.constant 128 : i32
    %dma_start3A_750 = arith.constant 0 : i32
    %dma_start3A_751 = tpu.memref_slice %arg4[%dma_start3A_749, %dma_start3A_750] : memref<256x256xf32, #tpu.memory_space<vmem>> -> memref<128x256xf32, #tpu.memory_space<vmem>>
    %dma_start3A_752 = arith.constant 0 : i32
    %dma_start3A_753 = tpu.memref_slice %arg3[%add3A_747, %dma_start3A_752] : memref<65536x256xf32, #tpu.memory_space<hbm>> -> memref<128x256xf32, #tpu.memory_space<hbm>>
    %dma_start3A_754 = tpu.memref_slice %arg6[%dma_start3A_748] : memref<2x!tpu.dma_semaphore, #tpu.memory_space<semaphore_mem>> -> memref<1x!tpu.dma_semaphore, #tpu.memory_space<semaphore_mem>>
    %dma_start3A_755 = tpu.memref_squeeze %dma_start3A_754 : memref<1x!tpu.dma_semaphore, #tpu.memory_space<semaphore_mem>> -> memref<!tpu.dma_semaphore, #tpu.memory_space<semaphore_mem>>
    %dma_start3A_756 = arith.constant 0 : i32
    %dma_start3A_757 = tpu.memref_slice %arg3[%add3A_747, %dma_start3A_756] : memref<65536x256xf32, #tpu.memory_space<hbm>> -> memref<128x256xf32, #tpu.memory_space<hbm>>
    %dma_start3A_758 = arith.constant 128 : i32
    %dma_start3A_759 = arith.constant 0 : i32
    %dma_start3A_760 = tpu.memref_slice %arg4[%dma_start3A_758, %dma_start3A_759] : memref<256x256xf32, #tpu.memory_space<vmem>> -> memref<128x256xf32, #tpu.memory_space<vmem>>
    tpu.enqueue_dma source(%dma_start3A_760 : memref<128x256xf32, #tpu.memory_space<vmem>>) target(%dma_start3A_757 : memref<128x256xf32, #tpu.memory_space<hbm>>) target_semaphore(%dma_start3A_755 : memref<!tpu.dma_semaphore, #tpu.memory_space<semaphore_mem>>)
    %add3A_761 = arith.constant 768 : i32
    %add3A_762 = arith.addi %mul3A_2, %add3A_761 : i32
    %dma_wait3A_763 = arith.constant 0 : i32
    %dma_wait3A_764 = arith.constant 0 : i32
    %dma_wait3A_765 = arith.constant 0 : i32
    %dma_wait3A_766 = tpu.memref_slice %arg4[%dma_wait3A_764, %dma_wait3A_765] : memref<256x256xf32, #tpu.memory_space<vmem>> -> memref<128x256xf32, #tpu.memory_space<vmem>>
    %dma_wait3A_767 = arith.constant 0 : i32
    %dma_wait3A_768 = tpu.memref_slice %arg3[%add3A_762, %dma_wait3A_767] : memref<65536x256xf32, #tpu.memory_space<hbm>> -> memref<128x256xf32, #tpu.memory_space<hbm>>
    %dma_wait3A_769 = tpu.memref_slice %arg6[%dma_wait3A_763] : memref<2x!tpu.dma_semaphore, #tpu.memory_space<semaphore_mem>> -> memref<1x!tpu.dma_semaphore, #tpu.memory_space<semaphore_mem>>
    %dma_wait3A_770 = tpu.memref_squeeze %dma_wait3A_769 : memref<1x!tpu.dma_semaphore, #tpu.memory_space<semaphore_mem>> -> memref<!tpu.dma_semaphore, #tpu.memory_space<semaphore_mem>>
    %dma_wait3A_771 = arith.constant 0 : i32
    %dma_wait3A_772 = tpu.memref_slice %arg3[%add3A_762, %dma_wait3A_771] : memref<65536x256xf32, #tpu.memory_space<hbm>> -> memref<128x256xf32, #tpu.memory_space<hbm>>
    %dma_wait3A_773 = arith.constant 0 : i32
    %dma_wait3A_774 = arith.constant 0 : i32
    %dma_wait3A_775 = tpu.memref_slice %arg4[%dma_wait3A_773, %dma_wait3A_774] : memref<256x256xf32, #tpu.memory_space<vmem>> -> memref<128x256xf32, #tpu.memory_space<vmem>>
    tpu.wait_dma2 semaphore(%dma_wait3A_770 : memref<!tpu.dma_semaphore, #tpu.memory_space<semaphore_mem>>) src(%dma_wait3A_775 : memref<128x256xf32, #tpu.memory_space<vmem>>) dst(%dma_wait3A_772 : memref<128x256xf32, #tpu.memory_space<hbm>>)
    %add3A_776 = arith.constant 1024 : i32
    %add3A_777 = arith.addi %mul3A_2, %add3A_776 : i32
    %dma_start3A_778 = arith.constant 0 : i32
    %dma_start3A_779 = arith.constant 0 : i32
    %dma_start3A_780 = arith.constant 0 : i32
    %dma_start3A_781 = tpu.memref_slice %arg4[%dma_start3A_779, %dma_start3A_780] : memref<256x256xf32, #tpu.memory_space<vmem>> -> memref<128x256xf32, #tpu.memory_space<vmem>>
    %dma_start3A_782 = arith.constant 0 : i32
    %dma_start3A_783 = tpu.memref_slice %arg2[%add3A_777, %dma_start3A_782] : memref<65536x256xf32, #tpu.memory_space<hbm>> -> memref<128x256xf32, #tpu.memory_space<hbm>>
    %dma_start3A_784 = tpu.memref_slice %arg5[%dma_start3A_778] : memref<2x!tpu.dma_semaphore, #tpu.memory_space<semaphore_mem>> -> memref<1x!tpu.dma_semaphore, #tpu.memory_space<semaphore_mem>>
    %dma_start3A_785 = tpu.memref_squeeze %dma_start3A_784 : memref<1x!tpu.dma_semaphore, #tpu.memory_space<semaphore_mem>> -> memref<!tpu.dma_semaphore, #tpu.memory_space<semaphore_mem>>
    %dma_start3A_786 = arith.constant 0 : i32
    %dma_start3A_787 = arith.constant 0 : i32
    %dma_start3A_788 = tpu.memref_slice %arg4[%dma_start3A_786, %dma_start3A_787] : memref<256x256xf32, #tpu.memory_space<vmem>> -> memref<128x256xf32, #tpu.memory_space<vmem>>
    %dma_start3A_789 = arith.constant 0 : i32
    %dma_start3A_790 = tpu.memref_slice %arg2[%add3A_777, %dma_start3A_789] : memref<65536x256xf32, #tpu.memory_space<hbm>> -> memref<128x256xf32, #tpu.memory_space<hbm>>
    tpu.enqueue_dma source(%dma_start3A_790 : memref<128x256xf32, #tpu.memory_space<hbm>>) target(%dma_start3A_788 : memref<128x256xf32, #tpu.memory_space<vmem>>) target_semaphore(%dma_start3A_785 : memref<!tpu.dma_semaphore, #tpu.memory_space<semaphore_mem>>)
    %add3A_791 = arith.constant 1024 : i32
    %add3A_792 = arith.addi %mul3A_2, %add3A_791 : i32
    %dma_wait3A_793 = arith.constant 0 : i32
    %dma_wait3A_794 = arith.constant 0 : i32
    %dma_wait3A_795 = arith.constant 0 : i32
    %dma_wait3A_796 = tpu.memref_slice %arg4[%dma_wait3A_794, %dma_wait3A_795] : memref<256x256xf32, #tpu.memory_space<vmem>> -> memref<128x256xf32, #tpu.memory_space<vmem>>
    %dma_wait3A_797 = arith.constant 0 : i32
    %dma_wait3A_798 = tpu.memref_slice %arg2[%add3A_792, %dma_wait3A_797] : memref<65536x256xf32, #tpu.memory_space<hbm>> -> memref<128x256xf32, #tpu.memory_space<hbm>>
    %dma_wait3A_799 = tpu.memref_slice %arg5[%dma_wait3A_793] : memref<2x!tpu.dma_semaphore, #tpu.memory_space<semaphore_mem>> -> memref<1x!tpu.dma_semaphore, #tpu.memory_space<semaphore_mem>>
    %dma_wait3A_800 = tpu.memref_squeeze %dma_wait3A_799 : memref<1x!tpu.dma_semaphore, #tpu.memory_space<semaphore_mem>> -> memref<!tpu.dma_semaphore, #tpu.memory_space<semaphore_mem>>
    %dma_wait3A_801 = arith.constant 0 : i32
    %dma_wait3A_802 = arith.constant 0 : i32
    %dma_wait3A_803 = tpu.memref_slice %arg4[%dma_wait3A_801, %dma_wait3A_802] : memref<256x256xf32, #tpu.memory_space<vmem>> -> memref<128x256xf32, #tpu.memory_space<vmem>>
    %dma_wait3A_804 = arith.constant 0 : i32
    %dma_wait3A_805 = tpu.memref_slice %arg2[%add3A_792, %dma_wait3A_804] : memref<65536x256xf32, #tpu.memory_space<hbm>> -> memref<128x256xf32, #tpu.memory_space<hbm>>
    tpu.wait_dma2 semaphore(%dma_wait3A_800 : memref<!tpu.dma_semaphore, #tpu.memory_space<semaphore_mem>>) src(%dma_wait3A_805 : memref<128x256xf32, #tpu.memory_space<hbm>>) dst(%dma_wait3A_803 : memref<128x256xf32, #tpu.memory_space<vmem>>)
    %iota3A_806 = tpu.iota {dimensions = array<i32: 0>} : vector<16xi32>
    %mul3A_807 = arith.constant 0 : i32
    %mul3A_808 = vector.broadcast %mul3A_807 : i32 to vector<16xi32>
    %mul3A_809 = arith.muli %iota3A_806, %mul3A_808 : vector<16xi32>
    %add3A_810 = arith.constant 1 : i32
    %add3A_811 = vector.broadcast %add3A_810 : i32 to vector<16xi32>
    %add3A_812 = arith.addi %mul3A_809, %add3A_811 : vector<16xi32>
    %add3A_813 = arith.constant 0 : i32
    %add3A_814 = vector.broadcast %add3A_813 : i32 to vector<16xi32>
    %add3A_815 = arith.addi %iota3A_806, %add3A_814 : vector<16xi32>
    %gather3A_816 = tpu.vector_load_idx %arg4[%add3A_815, %add3A_812] : memref<256x256xf32, #tpu.memory_space<vmem>>[vector<16xi32>, vector<16xi32>], vector<16xf32>,
    tpu.vector_store_idx %arg4[%add3A_815, %mul3A_809], %gather3A_816 : memref<256x256xf32, #tpu.memory_space<vmem>>[vector<16xi32>, vector<16xi32>], vector<16xf32>,
    %add3A_817 = arith.constant 16 : i32
    %add3A_818 = vector.broadcast %add3A_817 : i32 to vector<16xi32>
    %add3A_819 = arith.addi %iota3A_806, %add3A_818 : vector<16xi32>
    %gather3A_820 = tpu.vector_load_idx %arg4[%add3A_819, %add3A_812] : memref<256x256xf32, #tpu.memory_space<vmem>>[vector<16xi32>, vector<16xi32>], vector<16xf32>,
    tpu.vector_store_idx %arg4[%add3A_819, %mul3A_809], %gather3A_820 : memref<256x256xf32, #tpu.memory_space<vmem>>[vector<16xi32>, vector<16xi32>], vector<16xf32>,
    %add3A_821 = arith.constant 32 : i32
    %add3A_822 = vector.broadcast %add3A_821 : i32 to vector<16xi32>
    %add3A_823 = arith.addi %iota3A_806, %add3A_822 : vector<16xi32>
    %gather3A_824 = tpu.vector_load_idx %arg4[%add3A_823, %add3A_812] : memref<256x256xf32, #tpu.memory_space<vmem>>[vector<16xi32>, vector<16xi32>], vector<16xf32>,
    tpu.vector_store_idx %arg4[%add3A_823, %mul3A_809], %gather3A_824 : memref<256x256xf32, #tpu.memory_space<vmem>>[vector<16xi32>, vector<16xi32>], vector<16xf32>,
    %add3A_825 = arith.constant 48 : i32
    %add3A_826 = vector.broadcast %add3A_825 : i32 to vector<16xi32>
    %add3A_827 = arith.addi %iota3A_806, %add3A_826 : vector<16xi32>
    %gather3A_828 = tpu.vector_load_idx %arg4[%add3A_827, %add3A_812] : memref<256x256xf32, #tpu.memory_space<vmem>>[vector<16xi32>, vector<16xi32>], vector<16xf32>,
    tpu.vector_store_idx %arg4[%add3A_827, %mul3A_809], %gather3A_828 : memref<256x256xf32, #tpu.memory_space<vmem>>[vector<16xi32>, vector<16xi32>], vector<16xf32>,
    %add3A_829 = arith.constant 64 : i32
    %add3A_830 = vector.broadcast %add3A_829 : i32 to vector<16xi32>
    %add3A_831 = arith.addi %iota3A_806, %add3A_830 : vector<16xi32>
    %gather3A_832 = tpu.vector_load_idx %arg4[%add3A_831, %add3A_812] : memref<256x256xf32, #tpu.memory_space<vmem>>[vector<16xi32>, vector<16xi32>], vector<16xf32>,
    tpu.vector_store_idx %arg4[%add3A_831, %mul3A_809], %gather3A_832 : memref<256x256xf32, #tpu.memory_space<vmem>>[vector<16xi32>, vector<16xi32>], vector<16xf32>,
    %add3A_833 = arith.constant 80 : i32
    %add3A_834 = vector.broadcast %add3A_833 : i32 to vector<16xi32>
    %add3A_835 = arith.addi %iota3A_806, %add3A_834 : vector<16xi32>
    %gather3A_836 = tpu.vector_load_idx %arg4[%add3A_835, %add3A_812] : memref<256x256xf32, #tpu.memory_space<vmem>>[vector<16xi32>, vector<16xi32>], vector<16xf32>,
    tpu.vector_store_idx %arg4[%add3A_835, %mul3A_809], %gather3A_836 : memref<256x256xf32, #tpu.memory_space<vmem>>[vector<16xi32>, vector<16xi32>], vector<16xf32>,
    %add3A_837 = arith.constant 96 : i32
    %add3A_838 = vector.broadcast %add3A_837 : i32 to vector<16xi32>
    %add3A_839 = arith.addi %iota3A_806, %add3A_838 : vector<16xi32>
    %gather3A_840 = tpu.vector_load_idx %arg4[%add3A_839, %add3A_812] : memref<256x256xf32, #tpu.memory_space<vmem>>[vector<16xi32>, vector<16xi32>], vector<16xf32>,
    tpu.vector_store_idx %arg4[%add3A_839, %mul3A_809], %gather3A_840 : memref<256x256xf32, #tpu.memory_space<vmem>>[vector<16xi32>, vector<16xi32>], vector<16xf32>,
    %add3A_841 = arith.constant 112 : i32
    %add3A_842 = vector.broadcast %add3A_841 : i32 to vector<16xi32>
    %add3A_843 = arith.addi %iota3A_806, %add3A_842 : vector<16xi32>
    %gather3A_844 = tpu.vector_load_idx %arg4[%add3A_843, %add3A_812] : memref<256x256xf32, #tpu.memory_space<vmem>>[vector<16xi32>, vector<16xi32>], vector<16xf32>,
    tpu.vector_store_idx %arg4[%add3A_843, %mul3A_809], %gather3A_844 : memref<256x256xf32, #tpu.memory_space<vmem>>[vector<16xi32>, vector<16xi32>], vector<16xf32>,
    %add3A_845 = arith.constant 1024 : i32
    %add3A_846 = arith.addi %mul3A_2, %add3A_845 : i32
    %dma_start3A_847 = arith.constant 0 : i32
    %dma_start3A_848 = arith.constant 0 : i32
    %dma_start3A_849 = arith.constant 0 : i32
    %dma_start3A_850 = tpu.memref_slice %arg4[%dma_start3A_848, %dma_start3A_849] : memref<256x256xf32, #tpu.memory_space<vmem>> -> memref<128x256xf32, #tpu.memory_space<vmem>>
    %dma_start3A_851 = arith.constant 0 : i32
    %dma_start3A_852 = tpu.memref_slice %arg3[%add3A_846, %dma_start3A_851] : memref<65536x256xf32, #tpu.memory_space<hbm>> -> memref<128x256xf32, #tpu.memory_space<hbm>>
    %dma_start3A_853 = tpu.memref_slice %arg6[%dma_start3A_847] : memref<2x!tpu.dma_semaphore, #tpu.memory_space<semaphore_mem>> -> memref<1x!tpu.dma_semaphore, #tpu.memory_space<semaphore_mem>>
    %dma_start3A_854 = tpu.memref_squeeze %dma_start3A_853 : memref<1x!tpu.dma_semaphore, #tpu.memory_space<semaphore_mem>> -> memref<!tpu.dma_semaphore, #tpu.memory_space<semaphore_mem>>
    %dma_start3A_855 = arith.constant 0 : i32
    %dma_start3A_856 = tpu.memref_slice %arg3[%add3A_846, %dma_start3A_855] : memref<65536x256xf32, #tpu.memory_space<hbm>> -> memref<128x256xf32, #tpu.memory_space<hbm>>
    %dma_start3A_857 = arith.constant 0 : i32
    %dma_start3A_858 = arith.constant 0 : i32
    %dma_start3A_859 = tpu.memref_slice %arg4[%dma_start3A_857, %dma_start3A_858] : memref<256x256xf32, #tpu.memory_space<vmem>> -> memref<128x256xf32, #tpu.memory_space<vmem>>
    tpu.enqueue_dma source(%dma_start3A_859 : memref<128x256xf32, #tpu.memory_space<vmem>>) target(%dma_start3A_856 : memref<128x256xf32, #tpu.memory_space<hbm>>) target_semaphore(%dma_start3A_854 : memref<!tpu.dma_semaphore, #tpu.memory_space<semaphore_mem>>)
    %add3A_860 = arith.constant 896 : i32
    %add3A_861 = arith.addi %mul3A_2, %add3A_860 : i32
    %dma_wait3A_862 = arith.constant 1 : i32
    %dma_wait3A_863 = arith.constant 128 : i32
    %dma_wait3A_864 = arith.constant 0 : i32
    %dma_wait3A_865 = tpu.memref_slice %arg4[%dma_wait3A_863, %dma_wait3A_864] : memref<256x256xf32, #tpu.memory_space<vmem>> -> memref<128x256xf32, #tpu.memory_space<vmem>>
    %dma_wait3A_866 = arith.constant 0 : i32
    %dma_wait3A_867 = tpu.memref_slice %arg3[%add3A_861, %dma_wait3A_866] : memref<65536x256xf32, #tpu.memory_space<hbm>> -> memref<128x256xf32, #tpu.memory_space<hbm>>
    %dma_wait3A_868 = tpu.memref_slice %arg6[%dma_wait3A_862] : memref<2x!tpu.dma_semaphore, #tpu.memory_space<semaphore_mem>> -> memref<1x!tpu.dma_semaphore, #tpu.memory_space<semaphore_mem>>
    %dma_wait3A_869 = tpu.memref_squeeze %dma_wait3A_868 : memref<1x!tpu.dma_semaphore, #tpu.memory_space<semaphore_mem>> -> memref<!tpu.dma_semaphore, #tpu.memory_space<semaphore_mem>>
    %dma_wait3A_870 = arith.constant 0 : i32
    %dma_wait3A_871 = tpu.memref_slice %arg3[%add3A_861, %dma_wait3A_870] : memref<65536x256xf32, #tpu.memory_space<hbm>> -> memref<128x256xf32, #tpu.memory_space<hbm>>
    %dma_wait3A_872 = arith.constant 128 : i32
    %dma_wait3A_873 = arith.constant 0 : i32
    %dma_wait3A_874 = tpu.memref_slice %arg4[%dma_wait3A_872, %dma_wait3A_873] : memref<256x256xf32, #tpu.memory_space<vmem>> -> memref<128x256xf32, #tpu.memory_space<vmem>>
    tpu.wait_dma2 semaphore(%dma_wait3A_869 : memref<!tpu.dma_semaphore, #tpu.memory_space<semaphore_mem>>) src(%dma_wait3A_874 : memref<128x256xf32, #tpu.memory_space<vmem>>) dst(%dma_wait3A_871 : memref<128x256xf32, #tpu.memory_space<hbm>>)
    %add3A_875 = arith.constant 1152 : i32
    %add3A_876 = arith.addi %mul3A_2, %add3A_875 : i32
    %dma_start3A_877 = arith.constant 1 : i32
    %dma_start3A_878 = arith.constant 128 : i32
    %dma_start3A_879 = arith.constant 0 : i32
    %dma_start3A_880 = tpu.memref_slice %arg4[%dma_start3A_878, %dma_start3A_879] : memref<256x256xf32, #tpu.memory_space<vmem>> -> memref<128x256xf32, #tpu.memory_space<vmem>>
    %dma_start3A_881 = arith.constant 0 : i32
    %dma_start3A_882 = tpu.memref_slice %arg2[%add3A_876, %dma_start3A_881] : memref<65536x256xf32, #tpu.memory_space<hbm>> -> memref<128x256xf32, #tpu.memory_space<hbm>>
    %dma_start3A_883 = tpu.memref_slice %arg5[%dma_start3A_877] : memref<2x!tpu.dma_semaphore, #tpu.memory_space<semaphore_mem>> -> memref<1x!tpu.dma_semaphore, #tpu.memory_space<semaphore_mem>>
    %dma_start3A_884 = tpu.memref_squeeze %dma_start3A_883 : memref<1x!tpu.dma_semaphore, #tpu.memory_space<semaphore_mem>> -> memref<!tpu.dma_semaphore, #tpu.memory_space<semaphore_mem>>
    %dma_start3A_885 = arith.constant 128 : i32
    %dma_start3A_886 = arith.constant 0 : i32
    %dma_start3A_887 = tpu.memref_slice %arg4[%dma_start3A_885, %dma_start3A_886] : memref<256x256xf32, #tpu.memory_space<vmem>> -> memref<128x256xf32, #tpu.memory_space<vmem>>
    %dma_start3A_888 = arith.constant 0 : i32
    %dma_start3A_889 = tpu.memref_slice %arg2[%add3A_876, %dma_start3A_888] : memref<65536x256xf32, #tpu.memory_space<hbm>> -> memref<128x256xf32, #tpu.memory_space<hbm>>
    tpu.enqueue_dma source(%dma_start3A_889 : memref<128x256xf32, #tpu.memory_space<hbm>>) target(%dma_start3A_887 : memref<128x256xf32, #tpu.memory_space<vmem>>) target_semaphore(%dma_start3A_884 : memref<!tpu.dma_semaphore, #tpu.memory_space<semaphore_mem>>)
    %add3A_890 = arith.constant 1152 : i32
    %add3A_891 = arith.addi %mul3A_2, %add3A_890 : i32
    %dma_wait3A_892 = arith.constant 1 : i32
    %dma_wait3A_893 = arith.constant 128 : i32
    %dma_wait3A_894 = arith.constant 0 : i32
    %dma_wait3A_895 = tpu.memref_slice %arg4[%dma_wait3A_893, %dma_wait3A_894] : memref<256x256xf32, #tpu.memory_space<vmem>> -> memref<128x256xf32, #tpu.memory_space<vmem>>
    %dma_wait3A_896 = arith.constant 0 : i32
    %dma_wait3A_897 = tpu.memref_slice %arg2[%add3A_891, %dma_wait3A_896] : memref<65536x256xf32, #tpu.memory_space<hbm>> -> memref<128x256xf32, #tpu.memory_space<hbm>>
    %dma_wait3A_898 = tpu.memref_slice %arg5[%dma_wait3A_892] : memref<2x!tpu.dma_semaphore, #tpu.memory_space<semaphore_mem>> -> memref<1x!tpu.dma_semaphore, #tpu.memory_space<semaphore_mem>>
    %dma_wait3A_899 = tpu.memref_squeeze %dma_wait3A_898 : memref<1x!tpu.dma_semaphore, #tpu.memory_space<semaphore_mem>> -> memref<!tpu.dma_semaphore, #tpu.memory_space<semaphore_mem>>
    %dma_wait3A_900 = arith.constant 128 : i32
    %dma_wait3A_901 = arith.constant 0 : i32
    %dma_wait3A_902 = tpu.memref_slice %arg4[%dma_wait3A_900, %dma_wait3A_901] : memref<256x256xf32, #tpu.memory_space<vmem>> -> memref<128x256xf32, #tpu.memory_space<vmem>>
    %dma_wait3A_903 = arith.constant 0 : i32
    %dma_wait3A_904 = tpu.memref_slice %arg2[%add3A_891, %dma_wait3A_903] : memref<65536x256xf32, #tpu.memory_space<hbm>> -> memref<128x256xf32, #tpu.memory_space<hbm>>
    tpu.wait_dma2 semaphore(%dma_wait3A_899 : memref<!tpu.dma_semaphore, #tpu.memory_space<semaphore_mem>>) src(%dma_wait3A_904 : memref<128x256xf32, #tpu.memory_space<hbm>>) dst(%dma_wait3A_902 : memref<128x256xf32, #tpu.memory_space<vmem>>)
    %iota3A_905 = tpu.iota {dimensions = array<i32: 0>} : vector<16xi32>
    %mul3A_906 = arith.constant 0 : i32
    %mul3A_907 = vector.broadcast %mul3A_906 : i32 to vector<16xi32>
    %mul3A_908 = arith.muli %iota3A_905, %mul3A_907 : vector<16xi32>
    %add3A_909 = arith.constant 1 : i32
    %add3A_910 = vector.broadcast %add3A_909 : i32 to vector<16xi32>
    %add3A_911 = arith.addi %mul3A_908, %add3A_910 : vector<16xi32>
    %add3A_912 = arith.constant 128 : i32
    %add3A_913 = vector.broadcast %add3A_912 : i32 to vector<16xi32>
    %add3A_914 = arith.addi %iota3A_905, %add3A_913 : vector<16xi32>
    %gather3A_915 = tpu.vector_load_idx %arg4[%add3A_914, %add3A_911] : memref<256x256xf32, #tpu.memory_space<vmem>>[vector<16xi32>, vector<16xi32>], vector<16xf32>,
    tpu.vector_store_idx %arg4[%add3A_914, %mul3A_908], %gather3A_915 : memref<256x256xf32, #tpu.memory_space<vmem>>[vector<16xi32>, vector<16xi32>], vector<16xf32>,
    %add3A_916 = arith.constant 144 : i32
    %add3A_917 = vector.broadcast %add3A_916 : i32 to vector<16xi32>
    %add3A_918 = arith.addi %iota3A_905, %add3A_917 : vector<16xi32>
    %gather3A_919 = tpu.vector_load_idx %arg4[%add3A_918, %add3A_911] : memref<256x256xf32, #tpu.memory_space<vmem>>[vector<16xi32>, vector<16xi32>], vector<16xf32>,
    tpu.vector_store_idx %arg4[%add3A_918, %mul3A_908], %gather3A_919 : memref<256x256xf32, #tpu.memory_space<vmem>>[vector<16xi32>, vector<16xi32>], vector<16xf32>,
    %add3A_920 = arith.constant 160 : i32
    %add3A_921 = vector.broadcast %add3A_920 : i32 to vector<16xi32>
    %add3A_922 = arith.addi %iota3A_905, %add3A_921 : vector<16xi32>
    %gather3A_923 = tpu.vector_load_idx %arg4[%add3A_922, %add3A_911] : memref<256x256xf32, #tpu.memory_space<vmem>>[vector<16xi32>, vector<16xi32>], vector<16xf32>,
    tpu.vector_store_idx %arg4[%add3A_922, %mul3A_908], %gather3A_923 : memref<256x256xf32, #tpu.memory_space<vmem>>[vector<16xi32>, vector<16xi32>], vector<16xf32>,
    %add3A_924 = arith.constant 176 : i32
    %add3A_925 = vector.broadcast %add3A_924 : i32 to vector<16xi32>
    %add3A_926 = arith.addi %iota3A_905, %add3A_925 : vector<16xi32>
    %gather3A_927 = tpu.vector_load_idx %arg4[%add3A_926, %add3A_911] : memref<256x256xf32, #tpu.memory_space<vmem>>[vector<16xi32>, vector<16xi32>], vector<16xf32>,
    tpu.vector_store_idx %arg4[%add3A_926, %mul3A_908], %gather3A_927 : memref<256x256xf32, #tpu.memory_space<vmem>>[vector<16xi32>, vector<16xi32>], vector<16xf32>,
    %add3A_928 = arith.constant 192 : i32
    %add3A_929 = vector.broadcast %add3A_928 : i32 to vector<16xi32>
    %add3A_930 = arith.addi %iota3A_905, %add3A_929 : vector<16xi32>
    %gather3A_931 = tpu.vector_load_idx %arg4[%add3A_930, %add3A_911] : memref<256x256xf32, #tpu.memory_space<vmem>>[vector<16xi32>, vector<16xi32>], vector<16xf32>,
    tpu.vector_store_idx %arg4[%add3A_930, %mul3A_908], %gather3A_931 : memref<256x256xf32, #tpu.memory_space<vmem>>[vector<16xi32>, vector<16xi32>], vector<16xf32>,
    %add3A_932 = arith.constant 208 : i32
    %add3A_933 = vector.broadcast %add3A_932 : i32 to vector<16xi32>
    %add3A_934 = arith.addi %iota3A_905, %add3A_933 : vector<16xi32>
    %gather3A_935 = tpu.vector_load_idx %arg4[%add3A_934, %add3A_911] : memref<256x256xf32, #tpu.memory_space<vmem>>[vector<16xi32>, vector<16xi32>], vector<16xf32>,
    tpu.vector_store_idx %arg4[%add3A_934, %mul3A_908], %gather3A_935 : memref<256x256xf32, #tpu.memory_space<vmem>>[vector<16xi32>, vector<16xi32>], vector<16xf32>,
    %add3A_936 = arith.constant 224 : i32
    %add3A_937 = vector.broadcast %add3A_936 : i32 to vector<16xi32>
    %add3A_938 = arith.addi %iota3A_905, %add3A_937 : vector<16xi32>
    %gather3A_939 = tpu.vector_load_idx %arg4[%add3A_938, %add3A_911] : memref<256x256xf32, #tpu.memory_space<vmem>>[vector<16xi32>, vector<16xi32>], vector<16xf32>,
    tpu.vector_store_idx %arg4[%add3A_938, %mul3A_908], %gather3A_939 : memref<256x256xf32, #tpu.memory_space<vmem>>[vector<16xi32>, vector<16xi32>], vector<16xf32>,
    %add3A_940 = arith.constant 240 : i32
    %add3A_941 = vector.broadcast %add3A_940 : i32 to vector<16xi32>
    %add3A_942 = arith.addi %iota3A_905, %add3A_941 : vector<16xi32>
    %gather3A_943 = tpu.vector_load_idx %arg4[%add3A_942, %add3A_911] : memref<256x256xf32, #tpu.memory_space<vmem>>[vector<16xi32>, vector<16xi32>], vector<16xf32>,
    tpu.vector_store_idx %arg4[%add3A_942, %mul3A_908], %gather3A_943 : memref<256x256xf32, #tpu.memory_space<vmem>>[vector<16xi32>, vector<16xi32>], vector<16xf32>,
    %add3A_944 = arith.constant 1152 : i32
    %add3A_945 = arith.addi %mul3A_2, %add3A_944 : i32
    %dma_start3A_946 = arith.constant 1 : i32
    %dma_start3A_947 = arith.constant 128 : i32
    %dma_start3A_948 = arith.constant 0 : i32
    %dma_start3A_949 = tpu.memref_slice %arg4[%dma_start3A_947, %dma_start3A_948] : memref<256x256xf32, #tpu.memory_space<vmem>> -> memref<128x256xf32, #tpu.memory_space<vmem>>
    %dma_start3A_950 = arith.constant 0 : i32
    %dma_start3A_951 = tpu.memref_slice %arg3[%add3A_945, %dma_start3A_950] : memref<65536x256xf32, #tpu.memory_space<hbm>> -> memref<128x256xf32, #tpu.memory_space<hbm>>
    %dma_start3A_952 = tpu.memref_slice %arg6[%dma_start3A_946] : memref<2x!tpu.dma_semaphore, #tpu.memory_space<semaphore_mem>> -> memref<1x!tpu.dma_semaphore, #tpu.memory_space<semaphore_mem>>
    %dma_start3A_953 = tpu.memref_squeeze %dma_start3A_952 : memref<1x!tpu.dma_semaphore, #tpu.memory_space<semaphore_mem>> -> memref<!tpu.dma_semaphore, #tpu.memory_space<semaphore_mem>>
    %dma_start3A_954 = arith.constant 0 : i32
    %dma_start3A_955 = tpu.memref_slice %arg3[%add3A_945, %dma_start3A_954] : memref<65536x256xf32, #tpu.memory_space<hbm>> -> memref<128x256xf32, #tpu.memory_space<hbm>>
    %dma_start3A_956 = arith.constant 128 : i32
    %dma_start3A_957 = arith.constant 0 : i32
    %dma_start3A_958 = tpu.memref_slice %arg4[%dma_start3A_956, %dma_start3A_957] : memref<256x256xf32, #tpu.memory_space<vmem>> -> memref<128x256xf32, #tpu.memory_space<vmem>>
    tpu.enqueue_dma source(%dma_start3A_958 : memref<128x256xf32, #tpu.memory_space<vmem>>) target(%dma_start3A_955 : memref<128x256xf32, #tpu.memory_space<hbm>>) target_semaphore(%dma_start3A_953 : memref<!tpu.dma_semaphore, #tpu.memory_space<semaphore_mem>>)
    %add3A_959 = arith.constant 1024 : i32
    %add3A_960 = arith.addi %mul3A_2, %add3A_959 : i32
    %dma_wait3A_961 = arith.constant 0 : i32
    %dma_wait3A_962 = arith.constant 0 : i32
    %dma_wait3A_963 = arith.constant 0 : i32
    %dma_wait3A_964 = tpu.memref_slice %arg4[%dma_wait3A_962, %dma_wait3A_963] : memref<256x256xf32, #tpu.memory_space<vmem>> -> memref<128x256xf32, #tpu.memory_space<vmem>>
    %dma_wait3A_965 = arith.constant 0 : i32
    %dma_wait3A_966 = tpu.memref_slice %arg3[%add3A_960, %dma_wait3A_965] : memref<65536x256xf32, #tpu.memory_space<hbm>> -> memref<128x256xf32, #tpu.memory_space<hbm>>
    %dma_wait3A_967 = tpu.memref_slice %arg6[%dma_wait3A_961] : memref<2x!tpu.dma_semaphore, #tpu.memory_space<semaphore_mem>> -> memref<1x!tpu.dma_semaphore, #tpu.memory_space<semaphore_mem>>
    %dma_wait3A_968 = tpu.memref_squeeze %dma_wait3A_967 : memref<1x!tpu.dma_semaphore, #tpu.memory_space<semaphore_mem>> -> memref<!tpu.dma_semaphore, #tpu.memory_space<semaphore_mem>>
    %dma_wait3A_969 = arith.constant 0 : i32
    %dma_wait3A_970 = tpu.memref_slice %arg3[%add3A_960, %dma_wait3A_969] : memref<65536x256xf32, #tpu.memory_space<hbm>> -> memref<128x256xf32, #tpu.memory_space<hbm>>
    %dma_wait3A_971 = arith.constant 0 : i32
    %dma_wait3A_972 = arith.constant 0 : i32
    %dma_wait3A_973 = tpu.memref_slice %arg4[%dma_wait3A_971, %dma_wait3A_972] : memref<256x256xf32, #tpu.memory_space<vmem>> -> memref<128x256xf32, #tpu.memory_space<vmem>>
    tpu.wait_dma2 semaphore(%dma_wait3A_968 : memref<!tpu.dma_semaphore, #tpu.memory_space<semaphore_mem>>) src(%dma_wait3A_973 : memref<128x256xf32, #tpu.memory_space<vmem>>) dst(%dma_wait3A_970 : memref<128x256xf32, #tpu.memory_space<hbm>>)
    %add3A_974 = arith.constant 1280 : i32
    %add3A_975 = arith.addi %mul3A_2, %add3A_974 : i32
    %dma_start3A_976 = arith.constant 0 : i32
    %dma_start3A_977 = arith.constant 0 : i32
    %dma_start3A_978 = arith.constant 0 : i32
    %dma_start3A_979 = tpu.memref_slice %arg4[%dma_start3A_977, %dma_start3A_978] : memref<256x256xf32, #tpu.memory_space<vmem>> -> memref<128x256xf32, #tpu.memory_space<vmem>>
    %dma_start3A_980 = arith.constant 0 : i32
    %dma_start3A_981 = tpu.memref_slice %arg2[%add3A_975, %dma_start3A_980] : memref<65536x256xf32, #tpu.memory_space<hbm>> -> memref<128x256xf32, #tpu.memory_space<hbm>>
    %dma_start3A_982 = tpu.memref_slice %arg5[%dma_start3A_976] : memref<2x!tpu.dma_semaphore, #tpu.memory_space<semaphore_mem>> -> memref<1x!tpu.dma_semaphore, #tpu.memory_space<semaphore_mem>>
    %dma_start3A_983 = tpu.memref_squeeze %dma_start3A_982 : memref<1x!tpu.dma_semaphore, #tpu.memory_space<semaphore_mem>> -> memref<!tpu.dma_semaphore, #tpu.memory_space<semaphore_mem>>
    %dma_start3A_984 = arith.constant 0 : i32
    %dma_start3A_985 = arith.constant 0 : i32
    %dma_start3A_986 = tpu.memref_slice %arg4[%dma_start3A_984, %dma_start3A_985] : memref<256x256xf32, #tpu.memory_space<vmem>> -> memref<128x256xf32, #tpu.memory_space<vmem>>
    %dma_start3A_987 = arith.constant 0 : i32
    %dma_start3A_988 = tpu.memref_slice %arg2[%add3A_975, %dma_start3A_987] : memref<65536x256xf32, #tpu.memory_space<hbm>> -> memref<128x256xf32, #tpu.memory_space<hbm>>
    tpu.enqueue_dma source(%dma_start3A_988 : memref<128x256xf32, #tpu.memory_space<hbm>>) target(%dma_start3A_986 : memref<128x256xf32, #tpu.memory_space<vmem>>) target_semaphore(%dma_start3A_983 : memref<!tpu.dma_semaphore, #tpu.memory_space<semaphore_mem>>)
    %add3A_989 = arith.constant 1280 : i32
    %add3A_990 = arith.addi %mul3A_2, %add3A_989 : i32
    %dma_wait3A_991 = arith.constant 0 : i32
    %dma_wait3A_992 = arith.constant 0 : i32
    %dma_wait3A_993 = arith.constant 0 : i32
    %dma_wait3A_994 = tpu.memref_slice %arg4[%dma_wait3A_992, %dma_wait3A_993] : memref<256x256xf32, #tpu.memory_space<vmem>> -> memref<128x256xf32, #tpu.memory_space<vmem>>
    %dma_wait3A_995 = arith.constant 0 : i32
    %dma_wait3A_996 = tpu.memref_slice %arg2[%add3A_990, %dma_wait3A_995] : memref<65536x256xf32, #tpu.memory_space<hbm>> -> memref<128x256xf32, #tpu.memory_space<hbm>>
    %dma_wait3A_997 = tpu.memref_slice %arg5[%dma_wait3A_991] : memref<2x!tpu.dma_semaphore, #tpu.memory_space<semaphore_mem>> -> memref<1x!tpu.dma_semaphore, #tpu.memory_space<semaphore_mem>>
    %dma_wait3A_998 = tpu.memref_squeeze %dma_wait3A_997 : memref<1x!tpu.dma_semaphore, #tpu.memory_space<semaphore_mem>> -> memref<!tpu.dma_semaphore, #tpu.memory_space<semaphore_mem>>
    %dma_wait3A_999 = arith.constant 0 : i32
    %dma_wait3A_1000 = arith.constant 0 : i32
    %dma_wait3A_1001 = tpu.memref_slice %arg4[%dma_wait3A_999, %dma_wait3A_1000] : memref<256x256xf32, #tpu.memory_space<vmem>> -> memref<128x256xf32, #tpu.memory_space<vmem>>
    %dma_wait3A_1002 = arith.constant 0 : i32
    %dma_wait3A_1003 = tpu.memref_slice %arg2[%add3A_990, %dma_wait3A_1002] : memref<65536x256xf32, #tpu.memory_space<hbm>> -> memref<128x256xf32, #tpu.memory_space<hbm>>
    tpu.wait_dma2 semaphore(%dma_wait3A_998 : memref<!tpu.dma_semaphore, #tpu.memory_space<semaphore_mem>>) src(%dma_wait3A_1003 : memref<128x256xf32, #tpu.memory_space<hbm>>) dst(%dma_wait3A_1001 : memref<128x256xf32, #tpu.memory_space<vmem>>)
    %iota3A_1004 = tpu.iota {dimensions = array<i32: 0>} : vector<16xi32>
    %mul3A_1005 = arith.constant 0 : i32
    %mul3A_1006 = vector.broadcast %mul3A_1005 : i32 to vector<16xi32>
    %mul3A_1007 = arith.muli %iota3A_1004, %mul3A_1006 : vector<16xi32>
    %add3A_1008 = arith.constant 1 : i32
    %add3A_1009 = vector.broadcast %add3A_1008 : i32 to vector<16xi32>
    %add3A_1010 = arith.addi %mul3A_1007, %add3A_1009 : vector<16xi32>
    %add3A_1011 = arith.constant 0 : i32
    %add3A_1012 = vector.broadcast %add3A_1011 : i32 to vector<16xi32>
    %add3A_1013 = arith.addi %iota3A_1004, %add3A_1012 : vector<16xi32>
    %gather3A_1014 = tpu.vector_load_idx %arg4[%add3A_1013, %add3A_1010] : memref<256x256xf32, #tpu.memory_space<vmem>>[vector<16xi32>, vector<16xi32>], vector<16xf32>,
    tpu.vector_store_idx %arg4[%add3A_1013, %mul3A_1007], %gather3A_1014 : memref<256x256xf32, #tpu.memory_space<vmem>>[vector<16xi32>, vector<16xi32>], vector<16xf32>,
    %add3A_1015 = arith.constant 16 : i32
    %add3A_1016 = vector.broadcast %add3A_1015 : i32 to vector<16xi32>
    %add3A_1017 = arith.addi %iota3A_1004, %add3A_1016 : vector<16xi32>
    %gather3A_1018 = tpu.vector_load_idx %arg4[%add3A_1017, %add3A_1010] : memref<256x256xf32, #tpu.memory_space<vmem>>[vector<16xi32>, vector<16xi32>], vector<16xf32>,
    tpu.vector_store_idx %arg4[%add3A_1017, %mul3A_1007], %gather3A_1018 : memref<256x256xf32, #tpu.memory_space<vmem>>[vector<16xi32>, vector<16xi32>], vector<16xf32>,
    %add3A_1019 = arith.constant 32 : i32
    %add3A_1020 = vector.broadcast %add3A_1019 : i32 to vector<16xi32>
    %add3A_1021 = arith.addi %iota3A_1004, %add3A_1020 : vector<16xi32>
    %gather3A_1022 = tpu.vector_load_idx %arg4[%add3A_1021, %add3A_1010] : memref<256x256xf32, #tpu.memory_space<vmem>>[vector<16xi32>, vector<16xi32>], vector<16xf32>,
    tpu.vector_store_idx %arg4[%add3A_1021, %mul3A_1007], %gather3A_1022 : memref<256x256xf32, #tpu.memory_space<vmem>>[vector<16xi32>, vector<16xi32>], vector<16xf32>,
    %add3A_1023 = arith.constant 48 : i32
    %add3A_1024 = vector.broadcast %add3A_1023 : i32 to vector<16xi32>
    %add3A_1025 = arith.addi %iota3A_1004, %add3A_1024 : vector<16xi32>
    %gather3A_1026 = tpu.vector_load_idx %arg4[%add3A_1025, %add3A_1010] : memref<256x256xf32, #tpu.memory_space<vmem>>[vector<16xi32>, vector<16xi32>], vector<16xf32>,
    tpu.vector_store_idx %arg4[%add3A_1025, %mul3A_1007], %gather3A_1026 : memref<256x256xf32, #tpu.memory_space<vmem>>[vector<16xi32>, vector<16xi32>], vector<16xf32>,
    %add3A_1027 = arith.constant 64 : i32
    %add3A_1028 = vector.broadcast %add3A_1027 : i32 to vector<16xi32>
    %add3A_1029 = arith.addi %iota3A_1004, %add3A_1028 : vector<16xi32>
    %gather3A_1030 = tpu.vector_load_idx %arg4[%add3A_1029, %add3A_1010] : memref<256x256xf32, #tpu.memory_space<vmem>>[vector<16xi32>, vector<16xi32>], vector<16xf32>,
    tpu.vector_store_idx %arg4[%add3A_1029, %mul3A_1007], %gather3A_1030 : memref<256x256xf32, #tpu.memory_space<vmem>>[vector<16xi32>, vector<16xi32>], vector<16xf32>,
    %add3A_1031 = arith.constant 80 : i32
    %add3A_1032 = vector.broadcast %add3A_1031 : i32 to vector<16xi32>
    %add3A_1033 = arith.addi %iota3A_1004, %add3A_1032 : vector<16xi32>
    %gather3A_1034 = tpu.vector_load_idx %arg4[%add3A_1033, %add3A_1010] : memref<256x256xf32, #tpu.memory_space<vmem>>[vector<16xi32>, vector<16xi32>], vector<16xf32>,
    tpu.vector_store_idx %arg4[%add3A_1033, %mul3A_1007], %gather3A_1034 : memref<256x256xf32, #tpu.memory_space<vmem>>[vector<16xi32>, vector<16xi32>], vector<16xf32>,
    %add3A_1035 = arith.constant 96 : i32
    %add3A_1036 = vector.broadcast %add3A_1035 : i32 to vector<16xi32>
    %add3A_1037 = arith.addi %iota3A_1004, %add3A_1036 : vector<16xi32>
    %gather3A_1038 = tpu.vector_load_idx %arg4[%add3A_1037, %add3A_1010] : memref<256x256xf32, #tpu.memory_space<vmem>>[vector<16xi32>, vector<16xi32>], vector<16xf32>,
    tpu.vector_store_idx %arg4[%add3A_1037, %mul3A_1007], %gather3A_1038 : memref<256x256xf32, #tpu.memory_space<vmem>>[vector<16xi32>, vector<16xi32>], vector<16xf32>,
    %add3A_1039 = arith.constant 112 : i32
    %add3A_1040 = vector.broadcast %add3A_1039 : i32 to vector<16xi32>
    %add3A_1041 = arith.addi %iota3A_1004, %add3A_1040 : vector<16xi32>
    %gather3A_1042 = tpu.vector_load_idx %arg4[%add3A_1041, %add3A_1010] : memref<256x256xf32, #tpu.memory_space<vmem>>[vector<16xi32>, vector<16xi32>], vector<16xf32>,
    tpu.vector_store_idx %arg4[%add3A_1041, %mul3A_1007], %gather3A_1042 : memref<256x256xf32, #tpu.memory_space<vmem>>[vector<16xi32>, vector<16xi32>], vector<16xf32>,
    %add3A_1043 = arith.constant 1280 : i32
    %add3A_1044 = arith.addi %mul3A_2, %add3A_1043 : i32
    %dma_start3A_1045 = arith.constant 0 : i32
    %dma_start3A_1046 = arith.constant 0 : i32
    %dma_start3A_1047 = arith.constant 0 : i32
    %dma_start3A_1048 = tpu.memref_slice %arg4[%dma_start3A_1046, %dma_start3A_1047] : memref<256x256xf32, #tpu.memory_space<vmem>> -> memref<128x256xf32, #tpu.memory_space<vmem>>
    %dma_start3A_1049 = arith.constant 0 : i32
    %dma_start3A_1050 = tpu.memref_slice %arg3[%add3A_1044, %dma_start3A_1049] : memref<65536x256xf32, #tpu.memory_space<hbm>> -> memref<128x256xf32, #tpu.memory_space<hbm>>
    %dma_start3A_1051 = tpu.memref_slice %arg6[%dma_start3A_1045] : memref<2x!tpu.dma_semaphore, #tpu.memory_space<semaphore_mem>> -> memref<1x!tpu.dma_semaphore, #tpu.memory_space<semaphore_mem>>
    %dma_start3A_1052 = tpu.memref_squeeze %dma_start3A_1051 : memref<1x!tpu.dma_semaphore, #tpu.memory_space<semaphore_mem>> -> memref<!tpu.dma_semaphore, #tpu.memory_space<semaphore_mem>>
    %dma_start3A_1053 = arith.constant 0 : i32
    %dma_start3A_1054 = tpu.memref_slice %arg3[%add3A_1044, %dma_start3A_1053] : memref<65536x256xf32, #tpu.memory_space<hbm>> -> memref<128x256xf32, #tpu.memory_space<hbm>>
    %dma_start3A_1055 = arith.constant 0 : i32
    %dma_start3A_1056 = arith.constant 0 : i32
    %dma_start3A_1057 = tpu.memref_slice %arg4[%dma_start3A_1055, %dma_start3A_1056] : memref<256x256xf32, #tpu.memory_space<vmem>> -> memref<128x256xf32, #tpu.memory_space<vmem>>
    tpu.enqueue_dma source(%dma_start3A_1057 : memref<128x256xf32, #tpu.memory_space<vmem>>) target(%dma_start3A_1054 : memref<128x256xf32, #tpu.memory_space<hbm>>) target_semaphore(%dma_start3A_1052 : memref<!tpu.dma_semaphore, #tpu.memory_space<semaphore_mem>>)
    %add3A_1058 = arith.constant 1152 : i32
    %add3A_1059 = arith.addi %mul3A_2, %add3A_1058 : i32
    %dma_wait3A_1060 = arith.constant 1 : i32
    %dma_wait3A_1061 = arith.constant 128 : i32
    %dma_wait3A_1062 = arith.constant 0 : i32
    %dma_wait3A_1063 = tpu.memref_slice %arg4[%dma_wait3A_1061, %dma_wait3A_1062] : memref<256x256xf32, #tpu.memory_space<vmem>> -> memref<128x256xf32, #tpu.memory_space<vmem>>
    %dma_wait3A_1064 = arith.constant 0 : i32
    %dma_wait3A_1065 = tpu.memref_slice %arg3[%add3A_1059, %dma_wait3A_1064] : memref<65536x256xf32, #tpu.memory_space<hbm>> -> memref<128x256xf32, #tpu.memory_space<hbm>>
    %dma_wait3A_1066 = tpu.memref_slice %arg6[%dma_wait3A_1060] : memref<2x!tpu.dma_semaphore, #tpu.memory_space<semaphore_mem>> -> memref<1x!tpu.dma_semaphore, #tpu.memory_space<semaphore_mem>>
    %dma_wait3A_1067 = tpu.memref_squeeze %dma_wait3A_1066 : memref<1x!tpu.dma_semaphore, #tpu.memory_space<semaphore_mem>> -> memref<!tpu.dma_semaphore, #tpu.memory_space<semaphore_mem>>
    %dma_wait3A_1068 = arith.constant 0 : i32
    %dma_wait3A_1069 = tpu.memref_slice %arg3[%add3A_1059, %dma_wait3A_1068] : memref<65536x256xf32, #tpu.memory_space<hbm>> -> memref<128x256xf32, #tpu.memory_space<hbm>>
    %dma_wait3A_1070 = arith.constant 128 : i32
    %dma_wait3A_1071 = arith.constant 0 : i32
    %dma_wait3A_1072 = tpu.memref_slice %arg4[%dma_wait3A_1070, %dma_wait3A_1071] : memref<256x256xf32, #tpu.memory_space<vmem>> -> memref<128x256xf32, #tpu.memory_space<vmem>>
    tpu.wait_dma2 semaphore(%dma_wait3A_1067 : memref<!tpu.dma_semaphore, #tpu.memory_space<semaphore_mem>>) src(%dma_wait3A_1072 : memref<128x256xf32, #tpu.memory_space<vmem>>) dst(%dma_wait3A_1069 : memref<128x256xf32, #tpu.memory_space<hbm>>)
    %add3A_1073 = arith.constant 1408 : i32
    %add3A_1074 = arith.addi %mul3A_2, %add3A_1073 : i32
    %dma_start3A_1075 = arith.constant 1 : i32
    %dma_start3A_1076 = arith.constant 128 : i32
    %dma_start3A_1077 = arith.constant 0 : i32
    %dma_start3A_1078 = tpu.memref_slice %arg4[%dma_start3A_1076, %dma_start3A_1077] : memref<256x256xf32, #tpu.memory_space<vmem>> -> memref<128x256xf32, #tpu.memory_space<vmem>>
    %dma_start3A_1079 = arith.constant 0 : i32
    %dma_start3A_1080 = tpu.memref_slice %arg2[%add3A_1074, %dma_start3A_1079] : memref<65536x256xf32, #tpu.memory_space<hbm>> -> memref<128x256xf32, #tpu.memory_space<hbm>>
    %dma_start3A_1081 = tpu.memref_slice %arg5[%dma_start3A_1075] : memref<2x!tpu.dma_semaphore, #tpu.memory_space<semaphore_mem>> -> memref<1x!tpu.dma_semaphore, #tpu.memory_space<semaphore_mem>>
    %dma_start3A_1082 = tpu.memref_squeeze %dma_start3A_1081 : memref<1x!tpu.dma_semaphore, #tpu.memory_space<semaphore_mem>> -> memref<!tpu.dma_semaphore, #tpu.memory_space<semaphore_mem>>
    %dma_start3A_1083 = arith.constant 128 : i32
    %dma_start3A_1084 = arith.constant 0 : i32
    %dma_start3A_1085 = tpu.memref_slice %arg4[%dma_start3A_1083, %dma_start3A_1084] : memref<256x256xf32, #tpu.memory_space<vmem>> -> memref<128x256xf32, #tpu.memory_space<vmem>>
    %dma_start3A_1086 = arith.constant 0 : i32
    %dma_start3A_1087 = tpu.memref_slice %arg2[%add3A_1074, %dma_start3A_1086] : memref<65536x256xf32, #tpu.memory_space<hbm>> -> memref<128x256xf32, #tpu.memory_space<hbm>>
    tpu.enqueue_dma source(%dma_start3A_1087 : memref<128x256xf32, #tpu.memory_space<hbm>>) target(%dma_start3A_1085 : memref<128x256xf32, #tpu.memory_space<vmem>>) target_semaphore(%dma_start3A_1082 : memref<!tpu.dma_semaphore, #tpu.memory_space<semaphore_mem>>)
    %add3A_1088 = arith.constant 1408 : i32
    %add3A_1089 = arith.addi %mul3A_2, %add3A_1088 : i32
    %dma_wait3A_1090 = arith.constant 1 : i32
    %dma_wait3A_1091 = arith.constant 128 : i32
    %dma_wait3A_1092 = arith.constant 0 : i32
    %dma_wait3A_1093 = tpu.memref_slice %arg4[%dma_wait3A_1091, %dma_wait3A_1092] : memref<256x256xf32, #tpu.memory_space<vmem>> -> memref<128x256xf32, #tpu.memory_space<vmem>>
    %dma_wait3A_1094 = arith.constant 0 : i32
    %dma_wait3A_1095 = tpu.memref_slice %arg2[%add3A_1089, %dma_wait3A_1094] : memref<65536x256xf32, #tpu.memory_space<hbm>> -> memref<128x256xf32, #tpu.memory_space<hbm>>
    %dma_wait3A_1096 = tpu.memref_slice %arg5[%dma_wait3A_1090] : memref<2x!tpu.dma_semaphore, #tpu.memory_space<semaphore_mem>> -> memref<1x!tpu.dma_semaphore, #tpu.memory_space<semaphore_mem>>
    %dma_wait3A_1097 = tpu.memref_squeeze %dma_wait3A_1096 : memref<1x!tpu.dma_semaphore, #tpu.memory_space<semaphore_mem>> -> memref<!tpu.dma_semaphore, #tpu.memory_space<semaphore_mem>>
    %dma_wait3A_1098 = arith.constant 128 : i32
    %dma_wait3A_1099 = arith.constant 0 : i32
    %dma_wait3A_1100 = tpu.memref_slice %arg4[%dma_wait3A_1098, %dma_wait3A_1099] : memref<256x256xf32, #tpu.memory_space<vmem>> -> memref<128x256xf32, #tpu.memory_space<vmem>>
    %dma_wait3A_1101 = arith.constant 0 : i32
    %dma_wait3A_1102 = tpu.memref_slice %arg2[%add3A_1089, %dma_wait3A_1101] : memref<65536x256xf32, #tpu.memory_space<hbm>> -> memref<128x256xf32, #tpu.memory_space<hbm>>
    tpu.wait_dma2 semaphore(%dma_wait3A_1097 : memref<!tpu.dma_semaphore, #tpu.memory_space<semaphore_mem>>) src(%dma_wait3A_1102 : memref<128x256xf32, #tpu.memory_space<hbm>>) dst(%dma_wait3A_1100 : memref<128x256xf32, #tpu.memory_space<vmem>>)
    %iota3A_1103 = tpu.iota {dimensions = array<i32: 0>} : vector<16xi32>
    %mul3A_1104 = arith.constant 0 : i32
    %mul3A_1105 = vector.broadcast %mul3A_1104 : i32 to vector<16xi32>
    %mul3A_1106 = arith.muli %iota3A_1103, %mul3A_1105 : vector<16xi32>
    %add3A_1107 = arith.constant 1 : i32
    %add3A_1108 = vector.broadcast %add3A_1107 : i32 to vector<16xi32>
    %add3A_1109 = arith.addi %mul3A_1106, %add3A_1108 : vector<16xi32>
    %add3A_1110 = arith.constant 128 : i32
    %add3A_1111 = vector.broadcast %add3A_1110 : i32 to vector<16xi32>
    %add3A_1112 = arith.addi %iota3A_1103, %add3A_1111 : vector<16xi32>
    %gather3A_1113 = tpu.vector_load_idx %arg4[%add3A_1112, %add3A_1109] : memref<256x256xf32, #tpu.memory_space<vmem>>[vector<16xi32>, vector<16xi32>], vector<16xf32>,
    tpu.vector_store_idx %arg4[%add3A_1112, %mul3A_1106], %gather3A_1113 : memref<256x256xf32, #tpu.memory_space<vmem>>[vector<16xi32>, vector<16xi32>], vector<16xf32>,
    %add3A_1114 = arith.constant 144 : i32
    %add3A_1115 = vector.broadcast %add3A_1114 : i32 to vector<16xi32>
    %add3A_1116 = arith.addi %iota3A_1103, %add3A_1115 : vector<16xi32>
    %gather3A_1117 = tpu.vector_load_idx %arg4[%add3A_1116, %add3A_1109] : memref<256x256xf32, #tpu.memory_space<vmem>>[vector<16xi32>, vector<16xi32>], vector<16xf32>,
    tpu.vector_store_idx %arg4[%add3A_1116, %mul3A_1106], %gather3A_1117 : memref<256x256xf32, #tpu.memory_space<vmem>>[vector<16xi32>, vector<16xi32>], vector<16xf32>,
    %add3A_1118 = arith.constant 160 : i32
    %add3A_1119 = vector.broadcast %add3A_1118 : i32 to vector<16xi32>
    %add3A_1120 = arith.addi %iota3A_1103, %add3A_1119 : vector<16xi32>
    %gather3A_1121 = tpu.vector_load_idx %arg4[%add3A_1120, %add3A_1109] : memref<256x256xf32, #tpu.memory_space<vmem>>[vector<16xi32>, vector<16xi32>], vector<16xf32>,
    tpu.vector_store_idx %arg4[%add3A_1120, %mul3A_1106], %gather3A_1121 : memref<256x256xf32, #tpu.memory_space<vmem>>[vector<16xi32>, vector<16xi32>], vector<16xf32>,
    %add3A_1122 = arith.constant 176 : i32
    %add3A_1123 = vector.broadcast %add3A_1122 : i32 to vector<16xi32>
    %add3A_1124 = arith.addi %iota3A_1103, %add3A_1123 : vector<16xi32>
    %gather3A_1125 = tpu.vector_load_idx %arg4[%add3A_1124, %add3A_1109] : memref<256x256xf32, #tpu.memory_space<vmem>>[vector<16xi32>, vector<16xi32>], vector<16xf32>,
    tpu.vector_store_idx %arg4[%add3A_1124, %mul3A_1106], %gather3A_1125 : memref<256x256xf32, #tpu.memory_space<vmem>>[vector<16xi32>, vector<16xi32>], vector<16xf32>,
    %add3A_1126 = arith.constant 192 : i32
    %add3A_1127 = vector.broadcast %add3A_1126 : i32 to vector<16xi32>
    %add3A_1128 = arith.addi %iota3A_1103, %add3A_1127 : vector<16xi32>
    %gather3A_1129 = tpu.vector_load_idx %arg4[%add3A_1128, %add3A_1109] : memref<256x256xf32, #tpu.memory_space<vmem>>[vector<16xi32>, vector<16xi32>], vector<16xf32>,
    tpu.vector_store_idx %arg4[%add3A_1128, %mul3A_1106], %gather3A_1129 : memref<256x256xf32, #tpu.memory_space<vmem>>[vector<16xi32>, vector<16xi32>], vector<16xf32>,
    %add3A_1130 = arith.constant 208 : i32
    %add3A_1131 = vector.broadcast %add3A_1130 : i32 to vector<16xi32>
    %add3A_1132 = arith.addi %iota3A_1103, %add3A_1131 : vector<16xi32>
    %gather3A_1133 = tpu.vector_load_idx %arg4[%add3A_1132, %add3A_1109] : memref<256x256xf32, #tpu.memory_space<vmem>>[vector<16xi32>, vector<16xi32>], vector<16xf32>,
    tpu.vector_store_idx %arg4[%add3A_1132, %mul3A_1106], %gather3A_1133 : memref<256x256xf32, #tpu.memory_space<vmem>>[vector<16xi32>, vector<16xi32>], vector<16xf32>,
    %add3A_1134 = arith.constant 224 : i32
    %add3A_1135 = vector.broadcast %add3A_1134 : i32 to vector<16xi32>
    %add3A_1136 = arith.addi %iota3A_1103, %add3A_1135 : vector<16xi32>
    %gather3A_1137 = tpu.vector_load_idx %arg4[%add3A_1136, %add3A_1109] : memref<256x256xf32, #tpu.memory_space<vmem>>[vector<16xi32>, vector<16xi32>], vector<16xf32>,
    tpu.vector_store_idx %arg4[%add3A_1136, %mul3A_1106], %gather3A_1137 : memref<256x256xf32, #tpu.memory_space<vmem>>[vector<16xi32>, vector<16xi32>], vector<16xf32>,
    %add3A_1138 = arith.constant 240 : i32
    %add3A_1139 = vector.broadcast %add3A_1138 : i32 to vector<16xi32>
    %add3A_1140 = arith.addi %iota3A_1103, %add3A_1139 : vector<16xi32>
    %gather3A_1141 = tpu.vector_load_idx %arg4[%add3A_1140, %add3A_1109] : memref<256x256xf32, #tpu.memory_space<vmem>>[vector<16xi32>, vector<16xi32>], vector<16xf32>,
    tpu.vector_store_idx %arg4[%add3A_1140, %mul3A_1106], %gather3A_1141 : memref<256x256xf32, #tpu.memory_space<vmem>>[vector<16xi32>, vector<16xi32>], vector<16xf32>,
    %add3A_1142 = arith.constant 1408 : i32
    %add3A_1143 = arith.addi %mul3A_2, %add3A_1142 : i32
    %dma_start3A_1144 = arith.constant 1 : i32
    %dma_start3A_1145 = arith.constant 128 : i32
    %dma_start3A_1146 = arith.constant 0 : i32
    %dma_start3A_1147 = tpu.memref_slice %arg4[%dma_start3A_1145, %dma_start3A_1146] : memref<256x256xf32, #tpu.memory_space<vmem>> -> memref<128x256xf32, #tpu.memory_space<vmem>>
    %dma_start3A_1148 = arith.constant 0 : i32
    %dma_start3A_1149 = tpu.memref_slice %arg3[%add3A_1143, %dma_start3A_1148] : memref<65536x256xf32, #tpu.memory_space<hbm>> -> memref<128x256xf32, #tpu.memory_space<hbm>>
    %dma_start3A_1150 = tpu.memref_slice %arg6[%dma_start3A_1144] : memref<2x!tpu.dma_semaphore, #tpu.memory_space<semaphore_mem>> -> memref<1x!tpu.dma_semaphore, #tpu.memory_space<semaphore_mem>>
    %dma_start3A_1151 = tpu.memref_squeeze %dma_start3A_1150 : memref<1x!tpu.dma_semaphore, #tpu.memory_space<semaphore_mem>> -> memref<!tpu.dma_semaphore, #tpu.memory_space<semaphore_mem>>
    %dma_start3A_1152 = arith.constant 0 : i32
    %dma_start3A_1153 = tpu.memref_slice %arg3[%add3A_1143, %dma_start3A_1152] : memref<65536x256xf32, #tpu.memory_space<hbm>> -> memref<128x256xf32, #tpu.memory_space<hbm>>
    %dma_start3A_1154 = arith.constant 128 : i32
    %dma_start3A_1155 = arith.constant 0 : i32
    %dma_start3A_1156 = tpu.memref_slice %arg4[%dma_start3A_1154, %dma_start3A_1155] : memref<256x256xf32, #tpu.memory_space<vmem>> -> memref<128x256xf32, #tpu.memory_space<vmem>>
    tpu.enqueue_dma source(%dma_start3A_1156 : memref<128x256xf32, #tpu.memory_space<vmem>>) target(%dma_start3A_1153 : memref<128x256xf32, #tpu.memory_space<hbm>>) target_semaphore(%dma_start3A_1151 : memref<!tpu.dma_semaphore, #tpu.memory_space<semaphore_mem>>)
    %add3A_1157 = arith.constant 1280 : i32
    %add3A_1158 = arith.addi %mul3A_2, %add3A_1157 : i32
    %dma_wait3A_1159 = arith.constant 0 : i32
    %dma_wait3A_1160 = arith.constant 0 : i32
    %dma_wait3A_1161 = arith.constant 0 : i32
    %dma_wait3A_1162 = tpu.memref_slice %arg4[%dma_wait3A_1160, %dma_wait3A_1161] : memref<256x256xf32, #tpu.memory_space<vmem>> -> memref<128x256xf32, #tpu.memory_space<vmem>>
    %dma_wait3A_1163 = arith.constant 0 : i32
    %dma_wait3A_1164 = tpu.memref_slice %arg3[%add3A_1158, %dma_wait3A_1163] : memref<65536x256xf32, #tpu.memory_space<hbm>> -> memref<128x256xf32, #tpu.memory_space<hbm>>
    %dma_wait3A_1165 = tpu.memref_slice %arg6[%dma_wait3A_1159] : memref<2x!tpu.dma_semaphore, #tpu.memory_space<semaphore_mem>> -> memref<1x!tpu.dma_semaphore, #tpu.memory_space<semaphore_mem>>
    %dma_wait3A_1166 = tpu.memref_squeeze %dma_wait3A_1165 : memref<1x!tpu.dma_semaphore, #tpu.memory_space<semaphore_mem>> -> memref<!tpu.dma_semaphore, #tpu.memory_space<semaphore_mem>>
    %dma_wait3A_1167 = arith.constant 0 : i32
    %dma_wait3A_1168 = tpu.memref_slice %arg3[%add3A_1158, %dma_wait3A_1167] : memref<65536x256xf32, #tpu.memory_space<hbm>> -> memref<128x256xf32, #tpu.memory_space<hbm>>
    %dma_wait3A_1169 = arith.constant 0 : i32
    %dma_wait3A_1170 = arith.constant 0 : i32
    %dma_wait3A_1171 = tpu.memref_slice %arg4[%dma_wait3A_1169, %dma_wait3A_1170] : memref<256x256xf32, #tpu.memory_space<vmem>> -> memref<128x256xf32, #tpu.memory_space<vmem>>
    tpu.wait_dma2 semaphore(%dma_wait3A_1166 : memref<!tpu.dma_semaphore, #tpu.memory_space<semaphore_mem>>) src(%dma_wait3A_1171 : memref<128x256xf32, #tpu.memory_space<vmem>>) dst(%dma_wait3A_1168 : memref<128x256xf32, #tpu.memory_space<hbm>>)
    %add3A_1172 = arith.constant 1536 : i32
    %add3A_1173 = arith.addi %mul3A_2, %add3A_1172 : i32
    %dma_start3A_1174 = arith.constant 0 : i32
    %dma_start3A_1175 = arith.constant 0 : i32
    %dma_start3A_1176 = arith.constant 0 : i32
    %dma_start3A_1177 = tpu.memref_slice %arg4[%dma_start3A_1175, %dma_start3A_1176] : memref<256x256xf32, #tpu.memory_space<vmem>> -> memref<128x256xf32, #tpu.memory_space<vmem>>
    %dma_start3A_1178 = arith.constant 0 : i32
    %dma_start3A_1179 = tpu.memref_slice %arg2[%add3A_1173, %dma_start3A_1178] : memref<65536x256xf32, #tpu.memory_space<hbm>> -> memref<128x256xf32, #tpu.memory_space<hbm>>
    %dma_start3A_1180 = tpu.memref_slice %arg5[%dma_start3A_1174] : memref<2x!tpu.dma_semaphore, #tpu.memory_space<semaphore_mem>> -> memref<1x!tpu.dma_semaphore, #tpu.memory_space<semaphore_mem>>
    %dma_start3A_1181 = tpu.memref_squeeze %dma_start3A_1180 : memref<1x!tpu.dma_semaphore, #tpu.memory_space<semaphore_mem>> -> memref<!tpu.dma_semaphore, #tpu.memory_space<semaphore_mem>>
    %dma_start3A_1182 = arith.constant 0 : i32
    %dma_start3A_1183 = arith.constant 0 : i32
    %dma_start3A_1184 = tpu.memref_slice %arg4[%dma_start3A_1182, %dma_start3A_1183] : memref<256x256xf32, #tpu.memory_space<vmem>> -> memref<128x256xf32, #tpu.memory_space<vmem>>
    %dma_start3A_1185 = arith.constant 0 : i32
    %dma_start3A_1186 = tpu.memref_slice %arg2[%add3A_1173, %dma_start3A_1185] : memref<65536x256xf32, #tpu.memory_space<hbm>> -> memref<128x256xf32, #tpu.memory_space<hbm>>
    tpu.enqueue_dma source(%dma_start3A_1186 : memref<128x256xf32, #tpu.memory_space<hbm>>) target(%dma_start3A_1184 : memref<128x256xf32, #tpu.memory_space<vmem>>) target_semaphore(%dma_start3A_1181 : memref<!tpu.dma_semaphore, #tpu.memory_space<semaphore_mem>>)
    %add3A_1187 = arith.constant 1536 : i32
    %add3A_1188 = arith.addi %mul3A_2, %add3A_1187 : i32
    %dma_wait3A_1189 = arith.constant 0 : i32
    %dma_wait3A_1190 = arith.constant 0 : i32
    %dma_wait3A_1191 = arith.constant 0 : i32
    %dma_wait3A_1192 = tpu.memref_slice %arg4[%dma_wait3A_1190, %dma_wait3A_1191] : memref<256x256xf32, #tpu.memory_space<vmem>> -> memref<128x256xf32, #tpu.memory_space<vmem>>
    %dma_wait3A_1193 = arith.constant 0 : i32
    %dma_wait3A_1194 = tpu.memref_slice %arg2[%add3A_1188, %dma_wait3A_1193] : memref<65536x256xf32, #tpu.memory_space<hbm>> -> memref<128x256xf32, #tpu.memory_space<hbm>>
    %dma_wait3A_1195 = tpu.memref_slice %arg5[%dma_wait3A_1189] : memref<2x!tpu.dma_semaphore, #tpu.memory_space<semaphore_mem>> -> memref<1x!tpu.dma_semaphore, #tpu.memory_space<semaphore_mem>>
    %dma_wait3A_1196 = tpu.memref_squeeze %dma_wait3A_1195 : memref<1x!tpu.dma_semaphore, #tpu.memory_space<semaphore_mem>> -> memref<!tpu.dma_semaphore, #tpu.memory_space<semaphore_mem>>
    %dma_wait3A_1197 = arith.constant 0 : i32
    %dma_wait3A_1198 = arith.constant 0 : i32
    %dma_wait3A_1199 = tpu.memref_slice %arg4[%dma_wait3A_1197, %dma_wait3A_1198] : memref<256x256xf32, #tpu.memory_space<vmem>> -> memref<128x256xf32, #tpu.memory_space<vmem>>
    %dma_wait3A_1200 = arith.constant 0 : i32
    %dma_wait3A_1201 = tpu.memref_slice %arg2[%add3A_1188, %dma_wait3A_1200] : memref<65536x256xf32, #tpu.memory_space<hbm>> -> memref<128x256xf32, #tpu.memory_space<hbm>>
    tpu.wait_dma2 semaphore(%dma_wait3A_1196 : memref<!tpu.dma_semaphore, #tpu.memory_space<semaphore_mem>>) src(%dma_wait3A_1201 : memref<128x256xf32, #tpu.memory_space<hbm>>) dst(%dma_wait3A_1199 : memref<128x256xf32, #tpu.memory_space<vmem>>)
    %iota3A_1202 = tpu.iota {dimensions = array<i32: 0>} : vector<16xi32>
    %mul3A_1203 = arith.constant 0 : i32
    %mul3A_1204 = vector.broadcast %mul3A_1203 : i32 to vector<16xi32>
    %mul3A_1205 = arith.muli %iota3A_1202, %mul3A_1204 : vector<16xi32>
    %add3A_1206 = arith.constant 1 : i32
    %add3A_1207 = vector.broadcast %add3A_1206 : i32 to vector<16xi32>
    %add3A_1208 = arith.addi %mul3A_1205, %add3A_1207 : vector<16xi32>
    %add3A_1209 = arith.constant 0 : i32
    %add3A_1210 = vector.broadcast %add3A_1209 : i32 to vector<16xi32>
    %add3A_1211 = arith.addi %iota3A_1202, %add3A_1210 : vector<16xi32>
    %gather3A_1212 = tpu.vector_load_idx %arg4[%add3A_1211, %add3A_1208] : memref<256x256xf32, #tpu.memory_space<vmem>>[vector<16xi32>, vector<16xi32>], vector<16xf32>,
    tpu.vector_store_idx %arg4[%add3A_1211, %mul3A_1205], %gather3A_1212 : memref<256x256xf32, #tpu.memory_space<vmem>>[vector<16xi32>, vector<16xi32>], vector<16xf32>,
    %add3A_1213 = arith.constant 16 : i32
    %add3A_1214 = vector.broadcast %add3A_1213 : i32 to vector<16xi32>
    %add3A_1215 = arith.addi %iota3A_1202, %add3A_1214 : vector<16xi32>
    %gather3A_1216 = tpu.vector_load_idx %arg4[%add3A_1215, %add3A_1208] : memref<256x256xf32, #tpu.memory_space<vmem>>[vector<16xi32>, vector<16xi32>], vector<16xf32>,
    tpu.vector_store_idx %arg4[%add3A_1215, %mul3A_1205], %gather3A_1216 : memref<256x256xf32, #tpu.memory_space<vmem>>[vector<16xi32>, vector<16xi32>], vector<16xf32>,
    %add3A_1217 = arith.constant 32 : i32
    %add3A_1218 = vector.broadcast %add3A_1217 : i32 to vector<16xi32>
    %add3A_1219 = arith.addi %iota3A_1202, %add3A_1218 : vector<16xi32>
    %gather3A_1220 = tpu.vector_load_idx %arg4[%add3A_1219, %add3A_1208] : memref<256x256xf32, #tpu.memory_space<vmem>>[vector<16xi32>, vector<16xi32>], vector<16xf32>,
    tpu.vector_store_idx %arg4[%add3A_1219, %mul3A_1205], %gather3A_1220 : memref<256x256xf32, #tpu.memory_space<vmem>>[vector<16xi32>, vector<16xi32>], vector<16xf32>,
    %add3A_1221 = arith.constant 48 : i32
    %add3A_1222 = vector.broadcast %add3A_1221 : i32 to vector<16xi32>
    %add3A_1223 = arith.addi %iota3A_1202, %add3A_1222 : vector<16xi32>
    %gather3A_1224 = tpu.vector_load_idx %arg4[%add3A_1223, %add3A_1208] : memref<256x256xf32, #tpu.memory_space<vmem>>[vector<16xi32>, vector<16xi32>], vector<16xf32>,
    tpu.vector_store_idx %arg4[%add3A_1223, %mul3A_1205], %gather3A_1224 : memref<256x256xf32, #tpu.memory_space<vmem>>[vector<16xi32>, vector<16xi32>], vector<16xf32>,
    %add3A_1225 = arith.constant 64 : i32
    %add3A_1226 = vector.broadcast %add3A_1225 : i32 to vector<16xi32>
    %add3A_1227 = arith.addi %iota3A_1202, %add3A_1226 : vector<16xi32>
    %gather3A_1228 = tpu.vector_load_idx %arg4[%add3A_1227, %add3A_1208] : memref<256x256xf32, #tpu.memory_space<vmem>>[vector<16xi32>, vector<16xi32>], vector<16xf32>,
    tpu.vector_store_idx %arg4[%add3A_1227, %mul3A_1205], %gather3A_1228 : memref<256x256xf32, #tpu.memory_space<vmem>>[vector<16xi32>, vector<16xi32>], vector<16xf32>,
    %add3A_1229 = arith.constant 80 : i32
    %add3A_1230 = vector.broadcast %add3A_1229 : i32 to vector<16xi32>
    %add3A_1231 = arith.addi %iota3A_1202, %add3A_1230 : vector<16xi32>
    %gather3A_1232 = tpu.vector_load_idx %arg4[%add3A_1231, %add3A_1208] : memref<256x256xf32, #tpu.memory_space<vmem>>[vector<16xi32>, vector<16xi32>], vector<16xf32>,
    tpu.vector_store_idx %arg4[%add3A_1231, %mul3A_1205], %gather3A_1232 : memref<256x256xf32, #tpu.memory_space<vmem>>[vector<16xi32>, vector<16xi32>], vector<16xf32>,
    %add3A_1233 = arith.constant 96 : i32
    %add3A_1234 = vector.broadcast %add3A_1233 : i32 to vector<16xi32>
    %add3A_1235 = arith.addi %iota3A_1202, %add3A_1234 : vector<16xi32>
    %gather3A_1236 = tpu.vector_load_idx %arg4[%add3A_1235, %add3A_1208] : memref<256x256xf32, #tpu.memory_space<vmem>>[vector<16xi32>, vector<16xi32>], vector<16xf32>,
    tpu.vector_store_idx %arg4[%add3A_1235, %mul3A_1205], %gather3A_1236 : memref<256x256xf32, #tpu.memory_space<vmem>>[vector<16xi32>, vector<16xi32>], vector<16xf32>,
    %add3A_1237 = arith.constant 112 : i32
    %add3A_1238 = vector.broadcast %add3A_1237 : i32 to vector<16xi32>
    %add3A_1239 = arith.addi %iota3A_1202, %add3A_1238 : vector<16xi32>
    %gather3A_1240 = tpu.vector_load_idx %arg4[%add3A_1239, %add3A_1208] : memref<256x256xf32, #tpu.memory_space<vmem>>[vector<16xi32>, vector<16xi32>], vector<16xf32>,
    tpu.vector_store_idx %arg4[%add3A_1239, %mul3A_1205], %gather3A_1240 : memref<256x256xf32, #tpu.memory_space<vmem>>[vector<16xi32>, vector<16xi32>], vector<16xf32>,
    %add3A_1241 = arith.constant 1536 : i32
    %add3A_1242 = arith.addi %mul3A_2, %add3A_1241 : i32
    %dma_start3A_1243 = arith.constant 0 : i32
    %dma_start3A_1244 = arith.constant 0 : i32
    %dma_start3A_1245 = arith.constant 0 : i32
    %dma_start3A_1246 = tpu.memref_slice %arg4[%dma_start3A_1244, %dma_start3A_1245] : memref<256x256xf32, #tpu.memory_space<vmem>> -> memref<128x256xf32, #tpu.memory_space<vmem>>
    %dma_start3A_1247 = arith.constant 0 : i32
    %dma_start3A_1248 = tpu.memref_slice %arg3[%add3A_1242, %dma_start3A_1247] : memref<65536x256xf32, #tpu.memory_space<hbm>> -> memref<128x256xf32, #tpu.memory_space<hbm>>
    %dma_start3A_1249 = tpu.memref_slice %arg6[%dma_start3A_1243] : memref<2x!tpu.dma_semaphore, #tpu.memory_space<semaphore_mem>> -> memref<1x!tpu.dma_semaphore, #tpu.memory_space<semaphore_mem>>
    %dma_start3A_1250 = tpu.memref_squeeze %dma_start3A_1249 : memref<1x!tpu.dma_semaphore, #tpu.memory_space<semaphore_mem>> -> memref<!tpu.dma_semaphore, #tpu.memory_space<semaphore_mem>>
    %dma_start3A_1251 = arith.constant 0 : i32
    %dma_start3A_1252 = tpu.memref_slice %arg3[%add3A_1242, %dma_start3A_1251] : memref<65536x256xf32, #tpu.memory_space<hbm>> -> memref<128x256xf32, #tpu.memory_space<hbm>>
    %dma_start3A_1253 = arith.constant 0 : i32
    %dma_start3A_1254 = arith.constant 0 : i32
    %dma_start3A_1255 = tpu.memref_slice %arg4[%dma_start3A_1253, %dma_start3A_1254] : memref<256x256xf32, #tpu.memory_space<vmem>> -> memref<128x256xf32, #tpu.memory_space<vmem>>
    tpu.enqueue_dma source(%dma_start3A_1255 : memref<128x256xf32, #tpu.memory_space<vmem>>) target(%dma_start3A_1252 : memref<128x256xf32, #tpu.memory_space<hbm>>) target_semaphore(%dma_start3A_1250 : memref<!tpu.dma_semaphore, #tpu.memory_space<semaphore_mem>>)
    %add3A_1256 = arith.constant 1408 : i32
    %add3A_1257 = arith.addi %mul3A_2, %add3A_1256 : i32
    %dma_wait3A_1258 = arith.constant 1 : i32
    %dma_wait3A_1259 = arith.constant 128 : i32
    %dma_wait3A_1260 = arith.constant 0 : i32
    %dma_wait3A_1261 = tpu.memref_slice %arg4[%dma_wait3A_1259, %dma_wait3A_1260] : memref<256x256xf32, #tpu.memory_space<vmem>> -> memref<128x256xf32, #tpu.memory_space<vmem>>
    %dma_wait3A_1262 = arith.constant 0 : i32
    %dma_wait3A_1263 = tpu.memref_slice %arg3[%add3A_1257, %dma_wait3A_1262] : memref<65536x256xf32, #tpu.memory_space<hbm>> -> memref<128x256xf32, #tpu.memory_space<hbm>>
    %dma_wait3A_1264 = tpu.memref_slice %arg6[%dma_wait3A_1258] : memref<2x!tpu.dma_semaphore, #tpu.memory_space<semaphore_mem>> -> memref<1x!tpu.dma_semaphore, #tpu.memory_space<semaphore_mem>>
    %dma_wait3A_1265 = tpu.memref_squeeze %dma_wait3A_1264 : memref<1x!tpu.dma_semaphore, #tpu.memory_space<semaphore_mem>> -> memref<!tpu.dma_semaphore, #tpu.memory_space<semaphore_mem>>
    %dma_wait3A_1266 = arith.constant 0 : i32
    %dma_wait3A_1267 = tpu.memref_slice %arg3[%add3A_1257, %dma_wait3A_1266] : memref<65536x256xf32, #tpu.memory_space<hbm>> -> memref<128x256xf32, #tpu.memory_space<hbm>>
    %dma_wait3A_1268 = arith.constant 128 : i32
    %dma_wait3A_1269 = arith.constant 0 : i32
    %dma_wait3A_1270 = tpu.memref_slice %arg4[%dma_wait3A_1268, %dma_wait3A_1269] : memref<256x256xf32, #tpu.memory_space<vmem>> -> memref<128x256xf32, #tpu.memory_space<vmem>>
    tpu.wait_dma2 semaphore(%dma_wait3A_1265 : memref<!tpu.dma_semaphore, #tpu.memory_space<semaphore_mem>>) src(%dma_wait3A_1270 : memref<128x256xf32, #tpu.memory_space<vmem>>) dst(%dma_wait3A_1267 : memref<128x256xf32, #tpu.memory_space<hbm>>)
    %add3A_1271 = arith.constant 1664 : i32
    %add3A_1272 = arith.addi %mul3A_2, %add3A_1271 : i32
    %dma_start3A_1273 = arith.constant 1 : i32
    %dma_start3A_1274 = arith.constant 128 : i32
    %dma_start3A_1275 = arith.constant 0 : i32
    %dma_start3A_1276 = tpu.memref_slice %arg4[%dma_start3A_1274, %dma_start3A_1275] : memref<256x256xf32, #tpu.memory_space<vmem>> -> memref<128x256xf32, #tpu.memory_space<vmem>>
    %dma_start3A_1277 = arith.constant 0 : i32
    %dma_start3A_1278 = tpu.memref_slice %arg2[%add3A_1272, %dma_start3A_1277] : memref<65536x256xf32, #tpu.memory_space<hbm>> -> memref<128x256xf32, #tpu.memory_space<hbm>>
    %dma_start3A_1279 = tpu.memref_slice %arg5[%dma_start3A_1273] : memref<2x!tpu.dma_semaphore, #tpu.memory_space<semaphore_mem>> -> memref<1x!tpu.dma_semaphore, #tpu.memory_space<semaphore_mem>>
    %dma_start3A_1280 = tpu.memref_squeeze %dma_start3A_1279 : memref<1x!tpu.dma_semaphore, #tpu.memory_space<semaphore_mem>> -> memref<!tpu.dma_semaphore, #tpu.memory_space<semaphore_mem>>
    %dma_start3A_1281 = arith.constant 128 : i32
    %dma_start3A_1282 = arith.constant 0 : i32
    %dma_start3A_1283 = tpu.memref_slice %arg4[%dma_start3A_1281, %dma_start3A_1282] : memref<256x256xf32, #tpu.memory_space<vmem>> -> memref<128x256xf32, #tpu.memory_space<vmem>>
    %dma_start3A_1284 = arith.constant 0 : i32
    %dma_start3A_1285 = tpu.memref_slice %arg2[%add3A_1272, %dma_start3A_1284] : memref<65536x256xf32, #tpu.memory_space<hbm>> -> memref<128x256xf32, #tpu.memory_space<hbm>>
    tpu.enqueue_dma source(%dma_start3A_1285 : memref<128x256xf32, #tpu.memory_space<hbm>>) target(%dma_start3A_1283 : memref<128x256xf32, #tpu.memory_space<vmem>>) target_semaphore(%dma_start3A_1280 : memref<!tpu.dma_semaphore, #tpu.memory_space<semaphore_mem>>)
    %add3A_1286 = arith.constant 1664 : i32
    %add3A_1287 = arith.addi %mul3A_2, %add3A_1286 : i32
    %dma_wait3A_1288 = arith.constant 1 : i32
    %dma_wait3A_1289 = arith.constant 128 : i32
    %dma_wait3A_1290 = arith.constant 0 : i32
    %dma_wait3A_1291 = tpu.memref_slice %arg4[%dma_wait3A_1289, %dma_wait3A_1290] : memref<256x256xf32, #tpu.memory_space<vmem>> -> memref<128x256xf32, #tpu.memory_space<vmem>>
    %dma_wait3A_1292 = arith.constant 0 : i32
    %dma_wait3A_1293 = tpu.memref_slice %arg2[%add3A_1287, %dma_wait3A_1292] : memref<65536x256xf32, #tpu.memory_space<hbm>> -> memref<128x256xf32, #tpu.memory_space<hbm>>
    %dma_wait3A_1294 = tpu.memref_slice %arg5[%dma_wait3A_1288] : memref<2x!tpu.dma_semaphore, #tpu.memory_space<semaphore_mem>> -> memref<1x!tpu.dma_semaphore, #tpu.memory_space<semaphore_mem>>
    %dma_wait3A_1295 = tpu.memref_squeeze %dma_wait3A_1294 : memref<1x!tpu.dma_semaphore, #tpu.memory_space<semaphore_mem>> -> memref<!tpu.dma_semaphore, #tpu.memory_space<semaphore_mem>>
    %dma_wait3A_1296 = arith.constant 128 : i32
    %dma_wait3A_1297 = arith.constant 0 : i32
    %dma_wait3A_1298 = tpu.memref_slice %arg4[%dma_wait3A_1296, %dma_wait3A_1297] : memref<256x256xf32, #tpu.memory_space<vmem>> -> memref<128x256xf32, #tpu.memory_space<vmem>>
    %dma_wait3A_1299 = arith.constant 0 : i32
    %dma_wait3A_1300 = tpu.memref_slice %arg2[%add3A_1287, %dma_wait3A_1299] : memref<65536x256xf32, #tpu.memory_space<hbm>> -> memref<128x256xf32, #tpu.memory_space<hbm>>
    tpu.wait_dma2 semaphore(%dma_wait3A_1295 : memref<!tpu.dma_semaphore, #tpu.memory_space<semaphore_mem>>) src(%dma_wait3A_1300 : memref<128x256xf32, #tpu.memory_space<hbm>>) dst(%dma_wait3A_1298 : memref<128x256xf32, #tpu.memory_space<vmem>>)
    %iota3A_1301 = tpu.iota {dimensions = array<i32: 0>} : vector<16xi32>
    %mul3A_1302 = arith.constant 0 : i32
    %mul3A_1303 = vector.broadcast %mul3A_1302 : i32 to vector<16xi32>
    %mul3A_1304 = arith.muli %iota3A_1301, %mul3A_1303 : vector<16xi32>
    %add3A_1305 = arith.constant 1 : i32
    %add3A_1306 = vector.broadcast %add3A_1305 : i32 to vector<16xi32>
    %add3A_1307 = arith.addi %mul3A_1304, %add3A_1306 : vector<16xi32>
    %add3A_1308 = arith.constant 128 : i32
    %add3A_1309 = vector.broadcast %add3A_1308 : i32 to vector<16xi32>
    %add3A_1310 = arith.addi %iota3A_1301, %add3A_1309 : vector<16xi32>
    %gather3A_1311 = tpu.vector_load_idx %arg4[%add3A_1310, %add3A_1307] : memref<256x256xf32, #tpu.memory_space<vmem>>[vector<16xi32>, vector<16xi32>], vector<16xf32>,
    tpu.vector_store_idx %arg4[%add3A_1310, %mul3A_1304], %gather3A_1311 : memref<256x256xf32, #tpu.memory_space<vmem>>[vector<16xi32>, vector<16xi32>], vector<16xf32>,
    %add3A_1312 = arith.constant 144 : i32
    %add3A_1313 = vector.broadcast %add3A_1312 : i32 to vector<16xi32>
    %add3A_1314 = arith.addi %iota3A_1301, %add3A_1313 : vector<16xi32>
    %gather3A_1315 = tpu.vector_load_idx %arg4[%add3A_1314, %add3A_1307] : memref<256x256xf32, #tpu.memory_space<vmem>>[vector<16xi32>, vector<16xi32>], vector<16xf32>,
    tpu.vector_store_idx %arg4[%add3A_1314, %mul3A_1304], %gather3A_1315 : memref<256x256xf32, #tpu.memory_space<vmem>>[vector<16xi32>, vector<16xi32>], vector<16xf32>,
    %add3A_1316 = arith.constant 160 : i32
    %add3A_1317 = vector.broadcast %add3A_1316 : i32 to vector<16xi32>
    %add3A_1318 = arith.addi %iota3A_1301, %add3A_1317 : vector<16xi32>
    %gather3A_1319 = tpu.vector_load_idx %arg4[%add3A_1318, %add3A_1307] : memref<256x256xf32, #tpu.memory_space<vmem>>[vector<16xi32>, vector<16xi32>], vector<16xf32>,
    tpu.vector_store_idx %arg4[%add3A_1318, %mul3A_1304], %gather3A_1319 : memref<256x256xf32, #tpu.memory_space<vmem>>[vector<16xi32>, vector<16xi32>], vector<16xf32>,
    %add3A_1320 = arith.constant 176 : i32
    %add3A_1321 = vector.broadcast %add3A_1320 : i32 to vector<16xi32>
    %add3A_1322 = arith.addi %iota3A_1301, %add3A_1321 : vector<16xi32>
    %gather3A_1323 = tpu.vector_load_idx %arg4[%add3A_1322, %add3A_1307] : memref<256x256xf32, #tpu.memory_space<vmem>>[vector<16xi32>, vector<16xi32>], vector<16xf32>,
    tpu.vector_store_idx %arg4[%add3A_1322, %mul3A_1304], %gather3A_1323 : memref<256x256xf32, #tpu.memory_space<vmem>>[vector<16xi32>, vector<16xi32>], vector<16xf32>,
    %add3A_1324 = arith.constant 192 : i32
    %add3A_1325 = vector.broadcast %add3A_1324 : i32 to vector<16xi32>
    %add3A_1326 = arith.addi %iota3A_1301, %add3A_1325 : vector<16xi32>
    %gather3A_1327 = tpu.vector_load_idx %arg4[%add3A_1326, %add3A_1307] : memref<256x256xf32, #tpu.memory_space<vmem>>[vector<16xi32>, vector<16xi32>], vector<16xf32>,
    tpu.vector_store_idx %arg4[%add3A_1326, %mul3A_1304], %gather3A_1327 : memref<256x256xf32, #tpu.memory_space<vmem>>[vector<16xi32>, vector<16xi32>], vector<16xf32>,
    %add3A_1328 = arith.constant 208 : i32
    %add3A_1329 = vector.broadcast %add3A_1328 : i32 to vector<16xi32>
    %add3A_1330 = arith.addi %iota3A_1301, %add3A_1329 : vector<16xi32>
    %gather3A_1331 = tpu.vector_load_idx %arg4[%add3A_1330, %add3A_1307] : memref<256x256xf32, #tpu.memory_space<vmem>>[vector<16xi32>, vector<16xi32>], vector<16xf32>,
    tpu.vector_store_idx %arg4[%add3A_1330, %mul3A_1304], %gather3A_1331 : memref<256x256xf32, #tpu.memory_space<vmem>>[vector<16xi32>, vector<16xi32>], vector<16xf32>,
    %add3A_1332 = arith.constant 224 : i32
    %add3A_1333 = vector.broadcast %add3A_1332 : i32 to vector<16xi32>
    %add3A_1334 = arith.addi %iota3A_1301, %add3A_1333 : vector<16xi32>
    %gather3A_1335 = tpu.vector_load_idx %arg4[%add3A_1334, %add3A_1307] : memref<256x256xf32, #tpu.memory_space<vmem>>[vector<16xi32>, vector<16xi32>], vector<16xf32>,
    tpu.vector_store_idx %arg4[%add3A_1334, %mul3A_1304], %gather3A_1335 : memref<256x256xf32, #tpu.memory_space<vmem>>[vector<16xi32>, vector<16xi32>], vector<16xf32>,
    %add3A_1336 = arith.constant 240 : i32
    %add3A_1337 = vector.broadcast %add3A_1336 : i32 to vector<16xi32>
    %add3A_1338 = arith.addi %iota3A_1301, %add3A_1337 : vector<16xi32>
    %gather3A_1339 = tpu.vector_load_idx %arg4[%add3A_1338, %add3A_1307] : memref<256x256xf32, #tpu.memory_space<vmem>>[vector<16xi32>, vector<16xi32>], vector<16xf32>,
    tpu.vector_store_idx %arg4[%add3A_1338, %mul3A_1304], %gather3A_1339 : memref<256x256xf32, #tpu.memory_space<vmem>>[vector<16xi32>, vector<16xi32>], vector<16xf32>,
    %add3A_1340 = arith.constant 1664 : i32
    %add3A_1341 = arith.addi %mul3A_2, %add3A_1340 : i32
    %dma_start3A_1342 = arith.constant 1 : i32
    %dma_start3A_1343 = arith.constant 128 : i32
    %dma_start3A_1344 = arith.constant 0 : i32
    %dma_start3A_1345 = tpu.memref_slice %arg4[%dma_start3A_1343, %dma_start3A_1344] : memref<256x256xf32, #tpu.memory_space<vmem>> -> memref<128x256xf32, #tpu.memory_space<vmem>>
    %dma_start3A_1346 = arith.constant 0 : i32
    %dma_start3A_1347 = tpu.memref_slice %arg3[%add3A_1341, %dma_start3A_1346] : memref<65536x256xf32, #tpu.memory_space<hbm>> -> memref<128x256xf32, #tpu.memory_space<hbm>>
    %dma_start3A_1348 = tpu.memref_slice %arg6[%dma_start3A_1342] : memref<2x!tpu.dma_semaphore, #tpu.memory_space<semaphore_mem>> -> memref<1x!tpu.dma_semaphore, #tpu.memory_space<semaphore_mem>>
    %dma_start3A_1349 = tpu.memref_squeeze %dma_start3A_1348 : memref<1x!tpu.dma_semaphore, #tpu.memory_space<semaphore_mem>> -> memref<!tpu.dma_semaphore, #tpu.memory_space<semaphore_mem>>
    %dma_start3A_1350 = arith.constant 0 : i32
    %dma_start3A_1351 = tpu.memref_slice %arg3[%add3A_1341, %dma_start3A_1350] : memref<65536x256xf32, #tpu.memory_space<hbm>> -> memref<128x256xf32, #tpu.memory_space<hbm>>
    %dma_start3A_1352 = arith.constant 128 : i32
    %dma_start3A_1353 = arith.constant 0 : i32
    %dma_start3A_1354 = tpu.memref_slice %arg4[%dma_start3A_1352, %dma_start3A_1353] : memref<256x256xf32, #tpu.memory_space<vmem>> -> memref<128x256xf32, #tpu.memory_space<vmem>>
    tpu.enqueue_dma source(%dma_start3A_1354 : memref<128x256xf32, #tpu.memory_space<vmem>>) target(%dma_start3A_1351 : memref<128x256xf32, #tpu.memory_space<hbm>>) target_semaphore(%dma_start3A_1349 : memref<!tpu.dma_semaphore, #tpu.memory_space<semaphore_mem>>)
    %add3A_1355 = arith.constant 1536 : i32
    %add3A_1356 = arith.addi %mul3A_2, %add3A_1355 : i32
    %dma_wait3A_1357 = arith.constant 0 : i32
    %dma_wait3A_1358 = arith.constant 0 : i32
    %dma_wait3A_1359 = arith.constant 0 : i32
    %dma_wait3A_1360 = tpu.memref_slice %arg4[%dma_wait3A_1358, %dma_wait3A_1359] : memref<256x256xf32, #tpu.memory_space<vmem>> -> memref<128x256xf32, #tpu.memory_space<vmem>>
    %dma_wait3A_1361 = arith.constant 0 : i32
    %dma_wait3A_1362 = tpu.memref_slice %arg3[%add3A_1356, %dma_wait3A_1361] : memref<65536x256xf32, #tpu.memory_space<hbm>> -> memref<128x256xf32, #tpu.memory_space<hbm>>
    %dma_wait3A_1363 = tpu.memref_slice %arg6[%dma_wait3A_1357] : memref<2x!tpu.dma_semaphore, #tpu.memory_space<semaphore_mem>> -> memref<1x!tpu.dma_semaphore, #tpu.memory_space<semaphore_mem>>
    %dma_wait3A_1364 = tpu.memref_squeeze %dma_wait3A_1363 : memref<1x!tpu.dma_semaphore, #tpu.memory_space<semaphore_mem>> -> memref<!tpu.dma_semaphore, #tpu.memory_space<semaphore_mem>>
    %dma_wait3A_1365 = arith.constant 0 : i32
    %dma_wait3A_1366 = tpu.memref_slice %arg3[%add3A_1356, %dma_wait3A_1365] : memref<65536x256xf32, #tpu.memory_space<hbm>> -> memref<128x256xf32, #tpu.memory_space<hbm>>
    %dma_wait3A_1367 = arith.constant 0 : i32
    %dma_wait3A_1368 = arith.constant 0 : i32
    %dma_wait3A_1369 = tpu.memref_slice %arg4[%dma_wait3A_1367, %dma_wait3A_1368] : memref<256x256xf32, #tpu.memory_space<vmem>> -> memref<128x256xf32, #tpu.memory_space<vmem>>
    tpu.wait_dma2 semaphore(%dma_wait3A_1364 : memref<!tpu.dma_semaphore, #tpu.memory_space<semaphore_mem>>) src(%dma_wait3A_1369 : memref<128x256xf32, #tpu.memory_space<vmem>>) dst(%dma_wait3A_1366 : memref<128x256xf32, #tpu.memory_space<hbm>>)
    %add3A_1370 = arith.constant 1792 : i32
    %add3A_1371 = arith.addi %mul3A_2, %add3A_1370 : i32
    %dma_start3A_1372 = arith.constant 0 : i32
    %dma_start3A_1373 = arith.constant 0 : i32
    %dma_start3A_1374 = arith.constant 0 : i32
    %dma_start3A_1375 = tpu.memref_slice %arg4[%dma_start3A_1373, %dma_start3A_1374] : memref<256x256xf32, #tpu.memory_space<vmem>> -> memref<128x256xf32, #tpu.memory_space<vmem>>
    %dma_start3A_1376 = arith.constant 0 : i32
    %dma_start3A_1377 = tpu.memref_slice %arg2[%add3A_1371, %dma_start3A_1376] : memref<65536x256xf32, #tpu.memory_space<hbm>> -> memref<128x256xf32, #tpu.memory_space<hbm>>
    %dma_start3A_1378 = tpu.memref_slice %arg5[%dma_start3A_1372] : memref<2x!tpu.dma_semaphore, #tpu.memory_space<semaphore_mem>> -> memref<1x!tpu.dma_semaphore, #tpu.memory_space<semaphore_mem>>
    %dma_start3A_1379 = tpu.memref_squeeze %dma_start3A_1378 : memref<1x!tpu.dma_semaphore, #tpu.memory_space<semaphore_mem>> -> memref<!tpu.dma_semaphore, #tpu.memory_space<semaphore_mem>>
    %dma_start3A_1380 = arith.constant 0 : i32
    %dma_start3A_1381 = arith.constant 0 : i32
    %dma_start3A_1382 = tpu.memref_slice %arg4[%dma_start3A_1380, %dma_start3A_1381] : memref<256x256xf32, #tpu.memory_space<vmem>> -> memref<128x256xf32, #tpu.memory_space<vmem>>
    %dma_start3A_1383 = arith.constant 0 : i32
    %dma_start3A_1384 = tpu.memref_slice %arg2[%add3A_1371, %dma_start3A_1383] : memref<65536x256xf32, #tpu.memory_space<hbm>> -> memref<128x256xf32, #tpu.memory_space<hbm>>
    tpu.enqueue_dma source(%dma_start3A_1384 : memref<128x256xf32, #tpu.memory_space<hbm>>) target(%dma_start3A_1382 : memref<128x256xf32, #tpu.memory_space<vmem>>) target_semaphore(%dma_start3A_1379 : memref<!tpu.dma_semaphore, #tpu.memory_space<semaphore_mem>>)
    %add3A_1385 = arith.constant 1792 : i32
    %add3A_1386 = arith.addi %mul3A_2, %add3A_1385 : i32
    %dma_wait3A_1387 = arith.constant 0 : i32
    %dma_wait3A_1388 = arith.constant 0 : i32
    %dma_wait3A_1389 = arith.constant 0 : i32
    %dma_wait3A_1390 = tpu.memref_slice %arg4[%dma_wait3A_1388, %dma_wait3A_1389] : memref<256x256xf32, #tpu.memory_space<vmem>> -> memref<128x256xf32, #tpu.memory_space<vmem>>
    %dma_wait3A_1391 = arith.constant 0 : i32
    %dma_wait3A_1392 = tpu.memref_slice %arg2[%add3A_1386, %dma_wait3A_1391] : memref<65536x256xf32, #tpu.memory_space<hbm>> -> memref<128x256xf32, #tpu.memory_space<hbm>>
    %dma_wait3A_1393 = tpu.memref_slice %arg5[%dma_wait3A_1387] : memref<2x!tpu.dma_semaphore, #tpu.memory_space<semaphore_mem>> -> memref<1x!tpu.dma_semaphore, #tpu.memory_space<semaphore_mem>>
    %dma_wait3A_1394 = tpu.memref_squeeze %dma_wait3A_1393 : memref<1x!tpu.dma_semaphore, #tpu.memory_space<semaphore_mem>> -> memref<!tpu.dma_semaphore, #tpu.memory_space<semaphore_mem>>
    %dma_wait3A_1395 = arith.constant 0 : i32
    %dma_wait3A_1396 = arith.constant 0 : i32
    %dma_wait3A_1397 = tpu.memref_slice %arg4[%dma_wait3A_1395, %dma_wait3A_1396] : memref<256x256xf32, #tpu.memory_space<vmem>> -> memref<128x256xf32, #tpu.memory_space<vmem>>
    %dma_wait3A_1398 = arith.constant 0 : i32
    %dma_wait3A_1399 = tpu.memref_slice %arg2[%add3A_1386, %dma_wait3A_1398] : memref<65536x256xf32, #tpu.memory_space<hbm>> -> memref<128x256xf32, #tpu.memory_space<hbm>>
    tpu.wait_dma2 semaphore(%dma_wait3A_1394 : memref<!tpu.dma_semaphore, #tpu.memory_space<semaphore_mem>>) src(%dma_wait3A_1399 : memref<128x256xf32, #tpu.memory_space<hbm>>) dst(%dma_wait3A_1397 : memref<128x256xf32, #tpu.memory_space<vmem>>)
    %iota3A_1400 = tpu.iota {dimensions = array<i32: 0>} : vector<16xi32>
    %mul3A_1401 = arith.constant 0 : i32
    %mul3A_1402 = vector.broadcast %mul3A_1401 : i32 to vector<16xi32>
    %mul3A_1403 = arith.muli %iota3A_1400, %mul3A_1402 : vector<16xi32>
    %add3A_1404 = arith.constant 1 : i32
    %add3A_1405 = vector.broadcast %add3A_1404 : i32 to vector<16xi32>
    %add3A_1406 = arith.addi %mul3A_1403, %add3A_1405 : vector<16xi32>
    %add3A_1407 = arith.constant 0 : i32
    %add3A_1408 = vector.broadcast %add3A_1407 : i32 to vector<16xi32>
    %add3A_1409 = arith.addi %iota3A_1400, %add3A_1408 : vector<16xi32>
    %gather3A_1410 = tpu.vector_load_idx %arg4[%add3A_1409, %add3A_1406] : memref<256x256xf32, #tpu.memory_space<vmem>>[vector<16xi32>, vector<16xi32>], vector<16xf32>,
    tpu.vector_store_idx %arg4[%add3A_1409, %mul3A_1403], %gather3A_1410 : memref<256x256xf32, #tpu.memory_space<vmem>>[vector<16xi32>, vector<16xi32>], vector<16xf32>,
    %add3A_1411 = arith.constant 16 : i32
    %add3A_1412 = vector.broadcast %add3A_1411 : i32 to vector<16xi32>
    %add3A_1413 = arith.addi %iota3A_1400, %add3A_1412 : vector<16xi32>
    %gather3A_1414 = tpu.vector_load_idx %arg4[%add3A_1413, %add3A_1406] : memref<256x256xf32, #tpu.memory_space<vmem>>[vector<16xi32>, vector<16xi32>], vector<16xf32>,
    tpu.vector_store_idx %arg4[%add3A_1413, %mul3A_1403], %gather3A_1414 : memref<256x256xf32, #tpu.memory_space<vmem>>[vector<16xi32>, vector<16xi32>], vector<16xf32>,
    %add3A_1415 = arith.constant 32 : i32
    %add3A_1416 = vector.broadcast %add3A_1415 : i32 to vector<16xi32>
    %add3A_1417 = arith.addi %iota3A_1400, %add3A_1416 : vector<16xi32>
    %gather3A_1418 = tpu.vector_load_idx %arg4[%add3A_1417, %add3A_1406] : memref<256x256xf32, #tpu.memory_space<vmem>>[vector<16xi32>, vector<16xi32>], vector<16xf32>,
    tpu.vector_store_idx %arg4[%add3A_1417, %mul3A_1403], %gather3A_1418 : memref<256x256xf32, #tpu.memory_space<vmem>>[vector<16xi32>, vector<16xi32>], vector<16xf32>,
    %add3A_1419 = arith.constant 48 : i32
    %add3A_1420 = vector.broadcast %add3A_1419 : i32 to vector<16xi32>
    %add3A_1421 = arith.addi %iota3A_1400, %add3A_1420 : vector<16xi32>
    %gather3A_1422 = tpu.vector_load_idx %arg4[%add3A_1421, %add3A_1406] : memref<256x256xf32, #tpu.memory_space<vmem>>[vector<16xi32>, vector<16xi32>], vector<16xf32>,
    tpu.vector_store_idx %arg4[%add3A_1421, %mul3A_1403], %gather3A_1422 : memref<256x256xf32, #tpu.memory_space<vmem>>[vector<16xi32>, vector<16xi32>], vector<16xf32>,
    %add3A_1423 = arith.constant 64 : i32
    %add3A_1424 = vector.broadcast %add3A_1423 : i32 to vector<16xi32>
    %add3A_1425 = arith.addi %iota3A_1400, %add3A_1424 : vector<16xi32>
    %gather3A_1426 = tpu.vector_load_idx %arg4[%add3A_1425, %add3A_1406] : memref<256x256xf32, #tpu.memory_space<vmem>>[vector<16xi32>, vector<16xi32>], vector<16xf32>,
    tpu.vector_store_idx %arg4[%add3A_1425, %mul3A_1403], %gather3A_1426 : memref<256x256xf32, #tpu.memory_space<vmem>>[vector<16xi32>, vector<16xi32>], vector<16xf32>,
    %add3A_1427 = arith.constant 80 : i32
    %add3A_1428 = vector.broadcast %add3A_1427 : i32 to vector<16xi32>
    %add3A_1429 = arith.addi %iota3A_1400, %add3A_1428 : vector<16xi32>
    %gather3A_1430 = tpu.vector_load_idx %arg4[%add3A_1429, %add3A_1406] : memref<256x256xf32, #tpu.memory_space<vmem>>[vector<16xi32>, vector<16xi32>], vector<16xf32>,
    tpu.vector_store_idx %arg4[%add3A_1429, %mul3A_1403], %gather3A_1430 : memref<256x256xf32, #tpu.memory_space<vmem>>[vector<16xi32>, vector<16xi32>], vector<16xf32>,
    %add3A_1431 = arith.constant 96 : i32
    %add3A_1432 = vector.broadcast %add3A_1431 : i32 to vector<16xi32>
    %add3A_1433 = arith.addi %iota3A_1400, %add3A_1432 : vector<16xi32>
    %gather3A_1434 = tpu.vector_load_idx %arg4[%add3A_1433, %add3A_1406] : memref<256x256xf32, #tpu.memory_space<vmem>>[vector<16xi32>, vector<16xi32>], vector<16xf32>,
    tpu.vector_store_idx %arg4[%add3A_1433, %mul3A_1403], %gather3A_1434 : memref<256x256xf32, #tpu.memory_space<vmem>>[vector<16xi32>, vector<16xi32>], vector<16xf32>,
    %add3A_1435 = arith.constant 112 : i32
    %add3A_1436 = vector.broadcast %add3A_1435 : i32 to vector<16xi32>
    %add3A_1437 = arith.addi %iota3A_1400, %add3A_1436 : vector<16xi32>
    %gather3A_1438 = tpu.vector_load_idx %arg4[%add3A_1437, %add3A_1406] : memref<256x256xf32, #tpu.memory_space<vmem>>[vector<16xi32>, vector<16xi32>], vector<16xf32>,
    tpu.vector_store_idx %arg4[%add3A_1437, %mul3A_1403], %gather3A_1438 : memref<256x256xf32, #tpu.memory_space<vmem>>[vector<16xi32>, vector<16xi32>], vector<16xf32>,
    %add3A_1439 = arith.constant 1792 : i32
    %add3A_1440 = arith.addi %mul3A_2, %add3A_1439 : i32
    %dma_start3A_1441 = arith.constant 0 : i32
    %dma_start3A_1442 = arith.constant 0 : i32
    %dma_start3A_1443 = arith.constant 0 : i32
    %dma_start3A_1444 = tpu.memref_slice %arg4[%dma_start3A_1442, %dma_start3A_1443] : memref<256x256xf32, #tpu.memory_space<vmem>> -> memref<128x256xf32, #tpu.memory_space<vmem>>
    %dma_start3A_1445 = arith.constant 0 : i32
    %dma_start3A_1446 = tpu.memref_slice %arg3[%add3A_1440, %dma_start3A_1445] : memref<65536x256xf32, #tpu.memory_space<hbm>> -> memref<128x256xf32, #tpu.memory_space<hbm>>
    %dma_start3A_1447 = tpu.memref_slice %arg6[%dma_start3A_1441] : memref<2x!tpu.dma_semaphore, #tpu.memory_space<semaphore_mem>> -> memref<1x!tpu.dma_semaphore, #tpu.memory_space<semaphore_mem>>
    %dma_start3A_1448 = tpu.memref_squeeze %dma_start3A_1447 : memref<1x!tpu.dma_semaphore, #tpu.memory_space<semaphore_mem>> -> memref<!tpu.dma_semaphore, #tpu.memory_space<semaphore_mem>>
    %dma_start3A_1449 = arith.constant 0 : i32
    %dma_start3A_1450 = tpu.memref_slice %arg3[%add3A_1440, %dma_start3A_1449] : memref<65536x256xf32, #tpu.memory_space<hbm>> -> memref<128x256xf32, #tpu.memory_space<hbm>>
    %dma_start3A_1451 = arith.constant 0 : i32
    %dma_start3A_1452 = arith.constant 0 : i32
    %dma_start3A_1453 = tpu.memref_slice %arg4[%dma_start3A_1451, %dma_start3A_1452] : memref<256x256xf32, #tpu.memory_space<vmem>> -> memref<128x256xf32, #tpu.memory_space<vmem>>
    tpu.enqueue_dma source(%dma_start3A_1453 : memref<128x256xf32, #tpu.memory_space<vmem>>) target(%dma_start3A_1450 : memref<128x256xf32, #tpu.memory_space<hbm>>) target_semaphore(%dma_start3A_1448 : memref<!tpu.dma_semaphore, #tpu.memory_space<semaphore_mem>>)
    %add3A_1454 = arith.constant 1664 : i32
    %add3A_1455 = arith.addi %mul3A_2, %add3A_1454 : i32
    %dma_wait3A_1456 = arith.constant 1 : i32
    %dma_wait3A_1457 = arith.constant 128 : i32
    %dma_wait3A_1458 = arith.constant 0 : i32
    %dma_wait3A_1459 = tpu.memref_slice %arg4[%dma_wait3A_1457, %dma_wait3A_1458] : memref<256x256xf32, #tpu.memory_space<vmem>> -> memref<128x256xf32, #tpu.memory_space<vmem>>
    %dma_wait3A_1460 = arith.constant 0 : i32
    %dma_wait3A_1461 = tpu.memref_slice %arg3[%add3A_1455, %dma_wait3A_1460] : memref<65536x256xf32, #tpu.memory_space<hbm>> -> memref<128x256xf32, #tpu.memory_space<hbm>>
    %dma_wait3A_1462 = tpu.memref_slice %arg6[%dma_wait3A_1456] : memref<2x!tpu.dma_semaphore, #tpu.memory_space<semaphore_mem>> -> memref<1x!tpu.dma_semaphore, #tpu.memory_space<semaphore_mem>>
    %dma_wait3A_1463 = tpu.memref_squeeze %dma_wait3A_1462 : memref<1x!tpu.dma_semaphore, #tpu.memory_space<semaphore_mem>> -> memref<!tpu.dma_semaphore, #tpu.memory_space<semaphore_mem>>
    %dma_wait3A_1464 = arith.constant 0 : i32
    %dma_wait3A_1465 = tpu.memref_slice %arg3[%add3A_1455, %dma_wait3A_1464] : memref<65536x256xf32, #tpu.memory_space<hbm>> -> memref<128x256xf32, #tpu.memory_space<hbm>>
    %dma_wait3A_1466 = arith.constant 128 : i32
    %dma_wait3A_1467 = arith.constant 0 : i32
    %dma_wait3A_1468 = tpu.memref_slice %arg4[%dma_wait3A_1466, %dma_wait3A_1467] : memref<256x256xf32, #tpu.memory_space<vmem>> -> memref<128x256xf32, #tpu.memory_space<vmem>>
    tpu.wait_dma2 semaphore(%dma_wait3A_1463 : memref<!tpu.dma_semaphore, #tpu.memory_space<semaphore_mem>>) src(%dma_wait3A_1468 : memref<128x256xf32, #tpu.memory_space<vmem>>) dst(%dma_wait3A_1465 : memref<128x256xf32, #tpu.memory_space<hbm>>)
    %add3A_1469 = arith.constant 1920 : i32
    %add3A_1470 = arith.addi %mul3A_2, %add3A_1469 : i32
    %dma_start3A_1471 = arith.constant 1 : i32
    %dma_start3A_1472 = arith.constant 128 : i32
    %dma_start3A_1473 = arith.constant 0 : i32
    %dma_start3A_1474 = tpu.memref_slice %arg4[%dma_start3A_1472, %dma_start3A_1473] : memref<256x256xf32, #tpu.memory_space<vmem>> -> memref<128x256xf32, #tpu.memory_space<vmem>>
    %dma_start3A_1475 = arith.constant 0 : i32
    %dma_start3A_1476 = tpu.memref_slice %arg2[%add3A_1470, %dma_start3A_1475] : memref<65536x256xf32, #tpu.memory_space<hbm>> -> memref<128x256xf32, #tpu.memory_space<hbm>>
    %dma_start3A_1477 = tpu.memref_slice %arg5[%dma_start3A_1471] : memref<2x!tpu.dma_semaphore, #tpu.memory_space<semaphore_mem>> -> memref<1x!tpu.dma_semaphore, #tpu.memory_space<semaphore_mem>>
    %dma_start3A_1478 = tpu.memref_squeeze %dma_start3A_1477 : memref<1x!tpu.dma_semaphore, #tpu.memory_space<semaphore_mem>> -> memref<!tpu.dma_semaphore, #tpu.memory_space<semaphore_mem>>
    %dma_start3A_1479 = arith.constant 128 : i32
    %dma_start3A_1480 = arith.constant 0 : i32
    %dma_start3A_1481 = tpu.memref_slice %arg4[%dma_start3A_1479, %dma_start3A_1480] : memref<256x256xf32, #tpu.memory_space<vmem>> -> memref<128x256xf32, #tpu.memory_space<vmem>>
    %dma_start3A_1482 = arith.constant 0 : i32
    %dma_start3A_1483 = tpu.memref_slice %arg2[%add3A_1470, %dma_start3A_1482] : memref<65536x256xf32, #tpu.memory_space<hbm>> -> memref<128x256xf32, #tpu.memory_space<hbm>>
    tpu.enqueue_dma source(%dma_start3A_1483 : memref<128x256xf32, #tpu.memory_space<hbm>>) target(%dma_start3A_1481 : memref<128x256xf32, #tpu.memory_space<vmem>>) target_semaphore(%dma_start3A_1478 : memref<!tpu.dma_semaphore, #tpu.memory_space<semaphore_mem>>)
    %add3A_1484 = arith.constant 1920 : i32
    %add3A_1485 = arith.addi %mul3A_2, %add3A_1484 : i32
    %dma_wait3A_1486 = arith.constant 1 : i32
    %dma_wait3A_1487 = arith.constant 128 : i32
    %dma_wait3A_1488 = arith.constant 0 : i32
    %dma_wait3A_1489 = tpu.memref_slice %arg4[%dma_wait3A_1487, %dma_wait3A_1488] : memref<256x256xf32, #tpu.memory_space<vmem>> -> memref<128x256xf32, #tpu.memory_space<vmem>>
    %dma_wait3A_1490 = arith.constant 0 : i32
    %dma_wait3A_1491 = tpu.memref_slice %arg2[%add3A_1485, %dma_wait3A_1490] : memref<65536x256xf32, #tpu.memory_space<hbm>> -> memref<128x256xf32, #tpu.memory_space<hbm>>
    %dma_wait3A_1492 = tpu.memref_slice %arg5[%dma_wait3A_1486] : memref<2x!tpu.dma_semaphore, #tpu.memory_space<semaphore_mem>> -> memref<1x!tpu.dma_semaphore, #tpu.memory_space<semaphore_mem>>
    %dma_wait3A_1493 = tpu.memref_squeeze %dma_wait3A_1492 : memref<1x!tpu.dma_semaphore, #tpu.memory_space<semaphore_mem>> -> memref<!tpu.dma_semaphore, #tpu.memory_space<semaphore_mem>>
    %dma_wait3A_1494 = arith.constant 128 : i32
    %dma_wait3A_1495 = arith.constant 0 : i32
    %dma_wait3A_1496 = tpu.memref_slice %arg4[%dma_wait3A_1494, %dma_wait3A_1495] : memref<256x256xf32, #tpu.memory_space<vmem>> -> memref<128x256xf32, #tpu.memory_space<vmem>>
    %dma_wait3A_1497 = arith.constant 0 : i32
    %dma_wait3A_1498 = tpu.memref_slice %arg2[%add3A_1485, %dma_wait3A_1497] : memref<65536x256xf32, #tpu.memory_space<hbm>> -> memref<128x256xf32, #tpu.memory_space<hbm>>
    tpu.wait_dma2 semaphore(%dma_wait3A_1493 : memref<!tpu.dma_semaphore, #tpu.memory_space<semaphore_mem>>) src(%dma_wait3A_1498 : memref<128x256xf32, #tpu.memory_space<hbm>>) dst(%dma_wait3A_1496 : memref<128x256xf32, #tpu.memory_space<vmem>>)
    %iota3A_1499 = tpu.iota {dimensions = array<i32: 0>} : vector<16xi32>
    %mul3A_1500 = arith.constant 0 : i32
    %mul3A_1501 = vector.broadcast %mul3A_1500 : i32 to vector<16xi32>
    %mul3A_1502 = arith.muli %iota3A_1499, %mul3A_1501 : vector<16xi32>
    %add3A_1503 = arith.constant 1 : i32
    %add3A_1504 = vector.broadcast %add3A_1503 : i32 to vector<16xi32>
    %add3A_1505 = arith.addi %mul3A_1502, %add3A_1504 : vector<16xi32>
    %add3A_1506 = arith.constant 128 : i32
    %add3A_1507 = vector.broadcast %add3A_1506 : i32 to vector<16xi32>
    %add3A_1508 = arith.addi %iota3A_1499, %add3A_1507 : vector<16xi32>
    %gather3A_1509 = tpu.vector_load_idx %arg4[%add3A_1508, %add3A_1505] : memref<256x256xf32, #tpu.memory_space<vmem>>[vector<16xi32>, vector<16xi32>], vector<16xf32>,
    tpu.vector_store_idx %arg4[%add3A_1508, %mul3A_1502], %gather3A_1509 : memref<256x256xf32, #tpu.memory_space<vmem>>[vector<16xi32>, vector<16xi32>], vector<16xf32>,
    %add3A_1510 = arith.constant 144 : i32
    %add3A_1511 = vector.broadcast %add3A_1510 : i32 to vector<16xi32>
    %add3A_1512 = arith.addi %iota3A_1499, %add3A_1511 : vector<16xi32>
    %gather3A_1513 = tpu.vector_load_idx %arg4[%add3A_1512, %add3A_1505] : memref<256x256xf32, #tpu.memory_space<vmem>>[vector<16xi32>, vector<16xi32>], vector<16xf32>,
    tpu.vector_store_idx %arg4[%add3A_1512, %mul3A_1502], %gather3A_1513 : memref<256x256xf32, #tpu.memory_space<vmem>>[vector<16xi32>, vector<16xi32>], vector<16xf32>,
    %add3A_1514 = arith.constant 160 : i32
    %add3A_1515 = vector.broadcast %add3A_1514 : i32 to vector<16xi32>
    %add3A_1516 = arith.addi %iota3A_1499, %add3A_1515 : vector<16xi32>
    %gather3A_1517 = tpu.vector_load_idx %arg4[%add3A_1516, %add3A_1505] : memref<256x256xf32, #tpu.memory_space<vmem>>[vector<16xi32>, vector<16xi32>], vector<16xf32>,
    tpu.vector_store_idx %arg4[%add3A_1516, %mul3A_1502], %gather3A_1517 : memref<256x256xf32, #tpu.memory_space<vmem>>[vector<16xi32>, vector<16xi32>], vector<16xf32>,
    %add3A_1518 = arith.constant 176 : i32
    %add3A_1519 = vector.broadcast %add3A_1518 : i32 to vector<16xi32>
    %add3A_1520 = arith.addi %iota3A_1499, %add3A_1519 : vector<16xi32>
    %gather3A_1521 = tpu.vector_load_idx %arg4[%add3A_1520, %add3A_1505] : memref<256x256xf32, #tpu.memory_space<vmem>>[vector<16xi32>, vector<16xi32>], vector<16xf32>,
    tpu.vector_store_idx %arg4[%add3A_1520, %mul3A_1502], %gather3A_1521 : memref<256x256xf32, #tpu.memory_space<vmem>>[vector<16xi32>, vector<16xi32>], vector<16xf32>,
    %add3A_1522 = arith.constant 192 : i32
    %add3A_1523 = vector.broadcast %add3A_1522 : i32 to vector<16xi32>
    %add3A_1524 = arith.addi %iota3A_1499, %add3A_1523 : vector<16xi32>
    %gather3A_1525 = tpu.vector_load_idx %arg4[%add3A_1524, %add3A_1505] : memref<256x256xf32, #tpu.memory_space<vmem>>[vector<16xi32>, vector<16xi32>], vector<16xf32>,
    tpu.vector_store_idx %arg4[%add3A_1524, %mul3A_1502], %gather3A_1525 : memref<256x256xf32, #tpu.memory_space<vmem>>[vector<16xi32>, vector<16xi32>], vector<16xf32>,
    %add3A_1526 = arith.constant 208 : i32
    %add3A_1527 = vector.broadcast %add3A_1526 : i32 to vector<16xi32>
    %add3A_1528 = arith.addi %iota3A_1499, %add3A_1527 : vector<16xi32>
    %gather3A_1529 = tpu.vector_load_idx %arg4[%add3A_1528, %add3A_1505] : memref<256x256xf32, #tpu.memory_space<vmem>>[vector<16xi32>, vector<16xi32>], vector<16xf32>,
    tpu.vector_store_idx %arg4[%add3A_1528, %mul3A_1502], %gather3A_1529 : memref<256x256xf32, #tpu.memory_space<vmem>>[vector<16xi32>, vector<16xi32>], vector<16xf32>,
    %add3A_1530 = arith.constant 224 : i32
    %add3A_1531 = vector.broadcast %add3A_1530 : i32 to vector<16xi32>
    %add3A_1532 = arith.addi %iota3A_1499, %add3A_1531 : vector<16xi32>
    %gather3A_1533 = tpu.vector_load_idx %arg4[%add3A_1532, %add3A_1505] : memref<256x256xf32, #tpu.memory_space<vmem>>[vector<16xi32>, vector<16xi32>], vector<16xf32>,
    tpu.vector_store_idx %arg4[%add3A_1532, %mul3A_1502], %gather3A_1533 : memref<256x256xf32, #tpu.memory_space<vmem>>[vector<16xi32>, vector<16xi32>], vector<16xf32>,
    %add3A_1534 = arith.constant 240 : i32
    %add3A_1535 = vector.broadcast %add3A_1534 : i32 to vector<16xi32>
    %add3A_1536 = arith.addi %iota3A_1499, %add3A_1535 : vector<16xi32>
    %gather3A_1537 = tpu.vector_load_idx %arg4[%add3A_1536, %add3A_1505] : memref<256x256xf32, #tpu.memory_space<vmem>>[vector<16xi32>, vector<16xi32>], vector<16xf32>,
    tpu.vector_store_idx %arg4[%add3A_1536, %mul3A_1502], %gather3A_1537 : memref<256x256xf32, #tpu.memory_space<vmem>>[vector<16xi32>, vector<16xi32>], vector<16xf32>,
    %add3A_1538 = arith.constant 1920 : i32
    %add3A_1539 = arith.addi %mul3A_2, %add3A_1538 : i32
    %dma_start3A_1540 = arith.constant 1 : i32
    %dma_start3A_1541 = arith.constant 128 : i32
    %dma_start3A_1542 = arith.constant 0 : i32
    %dma_start3A_1543 = tpu.memref_slice %arg4[%dma_start3A_1541, %dma_start3A_1542] : memref<256x256xf32, #tpu.memory_space<vmem>> -> memref<128x256xf32, #tpu.memory_space<vmem>>
    %dma_start3A_1544 = arith.constant 0 : i32
    %dma_start3A_1545 = tpu.memref_slice %arg3[%add3A_1539, %dma_start3A_1544] : memref<65536x256xf32, #tpu.memory_space<hbm>> -> memref<128x256xf32, #tpu.memory_space<hbm>>
    %dma_start3A_1546 = tpu.memref_slice %arg6[%dma_start3A_1540] : memref<2x!tpu.dma_semaphore, #tpu.memory_space<semaphore_mem>> -> memref<1x!tpu.dma_semaphore, #tpu.memory_space<semaphore_mem>>
    %dma_start3A_1547 = tpu.memref_squeeze %dma_start3A_1546 : memref<1x!tpu.dma_semaphore, #tpu.memory_space<semaphore_mem>> -> memref<!tpu.dma_semaphore, #tpu.memory_space<semaphore_mem>>
    %dma_start3A_1548 = arith.constant 0 : i32
    %dma_start3A_1549 = tpu.memref_slice %arg3[%add3A_1539, %dma_start3A_1548] : memref<65536x256xf32, #tpu.memory_space<hbm>> -> memref<128x256xf32, #tpu.memory_space<hbm>>
    %dma_start3A_1550 = arith.constant 128 : i32
    %dma_start3A_1551 = arith.constant 0 : i32
    %dma_start3A_1552 = tpu.memref_slice %arg4[%dma_start3A_1550, %dma_start3A_1551] : memref<256x256xf32, #tpu.memory_space<vmem>> -> memref<128x256xf32, #tpu.memory_space<vmem>>
    tpu.enqueue_dma source(%dma_start3A_1552 : memref<128x256xf32, #tpu.memory_space<vmem>>) target(%dma_start3A_1549 : memref<128x256xf32, #tpu.memory_space<hbm>>) target_semaphore(%dma_start3A_1547 : memref<!tpu.dma_semaphore, #tpu.memory_space<semaphore_mem>>)
    %add3A_1553 = arith.constant 1792 : i32
    %add3A_1554 = arith.addi %mul3A_2, %add3A_1553 : i32
    %dma_wait3A_1555 = arith.constant 0 : i32
    %dma_wait3A_1556 = arith.constant 0 : i32
    %dma_wait3A_1557 = arith.constant 0 : i32
    %dma_wait3A_1558 = tpu.memref_slice %arg4[%dma_wait3A_1556, %dma_wait3A_1557] : memref<256x256xf32, #tpu.memory_space<vmem>> -> memref<128x256xf32, #tpu.memory_space<vmem>>
    %dma_wait3A_1559 = arith.constant 0 : i32
    %dma_wait3A_1560 = tpu.memref_slice %arg3[%add3A_1554, %dma_wait3A_1559] : memref<65536x256xf32, #tpu.memory_space<hbm>> -> memref<128x256xf32, #tpu.memory_space<hbm>>
    %dma_wait3A_1561 = tpu.memref_slice %arg6[%dma_wait3A_1555] : memref<2x!tpu.dma_semaphore, #tpu.memory_space<semaphore_mem>> -> memref<1x!tpu.dma_semaphore, #tpu.memory_space<semaphore_mem>>
    %dma_wait3A_1562 = tpu.memref_squeeze %dma_wait3A_1561 : memref<1x!tpu.dma_semaphore, #tpu.memory_space<semaphore_mem>> -> memref<!tpu.dma_semaphore, #tpu.memory_space<semaphore_mem>>
    %dma_wait3A_1563 = arith.constant 0 : i32
    %dma_wait3A_1564 = tpu.memref_slice %arg3[%add3A_1554, %dma_wait3A_1563] : memref<65536x256xf32, #tpu.memory_space<hbm>> -> memref<128x256xf32, #tpu.memory_space<hbm>>
    %dma_wait3A_1565 = arith.constant 0 : i32
    %dma_wait3A_1566 = arith.constant 0 : i32
    %dma_wait3A_1567 = tpu.memref_slice %arg4[%dma_wait3A_1565, %dma_wait3A_1566] : memref<256x256xf32, #tpu.memory_space<vmem>> -> memref<128x256xf32, #tpu.memory_space<vmem>>
    tpu.wait_dma2 semaphore(%dma_wait3A_1562 : memref<!tpu.dma_semaphore, #tpu.memory_space<semaphore_mem>>) src(%dma_wait3A_1567 : memref<128x256xf32, #tpu.memory_space<vmem>>) dst(%dma_wait3A_1564 : memref<128x256xf32, #tpu.memory_space<hbm>>)
    %add3A_1568 = arith.constant 1920 : i32
    %add3A_1569 = arith.addi %mul3A_2, %add3A_1568 : i32
    %dma_wait3A_1570 = arith.constant 1 : i32
    %dma_wait3A_1571 = arith.constant 128 : i32
    %dma_wait3A_1572 = arith.constant 0 : i32
    %dma_wait3A_1573 = tpu.memref_slice %arg4[%dma_wait3A_1571, %dma_wait3A_1572] : memref<256x256xf32, #tpu.memory_space<vmem>> -> memref<128x256xf32, #tpu.memory_space<vmem>>
    %dma_wait3A_1574 = arith.constant 0 : i32
    %dma_wait3A_1575 = tpu.memref_slice %arg3[%add3A_1569, %dma_wait3A_1574] : memref<65536x256xf32, #tpu.memory_space<hbm>> -> memref<128x256xf32, #tpu.memory_space<hbm>>
    %dma_wait3A_1576 = tpu.memref_slice %arg6[%dma_wait3A_1570] : memref<2x!tpu.dma_semaphore, #tpu.memory_space<semaphore_mem>> -> memref<1x!tpu.dma_semaphore, #tpu.memory_space<semaphore_mem>>
    %dma_wait3A_1577 = tpu.memref_squeeze %dma_wait3A_1576 : memref<1x!tpu.dma_semaphore, #tpu.memory_space<semaphore_mem>> -> memref<!tpu.dma_semaphore, #tpu.memory_space<semaphore_mem>>
    %dma_wait3A_1578 = arith.constant 0 : i32
    %dma_wait3A_1579 = tpu.memref_slice %arg3[%add3A_1569, %dma_wait3A_1578] : memref<65536x256xf32, #tpu.memory_space<hbm>> -> memref<128x256xf32, #tpu.memory_space<hbm>>
    %dma_wait3A_1580 = arith.constant 128 : i32
    %dma_wait3A_1581 = arith.constant 0 : i32
    %dma_wait3A_1582 = tpu.memref_slice %arg4[%dma_wait3A_1580, %dma_wait3A_1581] : memref<256x256xf32, #tpu.memory_space<vmem>> -> memref<128x256xf32, #tpu.memory_space<vmem>>
    tpu.wait_dma2 semaphore(%dma_wait3A_1577 : memref<!tpu.dma_semaphore, #tpu.memory_space<semaphore_mem>>) src(%dma_wait3A_1582 : memref<128x256xf32, #tpu.memory_space<vmem>>) dst(%dma_wait3A_1579 : memref<128x256xf32, #tpu.memory_space<hbm>>)
    return
  }
}

</mosaic_0001>

<sc_bundles>
// kernel: _sc_call.3.cloned.1.call-start
scs
__scs_entry_jumppad:
0x0: {  	(pc) =	sbr.rel $0x88, $3  }
0x1: {  	(tag) =	ssettag $0x0;
	lr =	simm.s32 $0x1  }
0x2: {  	[smem:$0x3FA0] =	sst lr;
	_ =	strace $0xD0000000  }
0x3: {  	_ = 	snop  }
0x4: {  	_ = 	snop  }
0x5: {  	_ = 	snop  }
0x6: {  	_ = 	snop  }
0x7: {  	_ = 	snop  }
__scs_overlays_trampoline_lowered:
0x8: {  	[smem:$0x3FAF] =	sst s0  }
0x9: {  	[smem:$0x3FB0] =	sst s1  }
0xa: {  	[smem:$0x3FB1] =	sst s2  }
0xb: {  	[smem:$0x3FB2] =	sst s3  }
0xc: {  	[smem:$0x3FB3] =	sst s4  }
0xd: {  	[smem:$0x3FB4] =	sst s5  }
0xe: {  	[smem:$0x3FB5] =	sst s6  }
0xf: {  	[smem:$0x3FB6] =	sst s7  }
0x10: {  	[smem:$0x3FB7] =	sst s8  }
0x11: {  	[smem:$0x3FB8] =	sst s9;
	s0 =	simm.s32 @!p0 $0x0  }
0x12: {  	s1 =	sld [smem:$0x3F9E];
	s0 =	simm.s32 @p0 $0x1  }
0x13: {  	[smem:$0x3FB9] =	sst s0;
	s0 =	simm.s32 @!p1 $0x0  }
0x14: {  	s2 =	sld [smem:$0x3F9D];
	s0 =	simm.s32 @p1 $0x1  }
0x15: {  	[smem:$0x3FBA] =	sst s0;
	s0 =	simm.s32 @!p2 $0x0  }
0x16: {  	s3 =	sld [smem:$0x3FDB];
	s0 =	simm.s32 @p2 $0x1  }
0x17: {  	s4 =	simm.s32 $0x1BF5;
	[smem:$0x3FBC] =	sst s0  }
0x18: {  	s0 =	sld [smem:$0x3F9F];
	_ =	swait.ge [sflag:s4], $0x0  }
0x19: {  	s7 =	sld [smem:$0x3FA0]  }
0x1a: {  	s8 =	sadd.s32 $0xFFFFE003, lr  }
0x1b: {  	s9 =	sadd.s32 $0xFFFFFEF7, lr;
	s5 =	simm.s32 $0xFFFFFFFF;
	p2 =	slt.u32 s8, $0xFFFFF086  }
0x1c: {  	p1 =	slt.u32 s9, $0xF7A;
	s5 =	simm.s32 @!p2 $0x0  }
0x1d: {  	s5 =	simm.s32 @p1 $0x1;
	p0 =	seq.s32 s7, s2  }
0x1e: {  	s7 =	smul.u32 @!p0 $0xF7A, s2;
	p2 =	seq.s32 @!p0 s5, $0x0  }
0x1f: {  	s9 =	smul.u32 $0xF7A, s1;
	s8 =	simm.s32 @!p0 $0x1BF5;
	p2 =	por !p2, p0  }
0x20: {  	[sflag:s8] =	ssyncset.s32 @!p0 $0xFFFFF086;
	s6 =	sadd.s32 @!p0 s3, s7;
	s7 =	simm.s32 @!p0 $0x108  }
0x21: {  	s3 =	sadd.s32 s3, s9;
	s6 =	sadd.s32 @!p0 $0x88, s6;
	s7 =	simm.s32 @p2 $0x1082  }
0x22: {  	[simem:s7], [sflag:s8] =	dma.local @!p0 [hbm:s6], $0xF7A  }
0x23: {  	s9 =	sor.u32 $0xD0000000, s2;
	s6 =	simm.s32 $0x108;
	_ =	swait.ge @!p0 [sflag:s8], $0x0  }
0x24: {  	s3 =	sadd.s32 $0x88, s3;
	s6 =	simm.s32 @!p1 $0x1082;
	[sflag:s4] =	ssyncset.s32 $0xFFFFF086  }
0x25: {  	[simem:s6], [sflag:s4] =	dma.local [hbm:s3], $0xF7A  }
0x26: {  	[smem:$0x3FA0] =	sst s1;
	(tag) =	ssettag s2;
	_ =	strace s9  }
0x27: {  	s1 =	sld [smem:$0x3FB0]  }
0x28: {  	s2 =	sld [smem:$0x3FB1]  }
0x29: {  	s4 =	sld [smem:$0x3FB3]  }
0x2a: {  	p0 =	seq.s32 s5, $0x0;
	s5 =	sld [smem:$0x3FB4]  }
0x2b: {  	s6 =	sld [smem:$0x3FB5]  }
0x2c: {  	s7 =	sld [smem:$0x3FB6]  }
0x2d: {  	s3 =	simm.s32 $0x108;
	s8 =	sld [smem:$0x3FB7]  }
0x2e: {  	s3 =	simm.s32 @!p0 $0x1082;
	s9 =	sld [smem:$0x3FB8]  }
0x2f: {  	lr =	sadd.s32 s0, s3;
	s0 =	sld [smem:$0x3FAF]  }
0x30: {  	s3 =	sld [smem:$0x3FB2]  }
0x31: {  	[smem:$0x3FBB] =	sst s10  }
0x32: {  	s10 =	sld [smem:$0x3FB9];
	_ =	sdelay $0x3  }
0x33: {  	p0 =	seq.s32 s10, $0x1;
	s10 =	sld [smem:$0x3FBB];
	_ =	sdelay $0x3  }
0x34: {  	[smem:$0x3FBB] =	sst s10  }
0x35: {  	s10 =	sld [smem:$0x3FBA];
	_ =	sdelay $0x3  }
0x36: {  	p1 =	seq.s32 s10, $0x1;
	s10 =	sld [smem:$0x3FBB];
	_ =	sdelay $0x3  }
0x37: {  	[smem:$0x3FBB] =	sst s10  }
0x38: {  	s10 =	sld [smem:$0x3FBC]  }
0x39: {  	_ = 	snop;
	(pc) =	sbr.ind lr, $3  }
0x3a: {  	_ = 	snop  }
0x3b: {  	_ = 	snop  }
0x3c: {  	p2 =	seq.s32 s10, $0x1;
	s10 =	sld [smem:$0x3FBB]  }
0x3d: {  	_ =	shalt  }
0x3e: {  	_ =	shalt  }
0x3f: {  	_ =	shalt  }
0x40: {  	_ =	shalt  }
0x41: {  	_ =	shalt  }
0x42: {  	_ =	shalt  }
0x43: {  	_ =	shalt  }
0x44: {  	_ =	shalt  }
0x45: {  	_ =	shalt  }
0x46: {  	_ =	shalt  }
0x47: {  	_ =	shalt  }
0x48: {  	_ =	shalt  }
0x49: {  	_ =	shalt  }
0x4a: {  	_ =	shalt  }
0x4b: {  	_ =	shalt  }
0x4c: {  	_ =	shalt  }
0x4d: {  	_ =	shalt  }
0x4e: {  	_ =	shalt  }
0x4f: {  	_ =	shalt  }
0x50: {  	_ =	shalt  }
0x51: {  	_ =	shalt  }
0x52: {  	_ =	shalt  }
0x53: {  	_ =	shalt  }
0x54: {  	_ =	shalt  }
0x55: {  	_ =	shalt  }
0x56: {  	_ =	shalt  }
0x57: {  	_ =	shalt  }
0x58: {  	_ =	shalt  }
0x59: {  	_ =	shalt  }
0x5a: {  	_ =	shalt  }
0x5b: {  	_ =	shalt  }
0x5c: {  	_ =	shalt  }
0x5d: {  	_ =	shalt  }
0x5e: {  	_ =	shalt  }
0x5f: {  	_ =	shalt  }
0x60: {  	_ =	shalt  }
0x61: {  	_ =	shalt  }
0x62: {  	_ =	shalt  }
0x63: {  	_ =	shalt  }
0x64: {  	_ =	shalt  }
0x65: {  	_ =	shalt  }
0x66: {  	_ =	shalt  }
0x67: {  	_ =	shalt  }
0x68: {  	_ =	shalt  }
0x69: {  	_ =	shalt  }
0x6a: {  	_ =	shalt  }
0x6b: {  	_ =	shalt  }
0x6c: {  	_ =	shalt  }
0x6d: {  	_ =	shalt  }
0x6e: {  	_ =	shalt  }
0x6f: {  	_ =	shalt  }
0x70: {  	_ =	shalt  }
0x71: {  	_ =	shalt  }
0x72: {  	_ =	shalt  }
0x73: {  	_ =	shalt  }
0x74: {  	_ =	shalt  }
0x75: {  	_ =	shalt  }
0x76: {  	_ =	shalt  }
0x77: {  	_ =	shalt  }
0x78: {  	_ =	shalt  }
0x79: {  	_ =	shalt  }
0x7a: {  	_ =	shalt  }
0x7b: {  	_ =	shalt  }
0x7c: {  	_ =	shalt  }
0x7d: {  	_ =	shalt  }
0x7e: {  	_ =	shalt  }
0x7f: {  	_ =	shalt  }
0x80: {  	_ =	shalt  }
0x81: {  	_ =	shalt  }
0x82: {  	_ =	shalt  }
0x83: {  	_ =	shalt  }
0x84: {  	_ =	shalt  }
0x85: {  	_ =	shalt  }
0x86: {  	_ =	shalt  }
0x87: {  	_ =	shalt  }
.Lfunc_end0:
.L_simem_size_0:
called_computation_lowered:
.L_overlay_start_0:
0x88: {  	s2 =	sld [smem:$0x3FD9]  }
0x89: {  	s3 =	sld [smem:$0x3FFE];
	_ =	sdelay $0x1  }
0x8a: {  	s1 =	srdreg.scid  }
0x8b: {  	s0 =	sand.u32 $0x1, s1  }
0x8c: {  	s18 =	sshll.u32 s0, $0xA;
	s2 =	sadd.s32 s3, s2  }
0x8d: {  	s2 =	sadd.s32 s2, s18  }
0x8e: {  	[smem:$0x3FC7] =	sst s2  }
0x8f: {  	_ = 	snop  }
0x90: {  	s2 =	sld [smem:$0x3FC9]  }
0x91: {  	s19 =	sld [smem:$0x3FD0];
	(tm) =	ssettm $0x1  }
0x92: {  	s4 =	sld [smem:$0x3FFB];
	_ =	sdelay $0x3  }
0x93: {  	_ =	strace s4  }
0x94: {  	s4 =	sld [smem:$0x3FFC];
	_ =	sdelay $0x3  }
0x95: {  	_ =	strace s4  }
0x96: {  	s4 =	sld [smem:$0x3FFD];
	_ =	sdelay $0x3  }
0x97: {  	_ =	strace s4  }
0x98: {  	_ =	strace $0x8FFFFFFF  }
0x99: {  	s20 =	sld [smem:$0x3FDB];
	_ =	sdelay $0x1  }
0x9a: {  	s5 =	simm.s32 $_scs_section_size  }
0x9b: {  	s6 =	simm.s32 $_size__tile_overlayer_lowered;
	s7 =	simm.s32 $_tile_overlayer_lowered  }
0x9c: {  	s23 =	simm.s32 $0x1BFF;
	s22 =	sshll.u32 s7, $0x1;
	s4 =	sadd.s32 s5, s20  }
0x9d: {  	s8 =	simm.s32 $0x0;
	s21 =	sshll.u32 s6, $0x1;
	s6 =	sadd.s32 s22, s4  }
0x9e: {  	[timem:s8], [sflag:s23] =	dma.local [hbm:s6], s21  }
0x9f: {  	_ =	swait.ge [sflag:s23], s21  }
0xa0: {  	s5 =	ssub.s32 $0x0, s21;
	[sflag:s23] =	ssyncset.done $0x0  }
0xa1: {  	[sflag:s23] =	ssyncadd.s32 s5;
	_ =	sdelay $0x1  }
0xa2: {  	s24 =	simm.s32 $0x1B8B  }
0xa3: {  	_ =	swait.ge [sflag:s24], $0x1  }
0xa4: {  	[sflag:s24] =	ssyncset.done $0x0  }
0xa5: {  	s25 =	simm.s32 $0x1B8E;
	[sflag:s24] =	ssyncadd.s32 $0xFFFFFFFF  }
0xa6: {  	s26 =	simm.s32 $execute0_lowered;
	[smem:$0x3FD2] =	sst s25  }
0xa7: {  	s5 =	sshll.u32 s26, $0x1;
	_ =	strace $0x80000046;
	[dreg:$0x1] =	wrdreg $0xFFFFFFFF  }
0xa8: {  	s28 =	simm.s32 $_size_execute0_lowered;
	s4 =	sadd.s32 s4, s5;
	[dreg:$0x0] =	wrdreg $0x0  }
0xa9: {  	s5 =	sshll.u32 s28, $0x1;
	[dreg:$0x2] =	wrdreg s4  }
0xaa: {  	[dreg:$0x3] =	wrdreg s5  }
0xab: {  	[dreg:$0x4] =	wrdreg $0xC0  }
0xac: {  	_ =	task [dreg:s8], $0x5FFFF  }
0xad: {  	[dreg:$0x1] =	wrdreg $0xFFFFFFFF  }
0xae: {  	[dreg:$0x0] =	wrdreg $0x60  }
0xaf: {  	[dreg:$0x2] =	wrdreg s2  }
0xb0: {  	[dreg:$0x3] =	wrdreg s19  }
0xb1: {  	[dreg:$0x4] =	wrdreg $0x9  }
0xb2: {  	_ =	task.clear_ibuf [dreg:s8], $0x5FFFF;
	_ =	strace $0x90000046  }
0xb3: {  	s29 =	simm.s32 $0x9;
	_ =	strace $0x80000048  }
0xb4: {  	_ =	swait.ge [sflag:s29], $0x1  }
0xb5: {  	[sflag:s29] =	ssyncadd.s32 $0xFFFFFFFF  }
0xb6: {  	_ =	strace $0x90000048  }
0xb7: {  	_ =	sfence  }
0xb8: {  	s30 =	sld [smem:$0x0];
	_ =	sdelay $0x2  }
0xb9: {  	s31 =	sshll.u32 s1, $0xD;
	s1 =	sshrl.u32 s1, $0x2  }
0xba: {  	s3 =	sand.u32 $0x4000, s31;
	s1 =	sadd.s32 s1, s30  }
0xbb: {  	s0 =	sor.u32 s3, s0;
	s1 =	sshll.u32 s1, $0x11  }
0xbc: {  	s0 =	sor.u32 s1, s0  }
0xbd: {  	s0 =	sadd.s32 $0x8F2B, s0  }
0xbe: {  	[sflag:s0] =	ssyncadd.remote.s32 $0x1  }
0xbf: {  	_ =	sfence.sel $0xFFFF  }
0xc0: {  	[dreg:$0x0] =	wrdreg $0xFFFFFFFF;
	(pc) =	sbr.abs _section_cstart, $3  }
0xc1: {  	[dreg:$0x1] =	wrdreg $0xFFFFFFFF  }
0xc2: {  	_ =	task.clear_ibuf [dreg:s8], $0x2FFFF;
	_ =	strace $0x9FFFFFFF  }
0xc3: {  	(tm) =	ssettm $0x7FFFFFFF  }
tec
execute0_lowered:
.L_overlay_start_1:
0x0: {  	(tag) =	ssettag $0x1  }
0x1: {  	v0 =	vimm.s32 $0xB81;
	vm14 =	vcmask $0x300  }
0x2: {  	v1 =	vimm.s32 $0xB80;
	vm13 =	vcmask $0x704;
	vm12 =	vcmask $0xB08  }
0x3: {  	vm11 =	vcmask $0xF0C;
	vm10 =	vcmask $0x1310;
	vm9 =	vcmask $0x1714  }
0x4: {  	vm8 =	vcmask $0x1B18;
	vm7 =	vcmask $0x1F1C;
	vm6 =	vcmask $0x2320  }
0x5: {  	vm5 =	vcmask $0x2724;
	vm4 =	vcmask $0x2B28;
	vm3 =	vcmask $0x2F2C  }
0x6: {  	vm2 =	vcmask $0x3330;
	vm1 =	vcmask $0x3734;
	vm0 =	vcmask $0x3B38  }
0x7: {  	v2 =	vimm.s32 $0x1B81;
	v3 =	vimm.s32 $0x1B80;
	v4 =	vimm.s32 $0x2B81  }
0x8: {  	v5 =	vimm.s32 $0x2B80;
	v6 =	vimm.s32 $0x3B81;
	v7 =	vimm.s32 $0x3B80  }
0x9: {  	v8 =	vimm.s32 $0x4B81;
	v9 =	vimm.s32 $0x4B80;
	v10 =	vimm.s32 $0x5B81  }
0xa: {  	v11 =	vimm.s32 $0x5B80;
	v12 =	vimm.s32 $0x6B81;
	v13 =	vimm.s32 $0x6B80  }
0xb: {  	v14 =	vimm.s32 $0x7B81;
	v15 =	vimm.s32 $0x7B80;
	v16 =	vimm.s32 $0x8B81  }
0xc: {  	v17 =	vimm.s32 $0x8B80;
	v18 =	vimm.s32 $0x9B81;
	v19 =	vimm.s32 $0x9B80  }
0xd: {  	v20 =	vimm.s32 $0xAB81;
	v21 =	vimm.s32 $0xAB80;
	v22 =	vimm.s32 $0xBB81  }
0xe: {  	v23 =	vimm.s32 $0xBB80;
	v24 =	vimm.s32 $0xCB81;
	v25 =	vimm.s32 $0xCB80  }
0xf: {  	v26 =	vimm.s32 $0xDB81;
	v27 =	vimm.s32 $0xDB80;
	v28 =	vimm.s32 $0xEB81  }
0x10: {  	v29 =	vimm.s32 $0xEB80;
	v30 =	vimm.s32 $0xFB81;
	v31 =	vimm.s32 $0xFB80  }
0x11: {  	v0 =	vsel vm14, $0x1, v0;
	v1 =	vsel vm14, $0x0, v1;
	v2 =	vsel vm14, $0x1001, v2  }
0x12: {  	v3 =	vsel vm14, $0x1000, v3;
	v4 =	vsel vm14, $0x2001, v4;
	v5 =	vsel vm14, $0x2000, v5  }
0x13: {  	v6 =	vsel vm14, $0x3001, v6;
	v7 =	vsel vm14, $0x3000, v7;
	v8 =	vsel vm14, $0x4001, v8  }
0x14: {  	v9 =	vsel vm14, $0x4000, v9;
	v10 =	vsel vm14, $0x5001, v10;
	v11 =	vsel vm14, $0x5000, v11  }
0x15: {  	v12 =	vsel vm14, $0x6001, v12;
	v13 =	vsel vm14, $0x6000, v13;
	v14 =	vsel vm14, $0x7001, v14  }
0x16: {  	v15 =	vsel vm14, $0x7000, v15;
	v16 =	vsel vm14, $0x8001, v16;
	v17 =	vsel vm14, $0x8000, v17  }
0x17: {  	v18 =	vsel vm14, $0x9001, v18;
	v19 =	vsel vm14, $0x9000, v19;
	v20 =	vsel vm14, $0xA001, v20  }
0x18: {  	v21 =	vsel vm14, $0xA000, v21;
	v22 =	vsel vm14, $0xB001, v22;
	v23 =	vsel vm14, $0xB000, v23  }
0x19: {  	v24 =	vsel vm14, $0xC001, v24;
	v25 =	vsel vm14, $0xC000, v25;
	v26 =	vsel vm14, $0xD001, v26  }
0x1a: {  	v27 =	vsel vm14, $0xD000, v27;
	v28 =	vsel vm14, $0xE001, v28;
	v29 =	vsel vm14, $0xE000, v29  }
0x1b: {  	v30 =	vsel vm14, $0xF001, v30;
	v31 =	vsel vm14, $0xF000, v31;
	v0 =	vsel vm13, $0x81, v0  }
0x1c: {  	v1 =	vsel vm13, $0x80, v1;
	v2 =	vsel vm13, $0x1081, v2;
	v3 =	vsel vm13, $0x1080, v3  }
0x1d: {  	v4 =	vsel vm13, $0x2081, v4;
	v5 =	vsel vm13, $0x2080, v5;
	v6 =	vsel vm13, $0x3081, v6  }
0x1e: {  	v7 =	vsel vm13, $0x3080, v7;
	v8 =	vsel vm13, $0x4081, v8;
	v9 =	vsel vm13, $0x4080, v9  }
0x1f: {  	v10 =	vsel vm13, $0x5081, v10;
	v11 =	vsel vm13, $0x5080, v11;
	v12 =	vsel vm13, $0x6081, v12  }
0x20: {  	v13 =	vsel vm13, $0x6080, v13;
	v14 =	vsel vm13, $0x7081, v14;
	v15 =	vsel vm13, $0x7080, v15  }
0x21: {  	v16 =	vsel vm13, $0x8081, v16;
	v17 =	vsel vm13, $0x8080, v17;
	v18 =	vsel vm13, $0x9081, v18  }
0x22: {  	v19 =	vsel vm13, $0x9080, v19;
	v20 =	vsel vm13, $0xA081, v20;
	v21 =	vsel vm13, $0xA080, v21  }
0x23: {  	v22 =	vsel vm13, $0xB081, v22;
	v23 =	vsel vm13, $0xB080, v23;
	v24 =	vsel vm13, $0xC081, v24  }
0x24: {  	v25 =	vsel vm13, $0xC080, v25;
	v26 =	vsel vm13, $0xD081, v26;
	v27 =	vsel vm13, $0xD080, v27  }
0x25: {  	v28 =	vsel vm13, $0xE081, v28;
	v29 =	vsel vm13, $0xE080, v29;
	v30 =	vsel vm13, $0xF081, v30  }
0x26: {  	v31 =	vsel vm13, $0xF080, v31;
	v0 =	vsel vm12, $0x101, v0;
	v1 =	vsel vm12, $0x100, v1  }
0x27: {  	v2 =	vsel vm12, $0x1101, v2;
	v3 =	vsel vm12, $0x1100, v3;
	v4 =	vsel vm12, $0x2101, v4  }
0x28: {  	v5 =	vsel vm12, $0x2100, v5;
	v6 =	vsel vm12, $0x3101, v6;
	v7 =	vsel vm12, $0x3100, v7  }
0x29: {  	v8 =	vsel vm12, $0x4101, v8;
	v9 =	vsel vm12, $0x4100, v9;
	v10 =	vsel vm12, $0x5101, v10  }
0x2a: {  	v11 =	vsel vm12, $0x5100, v11;
	v12 =	vsel vm12, $0x6101, v12;
	v13 =	vsel vm12, $0x6100, v13  }
0x2b: {  	v14 =	vsel vm12, $0x7101, v14;
	v15 =	vsel vm12, $0x7100, v15;
	v16 =	vsel vm12, $0x8101, v16  }
0x2c: {  	v17 =	vsel vm12, $0x8100, v17;
	v18 =	vsel vm12, $0x9101, v18;
	v19 =	vsel vm12, $0x9100, v19  }
0x2d: {  	v20 =	vsel vm12, $0xA101, v20;
	v21 =	vsel vm12, $0xA100, v21;
	v22 =	vsel vm12, $0xB101, v22  }
0x2e: {  	v23 =	vsel vm12, $0xB100, v23;
	v24 =	vsel vm12, $0xC101, v24;
	v25 =	vsel vm12, $0xC100, v25  }
0x2f: {  	v26 =	vsel vm12, $0xD101, v26;
	v27 =	vsel vm12, $0xD100, v27;
	v28 =	vsel vm12, $0xE101, v28  }
0x30: {  	v29 =	vsel vm12, $0xE100, v29;
	v30 =	vsel vm12, $0xF101, v30;
	v31 =	vsel vm12, $0xF100, v31  }
0x31: {  	v0 =	vsel vm11, $0x181, v0;
	v1 =	vsel vm11, $0x180, v1;
	v2 =	vsel vm11, $0x1181, v2  }
0x32: {  	v3 =	vsel vm11, $0x1180, v3;
	v4 =	vsel vm11, $0x2181, v4;
	v5 =	vsel vm11, $0x2180, v5  }
0x33: {  	v6 =	vsel vm11, $0x3181, v6;
	v7 =	vsel vm11, $0x3180, v7;
	v8 =	vsel vm11, $0x4181, v8  }
0x34: {  	v9 =	vsel vm11, $0x4180, v9;
	v10 =	vsel vm11, $0x5181, v10;
	v11 =	vsel vm11, $0x5180, v11  }
0x35: {  	v12 =	vsel vm11, $0x6181, v12;
	v13 =	vsel vm11, $0x6180, v13;
	v14 =	vsel vm11, $0x7181, v14  }
0x36: {  	v15 =	vsel vm11, $0x7180, v15;
	v16 =	vsel vm11, $0x8181, v16;
	v17 =	vsel vm11, $0x8180, v17  }
0x37: {  	v18 =	vsel vm11, $0x9181, v18;
	v19 =	vsel vm11, $0x9180, v19;
	v20 =	vsel vm11, $0xA181, v20  }
0x38: {  	v21 =	vsel vm11, $0xA180, v21;
	v22 =	vsel vm11, $0xB181, v22;
	v23 =	vsel vm11, $0xB180, v23  }
0x39: {  	v24 =	vsel vm11, $0xC181, v24;
	v25 =	vsel vm11, $0xC180, v25;
	v26 =	vsel vm11, $0xD181, v26  }
0x3a: {  	v27 =	vsel vm11, $0xD180, v27;
	v28 =	vsel vm11, $0xE181, v28;
	v29 =	vsel vm11, $0xE180, v29  }
0x3b: {  	v30 =	vsel vm11, $0xF181, v30;
	v31 =	vsel vm11, $0xF180, v31;
	v0 =	vsel vm10, $0x201, v0  }
0x3c: {  	v1 =	vsel vm10, $0x200, v1;
	v2 =	vsel vm10, $0x1201, v2;
	v3 =	vsel vm10, $0x1200, v3  }
0x3d: {  	v4 =	vsel vm10, $0x2201, v4;
	v5 =	vsel vm10, $0x2200, v5;
	v6 =	vsel vm10, $0x3201, v6  }
0x3e: {  	v7 =	vsel vm10, $0x3200, v7;
	v8 =	vsel vm10, $0x4201, v8;
	v9 =	vsel vm10, $0x4200, v9  }
0x3f: {  	v10 =	vsel vm10, $0x5201, v10;
	v11 =	vsel vm10, $0x5200, v11;
	v12 =	vsel vm10, $0x6201, v12  }
0x40: {  	v13 =	vsel vm10, $0x6200, v13;
	v14 =	vsel vm10, $0x7201, v14;
	v15 =	vsel vm10, $0x7200, v15  }
0x41: {  	v16 =	vsel vm10, $0x8201, v16;
	v17 =	vsel vm10, $0x8200, v17;
	v18 =	vsel vm10, $0x9201, v18  }
0x42: {  	v19 =	vsel vm10, $0x9200, v19;
	v20 =	vsel vm10, $0xA201, v20;
	v21 =	vsel vm10, $0xA200, v21  }
0x43: {  	v22 =	vsel vm10, $0xB201, v22;
	v23 =	vsel vm10, $0xB200, v23;
	v24 =	vsel vm10, $0xC201, v24  }
0x44: {  	v25 =	vsel vm10, $0xC200, v25;
	v26 =	vsel vm10, $0xD201, v26;
	v27 =	vsel vm10, $0xD200, v27  }
0x45: {  	v28 =	vsel vm10, $0xE201, v28;
	v29 =	vsel vm10, $0xE200, v29;
	v30 =	vsel vm10, $0xF201, v30  }
0x46: {  	v31 =	vsel vm10, $0xF200, v31;
	v0 =	vsel vm9, $0x281, v0;
	v1 =	vsel vm9, $0x280, v1  }
0x47: {  	v2 =	vsel vm9, $0x1281, v2;
	v3 =	vsel vm9, $0x1280, v3;
	v4 =	vsel vm9, $0x2281, v4  }
0x48: {  	v5 =	vsel vm9, $0x2280, v5;
	v6 =	vsel vm9, $0x3281, v6;
	v7 =	vsel vm9, $0x3280, v7  }
0x49: {  	v8 =	vsel vm9, $0x4281, v8;
	v9 =	vsel vm9, $0x4280, v9;
	v10 =	vsel vm9, $0x5281, v10  }
0x4a: {  	v11 =	vsel vm9, $0x5280, v11;
	v12 =	vsel vm9, $0x6281, v12;
	v13 =	vsel vm9, $0x6280, v13  }
0x4b: {  	v14 =	vsel vm9, $0x7281, v14;
	v15 =	vsel vm9, $0x7280, v15;
	v16 =	vsel vm9, $0x8281, v16  }
0x4c: {  	v17 =	vsel vm9, $0x8280, v17;
	v18 =	vsel vm9, $0x9281, v18;
	v19 =	vsel vm9, $0x9280, v19  }
0x4d: {  	v20 =	vsel vm9, $0xA281, v20;
	v21 =	vsel vm9, $0xA280, v21;
	v22 =	vsel vm9, $0xB281, v22  }
0x4e: {  	v23 =	vsel vm9, $0xB280, v23;
	v24 =	vsel vm9, $0xC281, v24;
	v25 =	vsel vm9, $0xC280, v25  }
0x4f: {  	v26 =	vsel vm9, $0xD281, v26;
	v27 =	vsel vm9, $0xD280, v27;
	v28 =	vsel vm9, $0xE281, v28  }
0x50: {  	v29 =	vsel vm9, $0xE280, v29;
	v30 =	vsel vm9, $0xF281, v30;
	v31 =	vsel vm9, $0xF280, v31  }
0x51: {  	v0 =	vsel vm8, $0x301, v0;
	v1 =	vsel vm8, $0x300, v1;
	v2 =	vsel vm8, $0x1301, v2  }
0x52: {  	v3 =	vsel vm8, $0x1300, v3;
	v4 =	vsel vm8, $0x2301, v4;
	v5 =	vsel vm8, $0x2300, v5  }
0x53: {  	v6 =	vsel vm8, $0x3301, v6;
	v7 =	vsel vm8, $0x3300, v7;
	v8 =	vsel vm8, $0x4301, v8  }
0x54: {  	v9 =	vsel vm8, $0x4300, v9;
	v10 =	vsel vm8, $0x5301, v10;
	v11 =	vsel vm8, $0x5300, v11  }
0x55: {  	v12 =	vsel vm8, $0x6301, v12;
	v13 =	vsel vm8, $0x6300, v13;
	v14 =	vsel vm8, $0x7301, v14  }
0x56: {  	v15 =	vsel vm8, $0x7300, v15;
	v16 =	vsel vm8, $0x8301, v16;
	v17 =	vsel vm8, $0x8300, v17  }
0x57: {  	v18 =	vsel vm8, $0x9301, v18;
	v19 =	vsel vm8, $0x9300, v19;
	v20 =	vsel vm8, $0xA301, v20  }
0x58: {  	v21 =	vsel vm8, $0xA300, v21;
	v22 =	vsel vm8, $0xB301, v22;
	v23 =	vsel vm8, $0xB300, v23  }
0x59: {  	v24 =	vsel vm8, $0xC301, v24;
	v25 =	vsel vm8, $0xC300, v25;
	v26 =	vsel vm8, $0xD301, v26  }
0x5a: {  	v27 =	vsel vm8, $0xD300, v27;
	v28 =	vsel vm8, $0xE301, v28;
	v29 =	vsel vm8, $0xE300, v29  }
0x5b: {  	v30 =	vsel vm8, $0xF301, v30;
	v31 =	vsel vm8, $0xF300, v31;
	v0 =	vsel vm7, $0x381, v0  }
0x5c: {  	v1 =	vsel vm7, $0x380, v1;
	v2 =	vsel vm7, $0x1381, v2;
	v3 =	vsel vm7, $0x1380, v3  }
0x5d: {  	v4 =	vsel vm7, $0x2381, v4;
	v5 =	vsel vm7, $0x2380, v5;
	v6 =	vsel vm7, $0x3381, v6  }
0x5e: {  	v7 =	vsel vm7, $0x3380, v7;
	v8 =	vsel vm7, $0x4381, v8;
	v9 =	vsel vm7, $0x4380, v9  }
0x5f: {  	v10 =	vsel vm7, $0x5381, v10;
	v11 =	vsel vm7, $0x5380, v11;
	v12 =	vsel vm7, $0x6381, v12  }
0x60: {  	v13 =	vsel vm7, $0x6380, v13;
	v14 =	vsel vm7, $0x7381, v14;
	v15 =	vsel vm7, $0x7380, v15  }
0x61: {  	v16 =	vsel vm7, $0x8381, v16;
	v17 =	vsel vm7, $0x8380, v17;
	v18 =	vsel vm7, $0x9381, v18  }
0x62: {  	v19 =	vsel vm7, $0x9380, v19;
	v20 =	vsel vm7, $0xA381, v20;
	v21 =	vsel vm7, $0xA380, v21  }
0x63: {  	v22 =	vsel vm7, $0xB381, v22;
	v23 =	vsel vm7, $0xB380, v23;
	v24 =	vsel vm7, $0xC381, v24  }
0x64: {  	v25 =	vsel vm7, $0xC380, v25;
	v26 =	vsel vm7, $0xD381, v26;
	v27 =	vsel vm7, $0xD380, v27  }
0x65: {  	v28 =	vsel vm7, $0xE381, v28;
	v29 =	vsel vm7, $0xE380, v29;
	v30 =	vsel vm7, $0xF381, v30  }
0x66: {  	v31 =	vsel vm7, $0xF380, v31;
	v0 =	vsel vm6, $0x801, v0;
	v1 =	vsel vm6, $0x800, v1  }
0x67: {  	v2 =	vsel vm6, $0x1801, v2;
	v3 =	vsel vm6, $0x1800, v3;
	v4 =	vsel vm6, $0x2801, v4  }
0x68: {  	v5 =	vsel vm6, $0x2800, v5;
	v6 =	vsel vm6, $0x3801, v6;
	v7 =	vsel vm6, $0x3800, v7  }
0x69: {  	v8 =	vsel vm6, $0x4801, v8;
	v9 =	vsel vm6, $0x4800, v9;
	v10 =	vsel vm6, $0x5801, v10  }
0x6a: {  	v11 =	vsel vm6, $0x5800, v11;
	v12 =	vsel vm6, $0x6801, v12;
	v13 =	vsel vm6, $0x6800, v13  }
0x6b: {  	v14 =	vsel vm6, $0x7801, v14;
	v15 =	vsel vm6, $0x7800, v15;
	v16 =	vsel vm6, $0x8801, v16  }
0x6c: {  	v17 =	vsel vm6, $0x8800, v17;
	v18 =	vsel vm6, $0x9801, v18;
	v19 =	vsel vm6, $0x9800, v19  }
0x6d: {  	v20 =	vsel vm6, $0xA801, v20;
	v21 =	vsel vm6, $0xA800, v21;
	v22 =	vsel vm6, $0xB801, v22  }
0x6e: {  	v23 =	vsel vm6, $0xB800, v23;
	v24 =	vsel vm6, $0xC801, v24;
	v25 =	vsel vm6, $0xC800, v25  }
0x6f: {  	v26 =	vsel vm6, $0xD801, v26;
	v27 =	vsel vm6, $0xD800, v27;
	v28 =	vsel vm6, $0xE801, v28  }
0x70: {  	v29 =	vsel vm6, $0xE800, v29;
	v30 =	vsel vm6, $0xF801, v30;
	v31 =	vsel vm6, $0xF800, v31  }
0x71: {  	v0 =	vsel vm5, $0x881, v0;
	v1 =	vsel vm5, $0x880, v1;
	v2 =	vsel vm5, $0x1881, v2  }
0x72: {  	v3 =	vsel vm5, $0x1880, v3;
	v4 =	vsel vm5, $0x2881, v4;
	v5 =	vsel vm5, $0x2880, v5  }
0x73: {  	v6 =	vsel vm5, $0x3881, v6;
	v7 =	vsel vm5, $0x3880, v7;
	v8 =	vsel vm5, $0x4881, v8  }
0x74: {  	v9 =	vsel vm5, $0x4880, v9;
	v10 =	vsel vm5, $0x5881, v10;
	v11 =	vsel vm5, $0x5880, v11  }
0x75: {  	v12 =	vsel vm5, $0x6881, v12;
	v13 =	vsel vm5, $0x6880, v13;
	v14 =	vsel vm5, $0x7881, v14  }
0x76: {  	v15 =	vsel vm5, $0x7880, v15;
	v16 =	vsel vm5, $0x8881, v16;
	v17 =	vsel vm5, $0x8880, v17  }
0x77: {  	v18 =	vsel vm5, $0x9881, v18;
	v19 =	vsel vm5, $0x9880, v19;
	v20 =	vsel vm5, $0xA881, v20  }
0x78: {  	v21 =	vsel vm5, $0xA880, v21;
	v22 =	vsel vm5, $0xB881, v22;
	v23 =	vsel vm5, $0xB880, v23  }
0x79: {  	v24 =	vsel vm5, $0xC881, v24;
	v25 =	vsel vm5, $0xC880, v25;
	v26 =	vsel vm5, $0xD881, v26  }
0x7a: {  	v27 =	vsel vm5, $0xD880, v27;
	v28 =	vsel vm5, $0xE881, v28;
	v29 =	vsel vm5, $0xE880, v29  }
0x7b: {  	v30 =	vsel vm5, $0xF881, v30;
	v31 =	vsel vm5, $0xF880, v31;
	v0 =	vsel vm4, $0x901, v0  }
0x7c: {  	v1 =	vsel vm4, $0x900, v1;
	v2 =	vsel vm4, $0x1901, v2;
	v3 =	vsel vm4, $0x1900, v3  }
0x7d: {  	v4 =	vsel vm4, $0x2901, v4;
	v5 =	vsel vm4, $0x2900, v5;
	v6 =	vsel vm4, $0x3901, v6  }
0x7e: {  	v7 =	vsel vm4, $0x3900, v7;
	v8 =	vsel vm4, $0x4901, v8;
	v9 =	vsel vm4, $0x4900, v9  }
0x7f: {  	v10 =	vsel vm4, $0x5901, v10;
	v11 =	vsel vm4, $0x5900, v11;
	v12 =	vsel vm4, $0x6901, v12  }
0x80: {  	v13 =	vsel vm4, $0x6900, v13;
	v14 =	vsel vm4, $0x7901, v14;
	v15 =	vsel vm4, $0x7900, v15  }
0x81: {  	v16 =	vsel vm4, $0x8901, v16;
	v17 =	vsel vm4, $0x8900, v17;
	v18 =	vsel vm4, $0x9901, v18  }
0x82: {  	v19 =	vsel vm4, $0x9900, v19;
	v20 =	vsel vm4, $0xA901, v20;
	v21 =	vsel vm4, $0xA900, v21  }
0x83: {  	v22 =	vsel vm4, $0xB901, v22;
	v23 =	vsel vm4, $0xB900, v23;
	v24 =	vsel vm4, $0xC901, v24  }
0x84: {  	v25 =	vsel vm4, $0xC900, v25;
	v26 =	vsel vm4, $0xD901, v26;
	v27 =	vsel vm4, $0xD900, v27  }
0x85: {  	v28 =	vsel vm4, $0xE901, v28;
	v29 =	vsel vm4, $0xE900, v29;
	v30 =	vsel vm4, $0xF901, v30  }
0x86: {  	v31 =	vsel vm4, $0xF900, v31;
	v0 =	vsel vm3, $0x981, v0;
	v1 =	vsel vm3, $0x980, v1  }
0x87: {  	v2 =	vsel vm3, $0x1981, v2;
	v3 =	vsel vm3, $0x1980, v3;
	v4 =	vsel vm3, $0x2981, v4  }
0x88: {  	v5 =	vsel vm3, $0x2980, v5;
	v6 =	vsel vm3, $0x3981, v6;
	v7 =	vsel vm3, $0x3980, v7  }
0x89: {  	v8 =	vsel vm3, $0x4981, v8;
	v9 =	vsel vm3, $0x4980, v9;
	v10 =	vsel vm3, $0x5981, v10  }
0x8a: {  	v11 =	vsel vm3, $0x5980, v11;
	v12 =	vsel vm3, $0x6981, v12;
	v13 =	vsel vm3, $0x6980, v13  }
0x8b: {  	v14 =	vsel vm3, $0x7981, v14;
	v15 =	vsel vm3, $0x7980, v15;
	v16 =	vsel vm3, $0x8981, v16  }
0x8c: {  	v17 =	vsel vm3, $0x8980, v17;
	v18 =	vsel vm3, $0x9981, v18;
	v19 =	vsel vm3, $0x9980, v19  }
0x8d: {  	v20 =	vsel vm3, $0xA981, v20;
	v21 =	vsel vm3, $0xA980, v21;
	v22 =	vsel vm3, $0xB981, v22  }
0x8e: {  	v23 =	vsel vm3, $0xB980, v23;
	v24 =	vsel vm3, $0xC981, v24;
	v25 =	vsel vm3, $0xC980, v25  }
0x8f: {  	v26 =	vsel vm3, $0xD981, v26;
	v27 =	vsel vm3, $0xD980, v27;
	v28 =	vsel vm3, $0xE981, v28  }
0x90: {  	v29 =	vsel vm3, $0xE980, v29;
	v30 =	vsel vm3, $0xF981, v30;
	v31 =	vsel vm3, $0xF980, v31  }
0x91: {  	v0 =	vsel vm2, $0xA01, v0;
	v1 =	vsel vm2, $0xA00, v1;
	v2 =	vsel vm2, $0x1A01, v2  }
0x92: {  	v3 =	vsel vm2, $0x1A00, v3;
	v4 =	vsel vm2, $0x2A01, v4;
	v5 =	vsel vm2, $0x2A00, v5  }
0x93: {  	v6 =	vsel vm2, $0x3A01, v6;
	v7 =	vsel vm2, $0x3A00, v7;
	v8 =	vsel vm2, $0x4A01, v8  }
0x94: {  	v9 =	vsel vm2, $0x4A00, v9;
	v10 =	vsel vm2, $0x5A01, v10;
	v11 =	vsel vm2, $0x5A00, v11  }
0x95: {  	v12 =	vsel vm2, $0x6A01, v12;
	v13 =	vsel vm2, $0x6A00, v13;
	v14 =	vsel vm2, $0x7A01, v14  }
0x96: {  	s0 =	rddreg [dreg:$0x0];
	v15 =	vsel vm2, $0x7A00, v15;
	v16 =	vsel vm2, $0x8A01, v16;
	v17 =	vsel vm2, $0x8A00, v17  }
0x97: {  	s25 =	rddreg [dreg:$0x1];
	v18 =	vsel vm2, $0x9A01, v18;
	v19 =	vsel vm2, $0x9A00, v19;
	v20 =	vsel vm2, $0xAA01, v20  }
0x98: {  	s2 =	srdreg.scid;
	s1 =	stileid.u32;
	s29 =	simm.s32 $0x8000;
	v21 =	vsel vm2, $0xAA00, v21;
	v22 =	vsel vm2, $0xBA01, v22;
	v23 =	vsel vm2, $0xBA00, v23  }
0x99: {  	s30 =	simm.s32 $0x2;
	s31 =	simm.s32 $0x3;
	s3 =	sand.u32 $0x1, s2;
	v24 =	vsel vm2, $0xCA01, v24;
	v25 =	vsel vm2, $0xCA00, v25;
	v26 =	vsel vm2, $0xDA01, v26  }
0x9a: {  	s2 =	simm.s32 $0x0;
	s4 =	sshll.u32 s1, $0x11;
	s5 =	sshll.u32 s3, $0x10;
	v27 =	vsel vm2, $0xDA00, v27;
	v28 =	vsel vm2, $0xEA01, v28;
	v29 =	vsel vm2, $0xEA00, v29  }
0x9b: {  	[smem:$0x7FF] =	sst s2;
	s3 =	ssub.s32 $0x2, s3;
	s22 =	sor.u32 s5, s4;
	v30 =	vsel vm2, $0xFA01, v30;
	v31 =	vsel vm2, $0xFA00, v31;
	v0 =	vsel vm1, $0xA81, v0  }
0x9c: {  	_ =	strace $0x80000047;
	s6 =	sshrl.u32 s3, $0x1;
	s4 =	sadd.s32 s0, s22;
	v1 =	vsel vm1, $0xA80, v1;
	v2 =	vsel vm1, $0x1A81, v2;
	v3 =	vsel vm1, $0x1A80, v3  }
0x9d: {  	s11 =	sadd.s32 s25, s22;
	s5 =	sor.u32 $0x1000, s22;
	s14 =	sor.u32 $0x2000, s22;
	v4 =	vsel vm1, $0x2A81, v4;
	v5 =	vsel vm1, $0x2A80, v5;
	v6 =	vsel vm1, $0x3A81, v6  }
0x9e: {  	s17 =	sor.u32 $0x3000, s22;
	s20 =	sor.u32 $0x4000, s22;
	s26 =	ssub.s32 s3, s6;
	v7 =	vsel vm1, $0x3A80, v7;
	v8 =	vsel vm1, $0x4A81, v8;
	v9 =	vsel vm1, $0x4A80, v9  }
0x9f: {  	s23 =	sor.u32 $0x5000, s22;
	s7 =	sor.u32 $0x6000, s22;
	[dreg:$0x3] =	wrdreg s4;
	v10 =	vsel vm1, $0x5A81, v10;
	v11 =	vsel vm1, $0x5A80, v11;
	v12 =	vsel vm1, $0x6A81, v12  }
0xa0: {  	s9 =	sor.u32 $0x7000, s22;
	s28 =	sor.u32 $0xF000, s22;
	[dreg:$0x4] =	wrdreg s11;
	v13 =	vsel vm1, $0x6A80, v13;
	v14 =	vsel vm1, $0x7A81, v14;
	v15 =	vsel vm1, $0x7A80, v15  }
0xa1: {  	s12 =	sadd.s32 s0, s5;
	s13 =	sadd.s32 s25, s5;
	s15 =	sadd.s32 s0, s14;
	v16 =	vsel vm1, $0x8A81, v16;
	v17 =	vsel vm1, $0x8A80, v17;
	v18 =	vsel vm1, $0x9A81, v18  }
0xa2: {  	s16 =	sadd.s32 s25, s14;
	s18 =	sadd.s32 s0, s17;
	[dreg:$0x5] =	wrdreg s12;
	v19 =	vsel vm1, $0x9A80, v19;
	v20 =	vsel vm1, $0xAA81, v20;
	v21 =	vsel vm1, $0xAA80, v21  }
0xa3: {  	s19 =	sadd.s32 s25, s17;
	s21 =	sadd.s32 s0, s20;
	[dreg:$0x6] =	wrdreg s13;
	v22 =	vsel vm1, $0xBA81, v22;
	v23 =	vsel vm1, $0xBA80, v23;
	v24 =	vsel vm1, $0xCA81, v24  }
0xa4: {  	s24 =	sadd.s32 s25, s20;
	s4 =	sadd.s32 s0, s23;
	[dreg:$0x7] =	wrdreg s15;
	v25 =	vsel vm1, $0xCA80, v25;
	v26 =	vsel vm1, $0xDA81, v26;
	v27 =	vsel vm1, $0xDA80, v27  }
0xa5: {  	s5 =	sadd.s32 s25, s23;
	s6 =	sadd.s32 s0, s7;
	[dreg:$0x8] =	wrdreg s16;
	v28 =	vsel vm1, $0xEA81, v28;
	v29 =	vsel vm1, $0xEA80, v29;
	v30 =	vsel vm1, $0xFA81, v30  }
0xa6: {  	s7 =	sadd.s32 s25, s7;
	s8 =	sadd.s32 s0, s9;
	[dreg:$0x9] =	wrdreg s18;
	v31 =	vsel vm1, $0xFA80, v31;
	v0 =	vsel vm0, $0xB01, v0;
	v1 =	vsel vm0, $0xB00, v1  }
0xa7: {  	s11 =	sor.u32 $0x8000, s22;
	s9 =	sadd.s32 s25, s9;
	[dreg:$0xa] =	wrdreg s19;
	v2 =	vsel vm0, $0x1B01, v2;
	v3 =	vsel vm0, $0x1B00, v3;
	v4 =	vsel vm0, $0x2B01, v4  }
0xa8: {  	s17 =	sor.u32 $0xB000, s22;
	s23 =	sor.u32 $0xE000, s22;
	[dreg:$0xb] =	wrdreg s21;
	v5 =	vsel vm0, $0x2B00, v5;
	v6 =	vsel vm0, $0x3B01, v6;
	v7 =	vsel vm0, $0x3B00, v7  }
0xa9: {  	s26 =	smax.u32 s26, $0x1;
	[dreg:$0xc] =	wrdreg s24;
	s10 =	sadd.s32 s0, s11;
	v8 =	vsel vm0, $0x4B01, v8;
	v9 =	vsel vm0, $0x4B00, v9;
	v10 =	vsel vm0, $0x5B01, v10  }
0xaa: {  	s13 =	sor.u32 $0x9000, s22;
	s11 =	sadd.s32 s25, s11;
	s15 =	sor.u32 $0xA000, s22;
	v11 =	vsel vm0, $0x5B00, v11;
	v12 =	vsel vm0, $0x6B01, v12;
	v13 =	vsel vm0, $0x6B00, v13  }
0xab: {  	s16 =	sadd.s32 s0, s17;
	s19 =	sor.u32 $0xC000, s22;
	s17 =	sadd.s32 s25, s17;
	v14 =	vsel vm0, $0x7B01, v14;
	v15 =	vsel vm0, $0x7B00, v15;
	v16 =	vsel vm0, $0x8B01, v16  }
0xac: {  	s21 =	sor.u32 $0xD000, s22;
	s22 =	sadd.s32 s0, s23;
	s23 =	sadd.s32 s25, s23;
	v17 =	vsel vm0, $0x8B00, v17;
	v18 =	vsel vm0, $0x9B01, v18;
	v19 =	vsel vm0, $0x9B00, v19  }
0xad: {  	s24 =	sadd.s32 s0, s28;
	s12 =	sadd.s32 s0, s13;
	s13 =	sadd.s32 s25, s13;
	v20 =	vsel vm0, $0xAB01, v20;
	v21 =	vsel vm0, $0xAB00, v21;
	v22 =	vsel vm0, $0xBB01, v22  }
0xae: {  	s14 =	sadd.s32 s0, s15;
	s15 =	sadd.s32 s25, s15;
	s18 =	sadd.s32 s0, s19;
	v23 =	vsel vm0, $0xBB00, v23;
	v24 =	vsel vm0, $0xCB01, v24;
	v25 =	vsel vm0, $0xCB00, v25  }
0xaf: {  	s19 =	sadd.s32 s25, s19;
	s20 =	sadd.s32 s0, s21;
	s21 =	sadd.s32 s25, s21;
	v26 =	vsel vm0, $0xDB01, v26;
	v27 =	vsel vm0, $0xDB00, v27;
	v28 =	vsel vm0, $0xEB01, v28  }
0xb0: {  	s25 =	sadd.s32 s25, s28;
	s28 =	simm.s32 $0x1;
	s0 =	simm.s32 $0x4;
	v29 =	vsel vm0, $0xEB00, v29;
	v30 =	vsel vm0, $0xFB01, v30;
	v31 =	vsel vm0, $0xFB00, v31  }
.LBB2_1:
0xb1: {  	s1 =	rddreg [dreg:$0x3]  }
0xb2: {  	[tilespmem:s2], [sflag:$0x1] =	stream.linear.gather [hbm4b:s1+s2], $0x8000, $0x38;
	[tilespmem:$0x10000] =	vst v63  }
0xb3: {  	_ =	swait.ge [sflag:s28], $0x8000  }
0xb4: {  	[sflag:s28] =	ssyncset.done $0x0  }
0xb5: {  	[sflag:s28] =	ssyncadd.s32 $0xFFFF8000  }
0xb6: {  	v32 =	vld.idx.msk [tilespmem:v0+s2+$0x0], $0xffff;
	_ =	sdelay $0x4  }
0xb7: {  	[tilespmem:v1+s2+$0x0] =	vst.idx.msk $0xffff, v32  }
0xb8: {  	v32 =	vld.idx.msk [tilespmem:v2+s2+$0x0], $0xffff;
	_ =	sdelay $0x4  }
0xb9: {  	[tilespmem:v3+s2+$0x0] =	vst.idx.msk $0xffff, v32  }
0xba: {  	v32 =	vld.idx.msk [tilespmem:v4+s2+$0x0], $0xffff;
	_ =	sdelay $0x4  }
0xbb: {  	[tilespmem:v5+s2+$0x0] =	vst.idx.msk $0xffff, v32  }
0xbc: {  	v32 =	vld.idx.msk [tilespmem:v6+s2+$0x0], $0xffff;
	_ =	sdelay $0x4  }
0xbd: {  	[tilespmem:v7+s2+$0x0] =	vst.idx.msk $0xffff, v32  }
0xbe: {  	v32 =	vld.idx.msk [tilespmem:v8+s2+$0x0], $0xffff;
	_ =	sdelay $0x4  }
0xbf: {  	[tilespmem:v9+s2+$0x0] =	vst.idx.msk $0xffff, v32  }
0xc0: {  	v32 =	vld.idx.msk [tilespmem:v10+s2+$0x0], $0xffff;
	_ =	sdelay $0x4  }
0xc1: {  	[tilespmem:v11+s2+$0x0] =	vst.idx.msk $0xffff, v32  }
0xc2: {  	v32 =	vld.idx.msk [tilespmem:v12+s2+$0x0], $0xffff;
	_ =	sdelay $0x4  }
0xc3: {  	[tilespmem:v13+s2+$0x0] =	vst.idx.msk $0xffff, v32  }
0xc4: {  	v32 =	vld.idx.msk [tilespmem:v14+s2+$0x0], $0xffff;
	_ =	sdelay $0x4  }
0xc5: {  	s1 =	rddreg [dreg:$0x4];
	[tilespmem:v15+s2+$0x0] =	vst.idx.msk $0xffff, v32  }
0xc6: {  	[hbm4b:s1+s2] =	stream.linear.scatter [tilespmem:s2], [sflag:$0x3], $0x8000, $0x38;
	[tilespmem:$0x10000] =	vst v63  }
0xc7: {  	s3 =	rddreg [dreg:$0x5]  }
0xc8: {  	[tilespmem:s29], [sflag:$0x2] =	stream.linear.gather [hbm4b:s3+s2], $0x8000, $0x38;
	[tilespmem:$0x10000] =	vst v63  }
0xc9: {  	_ =	swait.ge [sflag:s30], $0x8000  }
0xca: {  	[sflag:s30] =	ssyncset.done $0x0  }
0xcb: {  	[sflag:s30] =	ssyncadd.s32 $0xFFFF8000  }
0xcc: {  	v49 =	vld.idx.msk [tilespmem:v16+s2+$0x0], $0xffff;
	_ =	sdelay $0x4  }
0xcd: {  	[tilespmem:v17+s2+$0x0] =	vst.idx.msk $0xffff, v49  }
0xce: {  	v32 =	vld.idx.msk [tilespmem:v18+s2+$0x0], $0xffff;
	_ =	sdelay $0x4  }
0xcf: {  	[tilespmem:v19+s2+$0x0] =	vst.idx.msk $0xffff, v32  }
0xd0: {  	v32 =	vld.idx.msk [tilespmem:v20+s2+$0x0], $0xffff;
	_ =	sdelay $0x4  }
0xd1: {  	[tilespmem:v21+s2+$0x0] =	vst.idx.msk $0xffff, v32  }
0xd2: {  	v32 =	vld.idx.msk [tilespmem:v22+s2+$0x0], $0xffff;
	_ =	sdelay $0x4  }
0xd3: {  	[tilespmem:v23+s2+$0x0] =	vst.idx.msk $0xffff, v32  }
0xd4: {  	v32 =	vld.idx.msk [tilespmem:v24+s2+$0x0], $0xffff;
	_ =	sdelay $0x4  }
0xd5: {  	[tilespmem:v25+s2+$0x0] =	vst.idx.msk $0xffff, v32  }
0xd6: {  	v32 =	vld.idx.msk [tilespmem:v26+s2+$0x0], $0xffff;
	_ =	sdelay $0x4  }
0xd7: {  	[tilespmem:v27+s2+$0x0] =	vst.idx.msk $0xffff, v32  }
0xd8: {  	v32 =	vld.idx.msk [tilespmem:v28+s2+$0x0], $0xffff;
	_ =	sdelay $0x4  }
0xd9: {  	[tilespmem:v29+s2+$0x0] =	vst.idx.msk $0xffff, v32  }
0xda: {  	v32 =	vld.idx.msk [tilespmem:v30+s2+$0x0], $0xffff;
	_ =	sdelay $0x4  }
0xdb: {  	s3 =	rddreg [dreg:$0x6];
	[tilespmem:v31+s2+$0x0] =	vst.idx.msk $0xffff, v32  }
0xdc: {  	[hbm4b:s3+s2] =	stream.linear.scatter [tilespmem:s29], [sflag:$0x4], $0x8000, $0x38;
	[tilespmem:$0x10000] =	vst v63  }
0xdd: {  	_ =	swait.ge [sflag:s31], $0x8000  }
0xde: {  	[sflag:s31] =	ssyncset.done $0x0  }
0xdf: {  	s3 =	rddreg [dreg:$0x7];
	[sflag:s31] =	ssyncadd.s32 $0xFFFF8000  }
0xe0: {  	[tilespmem:s2], [sflag:$0x1] =	stream.linear.gather [hbm4b:s3+s2], $0x8000, $0x38;
	[tilespmem:$0x10000] =	vst v63  }
0xe1: {  	_ =	swait.ge [sflag:s28], $0x8000  }
0xe2: {  	[sflag:s28] =	ssyncset.done $0x0  }
0xe3: {  	[sflag:s28] =	ssyncadd.s32 $0xFFFF8000  }
0xe4: {  	v50 =	vld.idx.msk [tilespmem:v0+s2+$0x0], $0xffff;
	_ =	sdelay $0x4  }
0xe5: {  	[tilespmem:v1+s2+$0x0] =	vst.idx.msk $0xffff, v50  }
0xe6: {  	v32 =	vld.idx.msk [tilespmem:v2+s2+$0x0], $0xffff;
	_ =	sdelay $0x4  }
0xe7: {  	[tilespmem:v3+s2+$0x0] =	vst.idx.msk $0xffff, v32  }
0xe8: {  	v32 =	vld.idx.msk [tilespmem:v4+s2+$0x0], $0xffff;
	_ =	sdelay $0x4  }
0xe9: {  	[tilespmem:v5+s2+$0x0] =	vst.idx.msk $0xffff, v32  }
0xea: {  	v32 =	vld.idx.msk [tilespmem:v6+s2+$0x0], $0xffff;
	_ =	sdelay $0x4  }
0xeb: {  	[tilespmem:v7+s2+$0x0] =	vst.idx.msk $0xffff, v32  }
0xec: {  	v32 =	vld.idx.msk [tilespmem:v8+s2+$0x0], $0xffff;
	_ =	sdelay $0x4  }
0xed: {  	[tilespmem:v9+s2+$0x0] =	vst.idx.msk $0xffff, v32  }
0xee: {  	v32 =	vld.idx.msk [tilespmem:v10+s2+$0x0], $0xffff;
	_ =	sdelay $0x4  }
0xef: {  	[tilespmem:v11+s2+$0x0] =	vst.idx.msk $0xffff, v32  }
0xf0: {  	v32 =	vld.idx.msk [tilespmem:v12+s2+$0x0], $0xffff;
	_ =	sdelay $0x4  }
0xf1: {  	[tilespmem:v13+s2+$0x0] =	vst.idx.msk $0xffff, v32  }
0xf2: {  	v32 =	vld.idx.msk [tilespmem:v14+s2+$0x0], $0xffff;
	_ =	sdelay $0x4  }
0xf3: {  	s3 =	rddreg [dreg:$0x8];
	[tilespmem:v15+s2+$0x0] =	vst.idx.msk $0xffff, v32  }
0xf4: {  	[hbm4b:s3+s2] =	stream.linear.scatter [tilespmem:s2], [sflag:$0x3], $0x8000, $0x38;
	[tilespmem:$0x10000] =	vst v63  }
0xf5: {  	_ =	swait.ge [sflag:s0], $0x8000  }
0xf6: {  	[sflag:s0] =	ssyncset.done $0x0  }
0xf7: {  	s3 =	rddreg [dreg:$0x9];
	[sflag:s0] =	ssyncadd.s32 $0xFFFF8000  }
0xf8: {  	[tilespmem:s29], [sflag:$0x2] =	stream.linear.gather [hbm4b:s3+s2], $0x8000, $0x38;
	[tilespmem:$0x10000] =	vst v63  }
0xf9: {  	_ =	swait.ge [sflag:s30], $0x8000  }
0xfa: {  	[sflag:s30] =	ssyncset.done $0x0  }
0xfb: {  	[sflag:s30] =	ssyncadd.s32 $0xFFFF8000  }
0xfc: {  	v51 =	vld.idx.msk [tilespmem:v16+s2+$0x0], $0xffff;
	_ =	sdelay $0x4  }
0xfd: {  	[tilespmem:v17+s2+$0x0] =	vst.idx.msk $0xffff, v51  }
0xfe: {  	v32 =	vld.idx.msk [tilespmem:v18+s2+$0x0], $0xffff;
	_ =	sdelay $0x4  }
0xff: {  	[tilespmem:v19+s2+$0x0] =	vst.idx.msk $0xffff, v32  }
0x100: {  	v32 =	vld.idx.msk [tilespmem:v20+s2+$0x0], $0xffff;
	_ =	sdelay $0x4  }
0x101: {  	[tilespmem:v21+s2+$0x0] =	vst.idx.msk $0xffff, v32  }
0x102: {  	v32 =	vld.idx.msk [tilespmem:v22+s2+$0x0], $0xffff;
	_ =	sdelay $0x4  }
0x103: {  	[tilespmem:v23+s2+$0x0] =	vst.idx.msk $0xffff, v32  }
0x104: {  	v32 =	vld.idx.msk [tilespmem:v24+s2+$0x0], $0xffff;
	_ =	sdelay $0x4  }
0x105: {  	[tilespmem:v25+s2+$0x0] =	vst.idx.msk $0xffff, v32  }
0x106: {  	v32 =	vld.idx.msk [tilespmem:v26+s2+$0x0], $0xffff;
	_ =	sdelay $0x4  }
0x107: {  	[tilespmem:v27+s2+$0x0] =	vst.idx.msk $0xffff, v32  }
0x108: {  	v32 =	vld.idx.msk [tilespmem:v28+s2+$0x0], $0xffff;
	_ =	sdelay $0x4  }
0x109: {  	[tilespmem:v29+s2+$0x0] =	vst.idx.msk $0xffff, v32  }
0x10a: {  	v32 =	vld.idx.msk [tilespmem:v30+s2+$0x0], $0xffff;
	_ =	sdelay $0x4  }
0x10b: {  	s3 =	rddreg [dreg:$0xa];
	[tilespmem:v31+s2+$0x0] =	vst.idx.msk $0xffff, v32  }
0x10c: {  	[hbm4b:s3+s2] =	stream.linear.scatter [tilespmem:s29], [sflag:$0x4], $0x8000, $0x38;
	[tilespmem:$0x10000] =	vst v63  }
0x10d: {  	_ =	swait.ge [sflag:s31], $0x8000  }
0x10e: {  	[sflag:s31] =	ssyncset.done $0x0  }
0x10f: {  	s3 =	rddreg [dreg:$0xb];
	[sflag:s31] =	ssyncadd.s32 $0xFFFF8000  }
0x110: {  	[tilespmem:s2], [sflag:$0x1] =	stream.linear.gather [hbm4b:s3+s2], $0x8000, $0x38;
	[tilespmem:$0x10000] =	vst v63  }
0x111: {  	_ =	swait.ge [sflag:s28], $0x8000  }
0x112: {  	[sflag:s28] =	ssyncset.done $0x0  }
0x113: {  	[sflag:s28] =	ssyncadd.s32 $0xFFFF8000  }
0x114: {  	v52 =	vld.idx.msk [tilespmem:v0+s2+$0x0], $0xffff;
	_ =	sdelay $0x4  }
0x115: {  	[tilespmem:v1+s2+$0x0] =	vst.idx.msk $0xffff, v52  }
0x116: {  	v32 =	vld.idx.msk [tilespmem:v2+s2+$0x0], $0xffff;
	_ =	sdelay $0x4  }
0x117: {  	[tilespmem:v3+s2+$0x0] =	vst.idx.msk $0xffff, v32  }
0x118: {  	v32 =	vld.idx.msk [tilespmem:v4+s2+$0x0], $0xffff;
	_ =	sdelay $0x4  }
0x119: {  	[tilespmem:v5+s2+$0x0] =	vst.idx.msk $0xffff, v32  }
0x11a: {  	v32 =	vld.idx.msk [tilespmem:v6+s2+$0x0], $0xffff;
	_ =	sdelay $0x4  }
0x11b: {  	[tilespmem:v7+s2+$0x0] =	vst.idx.msk $0xffff, v32  }
0x11c: {  	v32 =	vld.idx.msk [tilespmem:v8+s2+$0x0], $0xffff;
	_ =	sdelay $0x4  }
0x11d: {  	[tilespmem:v9+s2+$0x0] =	vst.idx.msk $0xffff, v32  }
0x11e: {  	v32 =	vld.idx.msk [tilespmem:v10+s2+$0x0], $0xffff;
	_ =	sdelay $0x4  }
0x11f: {  	[tilespmem:v11+s2+$0x0] =	vst.idx.msk $0xffff, v32  }
0x120: {  	v32 =	vld.idx.msk [tilespmem:v12+s2+$0x0], $0xffff;
	_ =	sdelay $0x4  }
0x121: {  	[tilespmem:v13+s2+$0x0] =	vst.idx.msk $0xffff, v32  }
0x122: {  	v32 =	vld.idx.msk [tilespmem:v14+s2+$0x0], $0xffff;
	_ =	sdelay $0x4  }
0x123: {  	s3 =	rddreg [dreg:$0xc];
	[tilespmem:v15+s2+$0x0] =	vst.idx.msk $0xffff, v32  }
0x124: {  	[hbm4b:s3+s2] =	stream.linear.scatter [tilespmem:s2], [sflag:$0x3], $0x8000, $0x38;
	[tilespmem:$0x10000] =	vst v63  }
0x125: {  	_ =	swait.ge [sflag:s0], $0x8000  }
0x126: {  	[sflag:s0] =	ssyncset.done $0x0  }
0x127: {  	[sflag:s0] =	ssyncadd.s32 $0xFFFF8000  }
0x128: {  	[tilespmem:s29], [sflag:$0x2] =	stream.linear.gather [hbm4b:s4+s2], $0x8000, $0x38;
	[tilespmem:$0x10000] =	vst v63  }
0x129: {  	_ =	swait.ge [sflag:s30], $0x8000  }
0x12a: {  	[sflag:s30] =	ssyncset.done $0x0  }
0x12b: {  	[sflag:s30] =	ssyncadd.s32 $0xFFFF8000  }
0x12c: {  	v53 =	vld.idx.msk [tilespmem:v16+s2+$0x0], $0xffff;
	_ =	sdelay $0x4  }
0x12d: {  	[tilespmem:v17+s2+$0x0] =	vst.idx.msk $0xffff, v53  }
0x12e: {  	v32 =	vld.idx.msk [tilespmem:v18+s2+$0x0], $0xffff;
	_ =	sdelay $0x4  }
0x12f: {  	[tilespmem:v19+s2+$0x0] =	vst.idx.msk $0xffff, v32  }
0x130: {  	v32 =	vld.idx.msk [tilespmem:v20+s2+$0x0], $0xffff;
	_ =	sdelay $0x4  }
0x131: {  	[tilespmem:v21+s2+$0x0] =	vst.idx.msk $0xffff, v32  }
0x132: {  	v32 =	vld.idx.msk [tilespmem:v22+s2+$0x0], $0xffff;
	_ =	sdelay $0x4  }
0x133: {  	[tilespmem:v23+s2+$0x0] =	vst.idx.msk $0xffff, v32  }
0x134: {  	v32 =	vld.idx.msk [tilespmem:v24+s2+$0x0], $0xffff;
	_ =	sdelay $0x4  }
0x135: {  	[tilespmem:v25+s2+$0x0] =	vst.idx.msk $0xffff, v32  }
0x136: {  	v32 =	vld.idx.msk [tilespmem:v26+s2+$0x0], $0xffff;
	_ =	sdelay $0x4  }
0x137: {  	[tilespmem:v27+s2+$0x0] =	vst.idx.msk $0xffff, v32  }
0x138: {  	v32 =	vld.idx.msk [tilespmem:v28+s2+$0x0], $0xffff;
	_ =	sdelay $0x4  }
0x139: {  	[tilespmem:v29+s2+$0x0] =	vst.idx.msk $0xffff, v32  }
0x13a: {  	v32 =	vld.idx.msk [tilespmem:v30+s2+$0x0], $0xffff;
	_ =	sdelay $0x4  }
0x13b: {  	[tilespmem:v31+s2+$0x0] =	vst.idx.msk $0xffff, v32  }
0x13c: {  	[hbm4b:s5+s2] =	stream.linear.scatter [tilespmem:s29], [sflag:$0x4], $0x8000, $0x38;
	[tilespmem:$0x10000] =	vst v63  }
0x13d: {  	_ =	swait.ge [sflag:s31], $0x8000  }
0x13e: {  	[sflag:s31] =	ssyncset.done $0x0  }
0x13f: {  	[sflag:s31] =	ssyncadd.s32 $0xFFFF8000  }
0x140: {  	[tilespmem:s2], [sflag:$0x1] =	stream.linear.gather [hbm4b:s6+s2], $0x8000, $0x38;
	[tilespmem:$0x10000] =	vst v63  }
0x141: {  	_ =	swait.ge [sflag:s28], $0x8000  }
0x142: {  	[sflag:s28] =	ssyncset.done $0x0  }
0x143: {  	[sflag:s28] =	ssyncadd.s32 $0xFFFF8000  }
0x144: {  	v54 =	vld.idx.msk [tilespmem:v0+s2+$0x0], $0xffff;
	_ =	sdelay $0x4  }
0x145: {  	[tilespmem:v1+s2+$0x0] =	vst.idx.msk $0xffff, v54  }
0x146: {  	v32 =	vld.idx.msk [tilespmem:v2+s2+$0x0], $0xffff;
	_ =	sdelay $0x4  }
0x147: {  	[tilespmem:v3+s2+$0x0] =	vst.idx.msk $0xffff, v32  }
0x148: {  	v32 =	vld.idx.msk [tilespmem:v4+s2+$0x0], $0xffff;
	_ =	sdelay $0x4  }
0x149: {  	[tilespmem:v5+s2+$0x0] =	vst.idx.msk $0xffff, v32  }
0x14a: {  	v32 =	vld.idx.msk [tilespmem:v6+s2+$0x0], $0xffff;
	_ =	sdelay $0x4  }
0x14b: {  	[tilespmem:v7+s2+$0x0] =	vst.idx.msk $0xffff, v32  }
0x14c: {  	v32 =	vld.idx.msk [tilespmem:v8+s2+$0x0], $0xffff;
	_ =	sdelay $0x4  }
0x14d: {  	[tilespmem:v9+s2+$0x0] =	vst.idx.msk $0xffff, v32  }
0x14e: {  	v32 =	vld.idx.msk [tilespmem:v10+s2+$0x0], $0xffff;
	_ =	sdelay $0x4  }
0x14f: {  	[tilespmem:v11+s2+$0x0] =	vst.idx.msk $0xffff, v32  }
0x150: {  	v32 =	vld.idx.msk [tilespmem:v12+s2+$0x0], $0xffff;
	_ =	sdelay $0x4  }
0x151: {  	[tilespmem:v13+s2+$0x0] =	vst.idx.msk $0xffff, v32  }
0x152: {  	v32 =	vld.idx.msk [tilespmem:v14+s2+$0x0], $0xffff;
	_ =	sdelay $0x4  }
0x153: {  	[tilespmem:v15+s2+$0x0] =	vst.idx.msk $0xffff, v32  }
0x154: {  	[hbm4b:s7+s2] =	stream.linear.scatter [tilespmem:s2], [sflag:$0x3], $0x8000, $0x38;
	[tilespmem:$0x10000] =	vst v63  }
0x155: {  	_ =	swait.ge [sflag:s0], $0x8000  }
0x156: {  	[sflag:s0] =	ssyncset.done $0x0  }
0x157: {  	[sflag:s0] =	ssyncadd.s32 $0xFFFF8000  }
0x158: {  	[tilespmem:s29], [sflag:$0x2] =	stream.linear.gather [hbm4b:s8+s2], $0x8000, $0x38;
	[tilespmem:$0x10000] =	vst v63  }
0x159: {  	_ =	swait.ge [sflag:s30], $0x8000  }
0x15a: {  	[sflag:s30] =	ssyncset.done $0x0  }
0x15b: {  	[sflag:s30] =	ssyncadd.s32 $0xFFFF8000  }
0x15c: {  	v55 =	vld.idx.msk [tilespmem:v16+s2+$0x0], $0xffff;
	_ =	sdelay $0x4  }
0x15d: {  	[tilespmem:v17+s2+$0x0] =	vst.idx.msk $0xffff, v55  }
0x15e: {  	v32 =	vld.idx.msk [tilespmem:v18+s2+$0x0], $0xffff;
	_ =	sdelay $0x4  }
0x15f: {  	[tilespmem:v19+s2+$0x0] =	vst.idx.msk $0xffff, v32  }
0x160: {  	v32 =	vld.idx.msk [tilespmem:v20+s2+$0x0], $0xffff;
	_ =	sdelay $0x4  }
0x161: {  	[tilespmem:v21+s2+$0x0] =	vst.idx.msk $0xffff, v32  }
0x162: {  	v32 =	vld.idx.msk [tilespmem:v22+s2+$0x0], $0xffff;
	_ =	sdelay $0x4  }
0x163: {  	[tilespmem:v23+s2+$0x0] =	vst.idx.msk $0xffff, v32  }
0x164: {  	v32 =	vld.idx.msk [tilespmem:v24+s2+$0x0], $0xffff;
	_ =	sdelay $0x4  }
0x165: {  	[tilespmem:v25+s2+$0x0] =	vst.idx.msk $0xffff, v32  }
0x166: {  	v32 =	vld.idx.msk [tilespmem:v26+s2+$0x0], $0xffff;
	_ =	sdelay $0x4  }
0x167: {  	[tilespmem:v27+s2+$0x0] =	vst.idx.msk $0xffff, v32  }
0x168: {  	v32 =	vld.idx.msk [tilespmem:v28+s2+$0x0], $0xffff;
	_ =	sdelay $0x4  }
0x169: {  	[tilespmem:v29+s2+$0x0] =	vst.idx.msk $0xffff, v32  }
0x16a: {  	v32 =	vld.idx.msk [tilespmem:v30+s2+$0x0], $0xffff;
	_ =	sdelay $0x4  }
0x16b: {  	[tilespmem:v31+s2+$0x0] =	vst.idx.msk $0xffff, v32  }
0x16c: {  	[hbm4b:s9+s2] =	stream.linear.scatter [tilespmem:s29], [sflag:$0x4], $0x8000, $0x38;
	[tilespmem:$0x10000] =	vst v63  }
0x16d: {  	_ =	swait.ge [sflag:s31], $0x8000  }
0x16e: {  	[sflag:s31] =	ssyncset.done $0x0  }
0x16f: {  	[sflag:s31] =	ssyncadd.s32 $0xFFFF8000  }
0x170: {  	[tilespmem:s2], [sflag:$0x1] =	stream.linear.gather [hbm4b:s10+s2], $0x8000, $0x38;
	[tilespmem:$0x10000] =	vst v63  }
0x171: {  	_ =	swait.ge [sflag:s28], $0x8000  }
0x172: {  	[sflag:s28] =	ssyncset.done $0x0  }
0x173: {  	[sflag:s28] =	ssyncadd.s32 $0xFFFF8000  }
0x174: {  	v56 =	vld.idx.msk [tilespmem:v0+s2+$0x0], $0xffff;
	_ =	sdelay $0x4  }
0x175: {  	[tilespmem:v1+s2+$0x0] =	vst.idx.msk $0xffff, v56  }
0x176: {  	v32 =	vld.idx.msk [tilespmem:v2+s2+$0x0], $0xffff;
	_ =	sdelay $0x4  }
0x177: {  	[tilespmem:v3+s2+$0x0] =	vst.idx.msk $0xffff, v32  }
0x178: {  	v32 =	vld.idx.msk [tilespmem:v4+s2+$0x0], $0xffff;
	_ =	sdelay $0x4  }
0x179: {  	[tilespmem:v5+s2+$0x0] =	vst.idx.msk $0xffff, v32  }
0x17a: {  	v32 =	vld.idx.msk [tilespmem:v6+s2+$0x0], $0xffff;
	_ =	sdelay $0x4  }
0x17b: {  	[tilespmem:v7+s2+$0x0] =	vst.idx.msk $0xffff, v32  }
0x17c: {  	v32 =	vld.idx.msk [tilespmem:v8+s2+$0x0], $0xffff;
	_ =	sdelay $0x4  }
0x17d: {  	[tilespmem:v9+s2+$0x0] =	vst.idx.msk $0xffff, v32  }
0x17e: {  	v32 =	vld.idx.msk [tilespmem:v10+s2+$0x0], $0xffff;
	_ =	sdelay $0x4  }
0x17f: {  	[tilespmem:v11+s2+$0x0] =	vst.idx.msk $0xffff, v32  }
0x180: {  	v32 =	vld.idx.msk [tilespmem:v12+s2+$0x0], $0xffff;
	_ =	sdelay $0x4  }
0x181: {  	[tilespmem:v13+s2+$0x0] =	vst.idx.msk $0xffff, v32  }
0x182: {  	v32 =	vld.idx.msk [tilespmem:v14+s2+$0x0], $0xffff;
	_ =	sdelay $0x4  }
0x183: {  	[tilespmem:v15+s2+$0x0] =	vst.idx.msk $0xffff, v32  }
0x184: {  	[hbm4b:s11+s2] =	stream.linear.scatter [tilespmem:s2], [sflag:$0x3], $0x8000, $0x38;
	[tilespmem:$0x10000] =	vst v63  }
0x185: {  	_ =	swait.ge [sflag:s0], $0x8000  }
0x186: {  	[sflag:s0] =	ssyncset.done $0x0  }
0x187: {  	[sflag:s0] =	ssyncadd.s32 $0xFFFF8000  }
0x188: {  	[tilespmem:s29], [sflag:$0x2] =	stream.linear.gather [hbm4b:s12+s2], $0x8000, $0x38;
	[tilespmem:$0x10000] =	vst v63  }
0x189: {  	_ =	swait.ge [sflag:s30], $0x8000  }
0x18a: {  	[sflag:s30] =	ssyncset.done $0x0  }
0x18b: {  	[sflag:s30] =	ssyncadd.s32 $0xFFFF8000  }
0x18c: {  	v57 =	vld.idx.msk [tilespmem:v16+s2+$0x0], $0xffff;
	_ =	sdelay $0x4  }
0x18d: {  	[tilespmem:v17+s2+$0x0] =	vst.idx.msk $0xffff, v57  }
0x18e: {  	v32 =	vld.idx.msk [tilespmem:v18+s2+$0x0], $0xffff;
	_ =	sdelay $0x4  }
0x18f: {  	[tilespmem:v19+s2+$0x0] =	vst.idx.msk $0xffff, v32  }
0x190: {  	v32 =	vld.idx.msk [tilespmem:v20+s2+$0x0], $0xffff;
	_ =	sdelay $0x4  }
0x191: {  	[tilespmem:v21+s2+$0x0] =	vst.idx.msk $0xffff, v32  }
0x192: {  	v32 =	vld.idx.msk [tilespmem:v22+s2+$0x0], $0xffff;
	_ =	sdelay $0x4  }
0x193: {  	[tilespmem:v23+s2+$0x0] =	vst.idx.msk $0xffff, v32  }
0x194: {  	v32 =	vld.idx.msk [tilespmem:v24+s2+$0x0], $0xffff;
	_ =	sdelay $0x4  }
0x195: {  	[tilespmem:v25+s2+$0x0] =	vst.idx.msk $0xffff, v32  }
0x196: {  	v32 =	vld.idx.msk [tilespmem:v26+s2+$0x0], $0xffff;
	_ =	sdelay $0x4  }
0x197: {  	[tilespmem:v27+s2+$0x0] =	vst.idx.msk $0xffff, v32  }
0x198: {  	v32 =	vld.idx.msk [tilespmem:v28+s2+$0x0], $0xffff;
	_ =	sdelay $0x4  }
0x199: {  	[tilespmem:v29+s2+$0x0] =	vst.idx.msk $0xffff, v32  }
0x19a: {  	v32 =	vld.idx.msk [tilespmem:v30+s2+$0x0], $0xffff;
	_ =	sdelay $0x4  }
0x19b: {  	[tilespmem:v31+s2+$0x0] =	vst.idx.msk $0xffff, v32  }
0x19c: {  	[hbm4b:s13+s2] =	stream.linear.scatter [tilespmem:s29], [sflag:$0x4], $0x8000, $0x38;
	[tilespmem:$0x10000] =	vst v63  }
0x19d: {  	_ =	swait.ge [sflag:s31], $0x8000  }
0x19e: {  	[sflag:s31] =	ssyncset.done $0x0  }
0x19f: {  	[sflag:s31] =	ssyncadd.s32 $0xFFFF8000  }
0x1a0: {  	[tilespmem:s2], [sflag:$0x1] =	stream.linear.gather [hbm4b:s14+s2], $0x8000, $0x38;
	[tilespmem:$0x10000] =	vst v63  }
0x1a1: {  	_ =	swait.ge [sflag:s28], $0x8000  }
0x1a2: {  	[sflag:s28] =	ssyncset.done $0x0  }
0x1a3: {  	[sflag:s28] =	ssyncadd.s32 $0xFFFF8000  }
0x1a4: {  	v58 =	vld.idx.msk [tilespmem:v0+s2+$0x0], $0xffff;
	_ =	sdelay $0x4  }
0x1a5: {  	[tilespmem:v1+s2+$0x0] =	vst.idx.msk $0xffff, v58  }
0x1a6: {  	v32 =	vld.idx.msk [tilespmem:v2+s2+$0x0], $0xffff;
	_ =	sdelay $0x4  }
0x1a7: {  	[tilespmem:v3+s2+$0x0] =	vst.idx.msk $0xffff, v32  }
0x1a8: {  	v32 =	vld.idx.msk [tilespmem:v4+s2+$0x0], $0xffff;
	_ =	sdelay $0x4  }
0x1a9: {  	[tilespmem:v5+s2+$0x0] =	vst.idx.msk $0xffff, v32  }
0x1aa: {  	v32 =	vld.idx.msk [tilespmem:v6+s2+$0x0], $0xffff;
	_ =	sdelay $0x4  }
0x1ab: {  	[tilespmem:v7+s2+$0x0] =	vst.idx.msk $0xffff, v32  }
0x1ac: {  	v32 =	vld.idx.msk [tilespmem:v8+s2+$0x0], $0xffff;
	_ =	sdelay $0x4  }
0x1ad: {  	[tilespmem:v9+s2+$0x0] =	vst.idx.msk $0xffff, v32  }
0x1ae: {  	v32 =	vld.idx.msk [tilespmem:v10+s2+$0x0], $0xffff;
	_ =	sdelay $0x4  }
0x1af: {  	[tilespmem:v11+s2+$0x0] =	vst.idx.msk $0xffff, v32  }
0x1b0: {  	v32 =	vld.idx.msk [tilespmem:v12+s2+$0x0], $0xffff;
	_ =	sdelay $0x4  }
0x1b1: {  	[tilespmem:v13+s2+$0x0] =	vst.idx.msk $0xffff, v32  }
0x1b2: {  	v32 =	vld.idx.msk [tilespmem:v14+s2+$0x0], $0xffff;
	_ =	sdelay $0x4  }
0x1b3: {  	[tilespmem:v15+s2+$0x0] =	vst.idx.msk $0xffff, v32  }
0x1b4: {  	[hbm4b:s15+s2] =	stream.linear.scatter [tilespmem:s2], [sflag:$0x3], $0x8000, $0x38;
	[tilespmem:$0x10000] =	vst v63  }
0x1b5: {  	_ =	swait.ge [sflag:s0], $0x8000  }
0x1b6: {  	[sflag:s0] =	ssyncset.done $0x0  }
0x1b7: {  	[sflag:s0] =	ssyncadd.s32 $0xFFFF8000  }
0x1b8: {  	[tilespmem:s29], [sflag:$0x2] =	stream.linear.gather [hbm4b:s16+s2], $0x8000, $0x38;
	[tilespmem:$0x10000] =	vst v63  }
0x1b9: {  	_ =	swait.ge [sflag:s30], $0x8000  }
0x1ba: {  	[sflag:s30] =	ssyncset.done $0x0  }
0x1bb: {  	[sflag:s30] =	ssyncadd.s32 $0xFFFF8000  }
0x1bc: {  	v59 =	vld.idx.msk [tilespmem:v16+s2+$0x0], $0xffff;
	_ =	sdelay $0x4  }
0x1bd: {  	[tilespmem:v17+s2+$0x0] =	vst.idx.msk $0xffff, v59  }
0x1be: {  	v32 =	vld.idx.msk [tilespmem:v18+s2+$0x0], $0xffff;
	_ =	sdelay $0x4  }
0x1bf: {  	[tilespmem:v19+s2+$0x0] =	vst.idx.msk $0xffff, v32  }
0x1c0: {  	v32 =	vld.idx.msk [tilespmem:v20+s2+$0x0], $0xffff;
	_ =	sdelay $0x4  }
0x1c1: {  	[tilespmem:v21+s2+$0x0] =	vst.idx.msk $0xffff, v32  }
0x1c2: {  	v32 =	vld.idx.msk [tilespmem:v22+s2+$0x0], $0xffff;
	_ =	sdelay $0x4  }
0x1c3: {  	[tilespmem:v23+s2+$0x0] =	vst.idx.msk $0xffff, v32  }
0x1c4: {  	v32 =	vld.idx.msk [tilespmem:v24+s2+$0x0], $0xffff;
	_ =	sdelay $0x4  }
0x1c5: {  	[tilespmem:v25+s2+$0x0] =	vst.idx.msk $0xffff, v32  }
0x1c6: {  	v32 =	vld.idx.msk [tilespmem:v26+s2+$0x0], $0xffff;
	_ =	sdelay $0x4  }
0x1c7: {  	[tilespmem:v27+s2+$0x0] =	vst.idx.msk $0xffff, v32  }
0x1c8: {  	v32 =	vld.idx.msk [tilespmem:v28+s2+$0x0], $0xffff;
	_ =	sdelay $0x4  }
0x1c9: {  	[tilespmem:v29+s2+$0x0] =	vst.idx.msk $0xffff, v32  }
0x1ca: {  	v32 =	vld.idx.msk [tilespmem:v30+s2+$0x0], $0xffff;
	_ =	sdelay $0x4  }
0x1cb: {  	[tilespmem:v31+s2+$0x0] =	vst.idx.msk $0xffff, v32  }
0x1cc: {  	[hbm4b:s17+s2] =	stream.linear.scatter [tilespmem:s29], [sflag:$0x4], $0x8000, $0x38;
	[tilespmem:$0x10000] =	vst v63  }
0x1cd: {  	_ =	swait.ge [sflag:s31], $0x8000  }
0x1ce: {  	[sflag:s31] =	ssyncset.done $0x0  }
0x1cf: {  	[sflag:s31] =	ssyncadd.s32 $0xFFFF8000  }
0x1d0: {  	[tilespmem:s2], [sflag:$0x1] =	stream.linear.gather [hbm4b:s18+s2], $0x8000, $0x38;
	[tilespmem:$0x10000] =	vst v63  }
0x1d1: {  	_ =	swait.ge [sflag:s28], $0x8000  }
0x1d2: {  	[sflag:s28] =	ssyncset.done $0x0  }
0x1d3: {  	[sflag:s28] =	ssyncadd.s32 $0xFFFF8000  }
0x1d4: {  	v60 =	vld.idx.msk [tilespmem:v0+s2+$0x0], $0xffff;
	_ =	sdelay $0x4  }
0x1d5: {  	[tilespmem:v1+s2+$0x0] =	vst.idx.msk $0xffff, v60  }
0x1d6: {  	v32 =	vld.idx.msk [tilespmem:v2+s2+$0x0], $0xffff;
	_ =	sdelay $0x4  }
0x1d7: {  	[tilespmem:v3+s2+$0x0] =	vst.idx.msk $0xffff, v32  }
0x1d8: {  	v32 =	vld.idx.msk [tilespmem:v4+s2+$0x0], $0xffff;
	_ =	sdelay $0x4  }
0x1d9: {  	[tilespmem:v5+s2+$0x0] =	vst.idx.msk $0xffff, v32  }
0x1da: {  	v32 =	vld.idx.msk [tilespmem:v6+s2+$0x0], $0xffff;
	_ =	sdelay $0x4  }
0x1db: {  	[tilespmem:v7+s2+$0x0] =	vst.idx.msk $0xffff, v32  }
0x1dc: {  	v32 =	vld.idx.msk [tilespmem:v8+s2+$0x0], $0xffff;
	_ =	sdelay $0x4  }
0x1dd: {  	[tilespmem:v9+s2+$0x0] =	vst.idx.msk $0xffff, v32  }
0x1de: {  	v32 =	vld.idx.msk [tilespmem:v10+s2+$0x0], $0xffff;
	_ =	sdelay $0x4  }
0x1df: {  	[tilespmem:v11+s2+$0x0] =	vst.idx.msk $0xffff, v32  }
0x1e0: {  	v32 =	vld.idx.msk [tilespmem:v12+s2+$0x0], $0xffff;
	_ =	sdelay $0x4  }
0x1e1: {  	[tilespmem:v13+s2+$0x0] =	vst.idx.msk $0xffff, v32  }
0x1e2: {  	v32 =	vld.idx.msk [tilespmem:v14+s2+$0x0], $0xffff;
	_ =	sdelay $0x4  }
0x1e3: {  	[tilespmem:v15+s2+$0x0] =	vst.idx.msk $0xffff, v32  }
0x1e4: {  	[hbm4b:s19+s2] =	stream.linear.scatter [tilespmem:s2], [sflag:$0x3], $0x8000, $0x38;
	[tilespmem:$0x10000] =	vst v63  }
0x1e5: {  	_ =	swait.ge [sflag:s0], $0x8000  }
0x1e6: {  	[sflag:s0] =	ssyncset.done $0x0  }
0x1e7: {  	[sflag:s0] =	ssyncadd.s32 $0xFFFF8000  }
0x1e8: {  	[tilespmem:s29], [sflag:$0x2] =	stream.linear.gather [hbm4b:s20+s2], $0x8000, $0x38;
	[tilespmem:$0x10000] =	vst v63  }
0x1e9: {  	_ =	swait.ge [sflag:s30], $0x8000  }
0x1ea: {  	[sflag:s30] =	ssyncset.done $0x0  }
0x1eb: {  	[sflag:s30] =	ssyncadd.s32 $0xFFFF8000  }
0x1ec: {  	v61 =	vld.idx.msk [tilespmem:v16+s2+$0x0], $0xffff;
	_ =	sdelay $0x4  }
0x1ed: {  	[tilespmem:v17+s2+$0x0] =	vst.idx.msk $0xffff, v61  }
0x1ee: {  	v32 =	vld.idx.msk [tilespmem:v18+s2+$0x0], $0xffff;
	_ =	sdelay $0x4  }
0x1ef: {  	[tilespmem:v19+s2+$0x0] =	vst.idx.msk $0xffff, v32  }
0x1f0: {  	v32 =	vld.idx.msk [tilespmem:v20+s2+$0x0], $0xffff;
	_ =	sdelay $0x4  }
0x1f1: {  	[tilespmem:v21+s2+$0x0] =	vst.idx.msk $0xffff, v32  }
0x1f2: {  	v32 =	vld.idx.msk [tilespmem:v22+s2+$0x0], $0xffff;
	_ =	sdelay $0x4  }
0x1f3: {  	[tilespmem:v23+s2+$0x0] =	vst.idx.msk $0xffff, v32  }
0x1f4: {  	v32 =	vld.idx.msk [tilespmem:v24+s2+$0x0], $0xffff;
	_ =	sdelay $0x4  }
0x1f5: {  	[tilespmem:v25+s2+$0x0] =	vst.idx.msk $0xffff, v32  }
0x1f6: {  	v32 =	vld.idx.msk [tilespmem:v26+s2+$0x0], $0xffff;
	_ =	sdelay $0x4  }
0x1f7: {  	[tilespmem:v27+s2+$0x0] =	vst.idx.msk $0xffff, v32  }
0x1f8: {  	v32 =	vld.idx.msk [tilespmem:v28+s2+$0x0], $0xffff;
	_ =	sdelay $0x4  }
0x1f9: {  	[tilespmem:v29+s2+$0x0] =	vst.idx.msk $0xffff, v32  }
0x1fa: {  	v32 =	vld.idx.msk [tilespmem:v30+s2+$0x0], $0xffff;
	_ =	sdelay $0x4  }
0x1fb: {  	[tilespmem:v31+s2+$0x0] =	vst.idx.msk $0xffff, v32  }
0x1fc: {  	[hbm4b:s21+s2] =	stream.linear.scatter [tilespmem:s29], [sflag:$0x4], $0x8000, $0x38;
	[tilespmem:$0x10000] =	vst v63  }
0x1fd: {  	_ =	swait.ge [sflag:s31], $0x8000  }
0x1fe: {  	[sflag:s31] =	ssyncset.done $0x0  }
0x1ff: {  	[sflag:s31] =	ssyncadd.s32 $0xFFFF8000  }
0x200: {  	[tilespmem:s2], [sflag:$0x1] =	stream.linear.gather [hbm4b:s22+s2], $0x8000, $0x38;
	[tilespmem:$0x10000] =	vst v63  }
0x201: {  	_ =	swait.ge [sflag:s28], $0x8000  }
0x202: {  	[sflag:s28] =	ssyncset.done $0x0  }
0x203: {  	[sflag:s28] =	ssyncadd.s32 $0xFFFF8000  }
0x204: {  	v62 =	vld.idx.msk [tilespmem:v0+s2+$0x0], $0xffff;
	_ =	sdelay $0x4  }
0x205: {  	[tilespmem:v1+s2+$0x0] =	vst.idx.msk $0xffff, v62  }
0x206: {  	v32 =	vld.idx.msk [tilespmem:v2+s2+$0x0], $0xffff;
	_ =	sdelay $0x4  }
0x207: {  	[tilespmem:v3+s2+$0x0] =	vst.idx.msk $0xffff, v32  }
0x208: {  	v32 =	vld.idx.msk [tilespmem:v4+s2+$0x0], $0xffff;
	_ =	sdelay $0x4  }
0x209: {  	[tilespmem:v5+s2+$0x0] =	vst.idx.msk $0xffff, v32  }
0x20a: {  	v32 =	vld.idx.msk [tilespmem:v6+s2+$0x0], $0xffff;
	_ =	sdelay $0x4  }
0x20b: {  	[tilespmem:v7+s2+$0x0] =	vst.idx.msk $0xffff, v32  }
0x20c: {  	v32 =	vld.idx.msk [tilespmem:v8+s2+$0x0], $0xffff;
	_ =	sdelay $0x4  }
0x20d: {  	[tilespmem:v9+s2+$0x0] =	vst.idx.msk $0xffff, v32  }
0x20e: {  	v32 =	vld.idx.msk [tilespmem:v10+s2+$0x0], $0xffff;
	_ =	sdelay $0x4  }
0x20f: {  	[tilespmem:v11+s2+$0x0] =	vst.idx.msk $0xffff, v32  }
0x210: {  	v32 =	vld.idx.msk [tilespmem:v12+s2+$0x0], $0xffff;
	_ =	sdelay $0x4  }
0x211: {  	[tilespmem:v13+s2+$0x0] =	vst.idx.msk $0xffff, v32  }
0x212: {  	v32 =	vld.idx.msk [tilespmem:v14+s2+$0x0], $0xffff;
	_ =	sdelay $0x4  }
0x213: {  	[tilespmem:v15+s2+$0x0] =	vst.idx.msk $0xffff, v32  }
0x214: {  	[hbm4b:s23+s2] =	stream.linear.scatter [tilespmem:s2], [sflag:$0x3], $0x8000, $0x38;
	[tilespmem:$0x10000] =	vst v63  }
0x215: {  	_ =	swait.ge [sflag:s0], $0x8000  }
0x216: {  	[sflag:s0] =	ssyncset.done $0x0  }
0x217: {  	[sflag:s0] =	ssyncadd.s32 $0xFFFF8000  }
0x218: {  	[tilespmem:s29], [sflag:$0x2] =	stream.linear.gather [hbm4b:s24+s2], $0x8000, $0x38;
	[tilespmem:$0x10000] =	vst v63  }
0x219: {  	_ =	swait.ge [sflag:s30], $0x8000  }
0x21a: {  	[sflag:s30] =	ssyncset.done $0x0  }
0x21b: {  	[sflag:s30] =	ssyncadd.s32 $0xFFFF8000  }
0x21c: {  	v63 =	vld.idx.msk [tilespmem:v16+s2+$0x0], $0xffff;
	_ =	sdelay $0x4  }
0x21d: {  	[tilespmem:v17+s2+$0x0] =	vst.idx.msk $0xffff, v63  }
0x21e: {  	v32 =	vld.idx.msk [tilespmem:v18+s2+$0x0], $0xffff;
	_ =	sdelay $0x4  }
0x21f: {  	[tilespmem:v19+s2+$0x0] =	vst.idx.msk $0xffff, v32  }
0x220: {  	v32 =	vld.idx.msk [tilespmem:v20+s2+$0x0], $0xffff;
	_ =	sdelay $0x4  }
0x221: {  	[tilespmem:v21+s2+$0x0] =	vst.idx.msk $0xffff, v32  }
0x222: {  	v32 =	vld.idx.msk [tilespmem:v22+s2+$0x0], $0xffff;
	_ =	sdelay $0x4  }
0x223: {  	[tilespmem:v23+s2+$0x0] =	vst.idx.msk $0xffff, v32  }
0x224: {  	v32 =	vld.idx.msk [tilespmem:v24+s2+$0x0], $0xffff;
	_ =	sdelay $0x4  }
0x225: {  	[tilespmem:v25+s2+$0x0] =	vst.idx.msk $0xffff, v32  }
0x226: {  	v32 =	vld.idx.msk [tilespmem:v26+s2+$0x0], $0xffff;
	_ =	sdelay $0x4  }
0x227: {  	[tilespmem:v27+s2+$0x0] =	vst.idx.msk $0xffff, v32  }
0x228: {  	v32 =	vld.idx.msk [tilespmem:v28+s2+$0x0], $0xffff;
	_ =	sdelay $0x4  }
0x229: {  	[tilespmem:v29+s2+$0x0] =	vst.idx.msk $0xffff, v32  }
0x22a: {  	v32 =	vld.idx.msk [tilespmem:v30+s2+$0x0], $0xffff;
	_ =	sdelay $0x4  }
0x22b: {  	[tilespmem:v31+s2+$0x0] =	vst.idx.msk $0xffff, v32  }
0x22c: {  	[hbm4b:s25+s2] =	stream.linear.scatter [tilespmem:s29], [sflag:$0x4], $0x8000, $0x38;
	[tilespmem:$0x10000] =	vst v63  }
0x22d: {  	p0 =	sne.s32 s26, $0x1;
	_ =	swait.ge [sflag:s31], $0x8000  }
.Ltmp0:
0x22e: {  	[sflag:s31] =	ssyncset.done $0x0;
	(pc) =	sbr.rel @p0 .LBB2_1-.Ltmp0, $4  }
0x22f: {  	[sflag:s31] =	ssyncadd.s32 $0xFFFF8000  }
0x230: {  	_ =	swait.ge [sflag:s0], $0x8000  }
0x231: {  	[sflag:s0] =	ssyncset.done $0x0  }
0x232: {  	s26 =	sadd.s32 $0xFFFFFFFF, s26;
	[sflag:s0] =	ssyncadd.s32 $0xFFFF8000  }
0x233: {  	_ =	sfence.sel $0x180000  }
0x234: {  	[bflag:$0x0] =	sbarrier.arrive $0xFFFF  }
0x235: {  	_ =	strace $0x90000047  }
0x236: {  	s0 =	stileid.u32;
	[bflag:$0x2] =	sbarrier.arrive $0xFFFF  }
0x237: {  	p0 =	sne.s32 s0, $0x0;
	s0 =	rddreg [dreg:$0x2]  }
0x238: {  	s0 =	sadd.s32 @!p0 $0x100000, s0  }
0x239: {  	[sflag:s0] =	ssyncadd.tile.s32 @!p0 $0x1;
	_ =	shalt  }
.Lfunc_end2:
_tile_overlayer_lowered:
.L_overlay_start_2:
0x23a: {  	(tag) =	ssettag $0x2  }
0x23b: {  	s0 =	rddreg [dreg:$0x0];
	s2 =	stileid.u32  }
0x23c: {  	s1 =	rddreg [dreg:$0x1];
	p0 =	sne.s32 s2, $0x0  }
0x23d: {  	s3 =	rddreg [dreg:$0x2];
	[bflag:$0x3] =	sbarrier.arrive $0xFFFF;
	s2 =	simm.s32 @!p0 $0x1C05  }
0x23e: {  	[timem:s3], [sflag:s2] =	dma.local @!p0 [hbm:s0], s1  }
0x23f: {  	s0 =	simm.s32 @!p0 $0x5  }
0x240: {  	_ =	swait.ge @!p0 [sflag:s0], s1  }
0x241: {  	s1 =	ssub.s32 @!p0 $0x0, s1;
	[sflag:s0] =	ssyncset.done @!p0 $0x0  }
0x242: {  	[sflag:s0] =	ssyncadd.s32 @!p0 s1  }
0x243: {  	[bflag:$0x3] =	sbarrier.arrive $0xFFFF  }
0x244: {  	_ =	shalt  }

</sc_bundles>
